<compile_context>
chip_gen: v7x
topology: tpu7x:2x2x1
jax: 0.10.2.dev20260603
libtpu: 0.0.44.dev20260713+nightly
codegen_flags: <defaults>
</compile_context>

<pallas_src>
import functools

import jax
import jax.numpy as jnp
from jax import lax
from jax.experimental import pallas as pl
from jax.experimental.pallas import tpu as pltpu
from jax.experimental.pallas import tpu_sc as plsc

_NC = 2
_NS = 16
_NW = _NC * _NS
_LANES = 16


def _make_lookup(hist, batch, emb_dim):
    cols = batch // _NW
    rows = 8
    n_chunks = hist // rows
    n_pairs = n_chunks // 2
    has_tail = n_chunks % 2 == 1
    cvecs = cols // _LANES

    mesh = plsc.VectorSubcoreMesh(core_axis_name="c", subcore_axis_name="s")

    @functools.partial(
        pl.kernel,
        out_type=jax.ShapeDtypeStruct((emb_dim, hist, batch), jnp.float32),
        scratch_types=[
            pltpu.VMEM((3, 10), jnp.float32),
            [pltpu.VMEM((rows, cols), jnp.int32) for _ in range(2)],
            [pltpu.VMEM((emb_dim, rows, cols), jnp.float32) for _ in range(2)],
            [pltpu.SemaphoreType.DMA for _ in range(2)],
            [pltpu.SemaphoreType.DMA for _ in range(2)],
        ],
        mesh=mesh,
        compiler_params=pltpu.CompilerParams(needs_layout_passes=False, skip_device_barrier=True),
    )
    def lookup(idx_hbm, w_hbm, out_hbm, tab, ibufs, obufs, sins, souts):
        wid = lax.axis_index("s") * _NC + lax.axis_index("c")
        col0 = wid * cols
        pltpu.sync_copy(w_hbm, tab)
        rowsel = [jnp.full((_LANES,), d, jnp.int32) for d in range(emb_dim)]

        def in_desc(k, b):
            return pltpu.make_async_copy(
                idx_hbm.at[pl.ds(k * rows, rows), pl.ds(col0, cols)],
                ibufs[b], sins[b])

        def out_desc(k, b):
            return pltpu.make_async_copy(
                obufs[b],
                out_hbm.at[:, pl.ds(k * rows, rows), pl.ds(col0, cols)],
                souts[b])

        def compute(b):
            ib = ibufs[b]
            ob = obufs[b]

            @plsc.parallel_loop(0, cvecs, unroll=2)
            def cbody(c):
                base = c * _LANES
                for r in range(rows):
                    idx = ib[r, pl.ds(base, _LANES)]
                    for d in range(emb_dim):
                        ob[d, r, pl.ds(base, _LANES)] = plsc.load_gather(
                            tab, [rowsel[d], idx])

        in_desc(0, 0).start()

        def pair(p, carry):
            for b in (0, 1):
                k = 2 * p + b

                @pl.when(k + 1 < n_chunks)
                def _():
                    in_desc(k + 1, 1 - b).start()

                in_desc(k, b).wait()

                @pl.when(k >= 2)
                def _():
                    out_desc(k - 2, b).wait()

                compute(b)
                out_desc(k, b).start()
            return carry

        lax.fori_loop(0, n_pairs, pair, 0)

        if has_tail:
            k = n_chunks - 1
            in_desc(k, 0).wait()
            out_desc(k - 2, 0).wait()
            compute(0)
            out_desc(k, 0).start()
            out_desc(k - 1, 1).wait()
            out_desc(k, 0).wait()
        else:
            out_desc(n_chunks - 2, 0).wait()
            out_desc(n_chunks - 1, 1).wait()

    return lookup


def kernel(input, weight):
    b, h = input.shape
    num_emb, emb_dim = weight.shape
    assert b % (_NW * _LANES) == 0 and h % 8 == 0 and num_emb <= _LANES

    idx_t = input.T.astype(jnp.int32)
    w_t = weight.T

    out = _make_lookup(h, b, emb_dim)(idx_t, w_t)
    return jnp.transpose(out, (2, 1, 0))

# --- scband reference (transcript-rebuilt; emitter-appended) ---
"""Pipeline reference for scband-model-39986145525982 (READ-ONLY COPY).

The authoritative reference and input builder live on the scoring server;
editing this copy changes nothing except your own understanding.
"""

import jax, jax.numpy as jnp
import numpy as np

NUM_EMBEDDINGS = 10
EMBEDDING_DIM = 3
BATCH = 16384
HIST = 200

def setup_inputs(seed: int = 0) -> dict:
    key = jax.random.key(seed)
    k_idx, k_w = jax.random.split(key)
    input_idx = jax.random.randint(k_idx, (BATCH, HIST), 0, NUM_EMBEDDINGS, dtype=jnp.int64 if jax.config.read('jax_enable_x64') else jnp.int32)
    weight = jax.random.normal(k_w, (NUM_EMBEDDINGS, EMBEDDING_DIM), dtype=jnp.float32)
    return {"input": input_idx, "weight": weight}

def reference(input, weight):
    # Model.forward: embedding lookup (NoSoftUpdateEmbedding behaves like nn.Embedding in forward)
    return jnp.take(weight, input, axis=0)

if __name__ == "__main__":
    import jax
    _d = setup_inputs()
    print(jax.jit(kernel)(*tuple(_d.values())))

</pallas_src>

<mosaic_0001>
#map = affine_map<(d0, d1) -> (0, 0)>
#map1 = affine_map<(d0, d1) -> (0, 0, 0)>
module attributes {stable_mosaic.version = 14 : i64} {
  func.func @lookup(%arg0: i32, %arg1: i32, %arg2: memref<200x16384xi32, #tpu.memory_space<hbm>>, %arg3: memref<3x10xf32, #tpu.memory_space<hbm>>, %arg4: memref<3x200x16384xf32, #tpu.memory_space<hbm>>, %arg5: memref<3x10xf32, #tpu.memory_space<vmem>>, %arg6: memref<8x512xi32, #tpu.memory_space<vmem>>, %arg7: memref<8x512xi32, #tpu.memory_space<vmem>>, %arg8: memref<3x8x512xf32, #tpu.memory_space<vmem>>, %arg9: memref<3x8x512xf32, #tpu.memory_space<vmem>>, %arg10: memref<!tpu.dma_semaphore, #tpu.memory_space<semaphore_mem>>, %arg11: memref<!tpu.dma_semaphore, #tpu.memory_space<semaphore_mem>>, %arg12: memref<!tpu.dma_semaphore, #tpu.memory_space<semaphore_mem>>, %arg13: memref<!tpu.dma_semaphore, #tpu.memory_space<semaphore_mem>>) attributes {dimension_semantics = [#tpu.dimension_semantics<core_parallel>, #tpu.dimension_semantics<subcore_parallel>], iteration_bounds = array<i64: 2, 16>, scalar_prefetch = 0 : i64, scratch_operands = 9 : i64, tpu.core_type = #tpu.core_type<sc_vector_subcore>, window_params = [{transform_indices = #map}, {transform_indices = #map}, {transform_indices = #map1}]} {
    %mul3A = arith.constant 2 : i32
    %mul3A_0 = arith.muli %arg1, %mul3A : i32
    %add3A = arith.addi %mul3A_0, %arg0 : i32
    %mul3A_1 = arith.constant 512 : i32
    %mul3A_2 = arith.muli %add3A, %mul3A_1 : i32
    "tpu.region"() ({
      %run_scoped3A = tpu.sem_alloc : memref<!tpu.dma_semaphore, #tpu.memory_space<semaphore_mem>>
      tpu.enqueue_dma source(%arg3 : memref<3x10xf32, #tpu.memory_space<hbm>>) target(%arg5 : memref<3x10xf32, #tpu.memory_space<vmem>>) target_semaphore(%run_scoped3A : memref<!tpu.dma_semaphore, #tpu.memory_space<semaphore_mem>>)
      tpu.wait_dma2 semaphore(%run_scoped3A : memref<!tpu.dma_semaphore, #tpu.memory_space<semaphore_mem>>) src(%arg3 : memref<3x10xf32, #tpu.memory_space<hbm>>) dst(%arg5 : memref<3x10xf32, #tpu.memory_space<vmem>>)
      tpu.yield
    }) : () -> ()
    %broadcast_in_dim3A = arith.constant 0 : i32
    %broadcast_in_dim3A_3 = vector.broadcast %broadcast_in_dim3A : i32 to vector<16xi32>
    %broadcast_in_dim3A_4 = arith.constant 1 : i32
    %broadcast_in_dim3A_5 = vector.broadcast %broadcast_in_dim3A_4 : i32 to vector<16xi32>
    %broadcast_in_dim3A_6 = arith.constant 2 : i32
    %broadcast_in_dim3A_7 = vector.broadcast %broadcast_in_dim3A_6 : i32 to vector<16xi32>
    %dma_start3A = arith.constant 0 : i32
    %dma_start3A_8 = tpu.memref_slice %arg2[%dma_start3A, %mul3A_2] : memref<200x16384xi32, #tpu.memory_space<hbm>> -> memref<8x512xi32, #tpu.memory_space<hbm>>
    %dma_start3A_9 = arith.constant 0 : i32
    %dma_start3A_10 = tpu.memref_slice %arg2[%dma_start3A_9, %mul3A_2] : memref<200x16384xi32, #tpu.memory_space<hbm>> -> memref<8x512xi32, #tpu.memory_space<hbm>>
    tpu.enqueue_dma source(%dma_start3A_10 : memref<8x512xi32, #tpu.memory_space<hbm>>) target(%arg6 : memref<8x512xi32, #tpu.memory_space<vmem>>) target_semaphore(%arg10 : memref<!tpu.dma_semaphore, #tpu.memory_space<semaphore_mem>>)
    %scan3A = arith.constant 0 : i32
    %scan3A_11 = arith.constant 0 : i32
    %scan3A_12 = arith.constant 12 : i32
    %scan3A_13 = arith.addi %scan3A_11, %scan3A_12 : i32
    %scan3A_14 = arith.constant 1 : i32
    scf.for %scan3A_45 = %scan3A_11 to %scan3A_13 step %scan3A_14  : i32 {
      %mul3A_46 = arith.constant 2 : i32
      %mul3A_47 = arith.muli %mul3A_46, %scan3A_45 : i32
      %add3A_48 = arith.constant 0 : i32
      %add3A_49 = arith.addi %mul3A_47, %add3A_48 : i32
      %add3A_50 = arith.constant 1 : i32
      %add3A_51 = arith.addi %add3A_49, %add3A_50 : i32
      %lt3A = arith.constant 25 : i32
      %lt3A_52 = arith.cmpi slt, %add3A_51, %lt3A : i32
      %convert_element_type3A = arith.extui %lt3A_52 : i1 to i32
      %cond3A = arith.constant 0 : i32
      %cond3A_53 = arith.cmpi ne, %convert_element_type3A, %cond3A : i32
      scf.if %cond3A_53 {
        %add3A_100 = arith.constant 1 : i32
        %add3A_101 = arith.addi %add3A_49, %add3A_100 : i32
        %mul3A_102 = arith.constant 8 : i32
        %mul3A_103 = arith.muli %add3A_101, %mul3A_102 : i32
        %dma_start3A_104 = tpu.memref_slice %arg2[%mul3A_103, %mul3A_2] : memref<200x16384xi32, #tpu.memory_space<hbm>> -> memref<8x512xi32, #tpu.memory_space<hbm>>
        %dma_start3A_105 = tpu.memref_slice %arg2[%mul3A_103, %mul3A_2] : memref<200x16384xi32, #tpu.memory_space<hbm>> -> memref<8x512xi32, #tpu.memory_space<hbm>>
        tpu.enqueue_dma source(%dma_start3A_105 : memref<8x512xi32, #tpu.memory_space<hbm>>) target(%arg7 : memref<8x512xi32, #tpu.memory_space<vmem>>) target_semaphore(%arg11 : memref<!tpu.dma_semaphore, #tpu.memory_space<semaphore_mem>>)
      } else {
      }
      %mul3A_54 = arith.constant 8 : i32
      %mul3A_55 = arith.muli %add3A_49, %mul3A_54 : i32
      %dma_wait3A_56 = tpu.memref_slice %arg2[%mul3A_55, %mul3A_2] : memref<200x16384xi32, #tpu.memory_space<hbm>> -> memref<8x512xi32, #tpu.memory_space<hbm>>
      %dma_wait3A_57 = tpu.memref_slice %arg2[%mul3A_55, %mul3A_2] : memref<200x16384xi32, #tpu.memory_space<hbm>> -> memref<8x512xi32, #tpu.memory_space<hbm>>
      tpu.wait_dma2 semaphore(%arg10 : memref<!tpu.dma_semaphore, #tpu.memory_space<semaphore_mem>>) src(%dma_wait3A_57 : memref<8x512xi32, #tpu.memory_space<hbm>>) dst(%arg6 : memref<8x512xi32, #tpu.memory_space<vmem>>)
      %ge3A = arith.constant 2 : i32
      %ge3A_58 = arith.cmpi sge, %add3A_49, %ge3A : i32
      %convert_element_type3A_59 = arith.extui %ge3A_58 : i1 to i32
      %cond3A_60 = arith.constant 0 : i32
      %cond3A_61 = arith.cmpi ne, %convert_element_type3A_59, %cond3A_60 : i32
      scf.if %cond3A_61 {
        %sub3A = arith.constant 2 : i32
        %sub3A_100 = arith.subi %add3A_49, %sub3A : i32
        %mul3A_101 = arith.constant 8 : i32
        %mul3A_102 = arith.muli %sub3A_100, %mul3A_101 : i32
        %dma_wait3A_103 = arith.constant 0 : i32
        %dma_wait3A_104 = tpu.memref_slice %arg4[%dma_wait3A_103, %mul3A_102, %mul3A_2] : memref<3x200x16384xf32, #tpu.memory_space<hbm>> -> memref<3x8x512xf32, #tpu.memory_space<hbm>>
        %dma_wait3A_105 = arith.constant 0 : i32
        %dma_wait3A_106 = tpu.memref_slice %arg4[%dma_wait3A_105, %mul3A_102, %mul3A_2] : memref<3x200x16384xf32, #tpu.memory_space<hbm>> -> memref<3x8x512xf32, #tpu.memory_space<hbm>>
        tpu.wait_dma2 semaphore(%arg12 : memref<!tpu.dma_semaphore, #tpu.memory_space<semaphore_mem>>) src(%arg8 : memref<3x8x512xf32, #tpu.memory_space<vmem>>) dst(%dma_wait3A_106 : memref<3x8x512xf32, #tpu.memory_space<hbm>>)
      } else {
      }
      %parallel_loop3A_62 = arith.constant 0 : i32
      %parallel_loop3A_63 = arith.constant 32 : i32
      %parallel_loop3A_64 = arith.constant 1 : i32
      scf.for %parallel_loop3A_100 = %parallel_loop3A_62 to %parallel_loop3A_63 step %parallel_loop3A_64  : i32 {
        %parallel_loop3A_101 = arith.constant 16 : i32
        %parallel_loop3A_102 = arith.muli %parallel_loop3A_100, %parallel_loop3A_101 : i32
        %parallel_loop3A_103 = arith.constant 0 : i32
        %parallel_loop3A_104 = arith.index_cast %parallel_loop3A_103 : i32 to index
        %parallel_loop3A_105 = arith.index_cast %parallel_loop3A_102 : i32 to index
        %parallel_loop3A_106 = tpu.vector_load %arg6[%parallel_loop3A_104, %parallel_loop3A_105] {strides = array<i32>} : memref<8x512xi32, #tpu.memory_space<vmem>>, vector<16xi32>,
        %parallel_loop3A_107 = tpu.vector_load_idx %arg5[%broadcast_in_dim3A_3, %parallel_loop3A_106] : memref<3x10xf32, #tpu.memory_space<vmem>>[vector<16xi32>, vector<16xi32>], vector<16xf32>,
        %parallel_loop3A_108 = arith.constant 0 : i32
        %parallel_loop3A_109 = arith.constant 0 : i32
        %parallel_loop3A_110 = arith.index_cast %parallel_loop3A_108 : i32 to index
        %parallel_loop3A_111 = arith.index_cast %parallel_loop3A_109 : i32 to index
        %parallel_loop3A_112 = arith.index_cast %parallel_loop3A_102 : i32 to index
        %parallel_loop3A_113 = tpu.vector_load %arg8[%parallel_loop3A_110, %parallel_loop3A_111, %parallel_loop3A_112] {strides = array<i32>} : memref<3x8x512xf32, #tpu.memory_space<vmem>>, vector<16xf32>,
        tpu.vector_store %arg8[%parallel_loop3A_110, %parallel_loop3A_111, %parallel_loop3A_112], %parallel_loop3A_107 {strides = array<i32>} : memref<3x8x512xf32, #tpu.memory_space<vmem>>, vector<16xf32>,
        %parallel_loop3A_114 = tpu.vector_load_idx %arg5[%broadcast_in_dim3A_5, %parallel_loop3A_106] : memref<3x10xf32, #tpu.memory_space<vmem>>[vector<16xi32>, vector<16xi32>], vector<16xf32>,
        %parallel_loop3A_115 = arith.constant 1 : i32
        %parallel_loop3A_116 = arith.constant 0 : i32
        %parallel_loop3A_117 = arith.index_cast %parallel_loop3A_115 : i32 to index
        %parallel_loop3A_118 = arith.index_cast %parallel_loop3A_116 : i32 to index
        %parallel_loop3A_119 = arith.index_cast %parallel_loop3A_102 : i32 to index
        %parallel_loop3A_120 = tpu.vector_load %arg8[%parallel_loop3A_117, %parallel_loop3A_118, %parallel_loop3A_119] {strides = array<i32>} : memref<3x8x512xf32, #tpu.memory_space<vmem>>, vector<16xf32>,
        tpu.vector_store %arg8[%parallel_loop3A_117, %parallel_loop3A_118, %parallel_loop3A_119], %parallel_loop3A_114 {strides = array<i32>} : memref<3x8x512xf32, #tpu.memory_space<vmem>>, vector<16xf32>,
        %parallel_loop3A_121 = tpu.vector_load_idx %arg5[%broadcast_in_dim3A_7, %parallel_loop3A_106] : memref<3x10xf32, #tpu.memory_space<vmem>>[vector<16xi32>, vector<16xi32>], vector<16xf32>,
        %parallel_loop3A_122 = arith.constant 2 : i32
        %parallel_loop3A_123 = arith.constant 0 : i32
        %parallel_loop3A_124 = arith.index_cast %parallel_loop3A_122 : i32 to index
        %parallel_loop3A_125 = arith.index_cast %parallel_loop3A_123 : i32 to index
        %parallel_loop3A_126 = arith.index_cast %parallel_loop3A_102 : i32 to index
        %parallel_loop3A_127 = tpu.vector_load %arg8[%parallel_loop3A_124, %parallel_loop3A_125, %parallel_loop3A_126] {strides = array<i32>} : memref<3x8x512xf32, #tpu.memory_space<vmem>>, vector<16xf32>,
        tpu.vector_store %arg8[%parallel_loop3A_124, %parallel_loop3A_125, %parallel_loop3A_126], %parallel_loop3A_121 {strides = array<i32>} : memref<3x8x512xf32, #tpu.memory_space<vmem>>, vector<16xf32>,
        %parallel_loop3A_128 = arith.constant 1 : i32
        %parallel_loop3A_129 = arith.index_cast %parallel_loop3A_128 : i32 to index
        %parallel_loop3A_130 = arith.index_cast %parallel_loop3A_102 : i32 to index
        %parallel_loop3A_131 = tpu.vector_load %arg6[%parallel_loop3A_129, %parallel_loop3A_130] {strides = array<i32>} : memref<8x512xi32, #tpu.memory_space<vmem>>, vector<16xi32>,
        %parallel_loop3A_132 = tpu.vector_load_idx %arg5[%broadcast_in_dim3A_3, %parallel_loop3A_131] : memref<3x10xf32, #tpu.memory_space<vmem>>[vector<16xi32>, vector<16xi32>], vector<16xf32>,
        %parallel_loop3A_133 = arith.constant 0 : i32
        %parallel_loop3A_134 = arith.constant 1 : i32
        %parallel_loop3A_135 = arith.index_cast %parallel_loop3A_133 : i32 to index
        %parallel_loop3A_136 = arith.index_cast %parallel_loop3A_134 : i32 to index
        %parallel_loop3A_137 = arith.index_cast %parallel_loop3A_102 : i32 to index
        %parallel_loop3A_138 = tpu.vector_load %arg8[%parallel_loop3A_135, %parallel_loop3A_136, %parallel_loop3A_137] {strides = array<i32>} : memref<3x8x512xf32, #tpu.memory_space<vmem>>, vector<16xf32>,
        tpu.vector_store %arg8[%parallel_loop3A_135, %parallel_loop3A_136, %parallel_loop3A_137], %parallel_loop3A_132 {strides = array<i32>} : memref<3x8x512xf32, #tpu.memory_space<vmem>>, vector<16xf32>,
        %parallel_loop3A_139 = tpu.vector_load_idx %arg5[%broadcast_in_dim3A_5, %parallel_loop3A_131] : memref<3x10xf32, #tpu.memory_space<vmem>>[vector<16xi32>, vector<16xi32>], vector<16xf32>,
        %parallel_loop3A_140 = arith.constant 1 : i32
        %parallel_loop3A_141 = arith.constant 1 : i32
        %parallel_loop3A_142 = arith.index_cast %parallel_loop3A_140 : i32 to index
        %parallel_loop3A_143 = arith.index_cast %parallel_loop3A_141 : i32 to index
        %parallel_loop3A_144 = arith.index_cast %parallel_loop3A_102 : i32 to index
        %parallel_loop3A_145 = tpu.vector_load %arg8[%parallel_loop3A_142, %parallel_loop3A_143, %parallel_loop3A_144] {strides = array<i32>} : memref<3x8x512xf32, #tpu.memory_space<vmem>>, vector<16xf32>,
        tpu.vector_store %arg8[%parallel_loop3A_142, %parallel_loop3A_143, %parallel_loop3A_144], %parallel_loop3A_139 {strides = array<i32>} : memref<3x8x512xf32, #tpu.memory_space<vmem>>, vector<16xf32>,
        %parallel_loop3A_146 = tpu.vector_load_idx %arg5[%broadcast_in_dim3A_7, %parallel_loop3A_131] : memref<3x10xf32, #tpu.memory_space<vmem>>[vector<16xi32>, vector<16xi32>], vector<16xf32>,
        %parallel_loop3A_147 = arith.constant 2 : i32
        %parallel_loop3A_148 = arith.constant 1 : i32
        %parallel_loop3A_149 = arith.index_cast %parallel_loop3A_147 : i32 to index
        %parallel_loop3A_150 = arith.index_cast %parallel_loop3A_148 : i32 to index
        %parallel_loop3A_151 = arith.index_cast %parallel_loop3A_102 : i32 to index
        %parallel_loop3A_152 = tpu.vector_load %arg8[%parallel_loop3A_149, %parallel_loop3A_150, %parallel_loop3A_151] {strides = array<i32>} : memref<3x8x512xf32, #tpu.memory_space<vmem>>, vector<16xf32>,
        tpu.vector_store %arg8[%parallel_loop3A_149, %parallel_loop3A_150, %parallel_loop3A_151], %parallel_loop3A_146 {strides = array<i32>} : memref<3x8x512xf32, #tpu.memory_space<vmem>>, vector<16xf32>,
        %parallel_loop3A_153 = arith.constant 2 : i32
        %parallel_loop3A_154 = arith.index_cast %parallel_loop3A_153 : i32 to index
        %parallel_loop3A_155 = arith.index_cast %parallel_loop3A_102 : i32 to index
        %parallel_loop3A_156 = tpu.vector_load %arg6[%parallel_loop3A_154, %parallel_loop3A_155] {strides = array<i32>} : memref<8x512xi32, #tpu.memory_space<vmem>>, vector<16xi32>,
        %parallel_loop3A_157 = tpu.vector_load_idx %arg5[%broadcast_in_dim3A_3, %parallel_loop3A_156] : memref<3x10xf32, #tpu.memory_space<vmem>>[vector<16xi32>, vector<16xi32>], vector<16xf32>,
        %parallel_loop3A_158 = arith.constant 0 : i32
        %parallel_loop3A_159 = arith.constant 2 : i32
        %parallel_loop3A_160 = arith.index_cast %parallel_loop3A_158 : i32 to index
        %parallel_loop3A_161 = arith.index_cast %parallel_loop3A_159 : i32 to index
        %parallel_loop3A_162 = arith.index_cast %parallel_loop3A_102 : i32 to index
        %parallel_loop3A_163 = tpu.vector_load %arg8[%parallel_loop3A_160, %parallel_loop3A_161, %parallel_loop3A_162] {strides = array<i32>} : memref<3x8x512xf32, #tpu.memory_space<vmem>>, vector<16xf32>,
        tpu.vector_store %arg8[%parallel_loop3A_160, %parallel_loop3A_161, %parallel_loop3A_162], %parallel_loop3A_157 {strides = array<i32>} : memref<3x8x512xf32, #tpu.memory_space<vmem>>, vector<16xf32>,
        %parallel_loop3A_164 = tpu.vector_load_idx %arg5[%broadcast_in_dim3A_5, %parallel_loop3A_156] : memref<3x10xf32, #tpu.memory_space<vmem>>[vector<16xi32>, vector<16xi32>], vector<16xf32>,
        %parallel_loop3A_165 = arith.constant 1 : i32
        %parallel_loop3A_166 = arith.constant 2 : i32
        %parallel_loop3A_167 = arith.index_cast %parallel_loop3A_165 : i32 to index
        %parallel_loop3A_168 = arith.index_cast %parallel_loop3A_166 : i32 to index
        %parallel_loop3A_169 = arith.index_cast %parallel_loop3A_102 : i32 to index
        %parallel_loop3A_170 = tpu.vector_load %arg8[%parallel_loop3A_167, %parallel_loop3A_168, %parallel_loop3A_169] {strides = array<i32>} : memref<3x8x512xf32, #tpu.memory_space<vmem>>, vector<16xf32>,
        tpu.vector_store %arg8[%parallel_loop3A_167, %parallel_loop3A_168, %parallel_loop3A_169], %parallel_loop3A_164 {strides = array<i32>} : memref<3x8x512xf32, #tpu.memory_space<vmem>>, vector<16xf32>,
        %parallel_loop3A_171 = tpu.vector_load_idx %arg5[%broadcast_in_dim3A_7, %parallel_loop3A_156] : memref<3x10xf32, #tpu.memory_space<vmem>>[vector<16xi32>, vector<16xi32>], vector<16xf32>,
        %parallel_loop3A_172 = arith.constant 2 : i32
        %parallel_loop3A_173 = arith.constant 2 : i32
        %parallel_loop3A_174 = arith.index_cast %parallel_loop3A_172 : i32 to index
        %parallel_loop3A_175 = arith.index_cast %parallel_loop3A_173 : i32 to index
        %parallel_loop3A_176 = arith.index_cast %parallel_loop3A_102 : i32 to index
        %parallel_loop3A_177 = tpu.vector_load %arg8[%parallel_loop3A_174, %parallel_loop3A_175, %parallel_loop3A_176] {strides = array<i32>} : memref<3x8x512xf32, #tpu.memory_space<vmem>>, vector<16xf32>,
        tpu.vector_store %arg8[%parallel_loop3A_174, %parallel_loop3A_175, %parallel_loop3A_176], %parallel_loop3A_171 {strides = array<i32>} : memref<3x8x512xf32, #tpu.memory_space<vmem>>, vector<16xf32>,
        %parallel_loop3A_178 = arith.constant 3 : i32
        %parallel_loop3A_179 = arith.index_cast %parallel_loop3A_178 : i32 to index
        %parallel_loop3A_180 = arith.index_cast %parallel_loop3A_102 : i32 to index
        %parallel_loop3A_181 = tpu.vector_load %arg6[%parallel_loop3A_179, %parallel_loop3A_180] {strides = array<i32>} : memref<8x512xi32, #tpu.memory_space<vmem>>, vector<16xi32>,
        %parallel_loop3A_182 = tpu.vector_load_idx %arg5[%broadcast_in_dim3A_3, %parallel_loop3A_181] : memref<3x10xf32, #tpu.memory_space<vmem>>[vector<16xi32>, vector<16xi32>], vector<16xf32>,
        %parallel_loop3A_183 = arith.constant 0 : i32
        %parallel_loop3A_184 = arith.constant 3 : i32
        %parallel_loop3A_185 = arith.index_cast %parallel_loop3A_183 : i32 to index
        %parallel_loop3A_186 = arith.index_cast %parallel_loop3A_184 : i32 to index
        %parallel_loop3A_187 = arith.index_cast %parallel_loop3A_102 : i32 to index
        %parallel_loop3A_188 = tpu.vector_load %arg8[%parallel_loop3A_185, %parallel_loop3A_186, %parallel_loop3A_187] {strides = array<i32>} : memref<3x8x512xf32, #tpu.memory_space<vmem>>, vector<16xf32>,
        tpu.vector_store %arg8[%parallel_loop3A_185, %parallel_loop3A_186, %parallel_loop3A_187], %parallel_loop3A_182 {strides = array<i32>} : memref<3x8x512xf32, #tpu.memory_space<vmem>>, vector<16xf32>,
        %parallel_loop3A_189 = tpu.vector_load_idx %arg5[%broadcast_in_dim3A_5, %parallel_loop3A_181] : memref<3x10xf32, #tpu.memory_space<vmem>>[vector<16xi32>, vector<16xi32>], vector<16xf32>,
        %parallel_loop3A_190 = arith.constant 1 : i32
        %parallel_loop3A_191 = arith.constant 3 : i32
        %parallel_loop3A_192 = arith.index_cast %parallel_loop3A_190 : i32 to index
        %parallel_loop3A_193 = arith.index_cast %parallel_loop3A_191 : i32 to index
        %parallel_loop3A_194 = arith.index_cast %parallel_loop3A_102 : i32 to index
        %parallel_loop3A_195 = tpu.vector_load %arg8[%parallel_loop3A_192, %parallel_loop3A_193, %parallel_loop3A_194] {strides = array<i32>} : memref<3x8x512xf32, #tpu.memory_space<vmem>>, vector<16xf32>,
        tpu.vector_store %arg8[%parallel_loop3A_192, %parallel_loop3A_193, %parallel_loop3A_194], %parallel_loop3A_189 {strides = array<i32>} : memref<3x8x512xf32, #tpu.memory_space<vmem>>, vector<16xf32>,
        %parallel_loop3A_196 = tpu.vector_load_idx %arg5[%broadcast_in_dim3A_7, %parallel_loop3A_181] : memref<3x10xf32, #tpu.memory_space<vmem>>[vector<16xi32>, vector<16xi32>], vector<16xf32>,
        %parallel_loop3A_197 = arith.constant 2 : i32
        %parallel_loop3A_198 = arith.constant 3 : i32
        %parallel_loop3A_199 = arith.index_cast %parallel_loop3A_197 : i32 to index
        %parallel_loop3A_200 = arith.index_cast %parallel_loop3A_198 : i32 to index
        %parallel_loop3A_201 = arith.index_cast %parallel_loop3A_102 : i32 to index
        %parallel_loop3A_202 = tpu.vector_load %arg8[%parallel_loop3A_199, %parallel_loop3A_200, %parallel_loop3A_201] {strides = array<i32>} : memref<3x8x512xf32, #tpu.memory_space<vmem>>, vector<16xf32>,
        tpu.vector_store %arg8[%parallel_loop3A_199, %parallel_loop3A_200, %parallel_loop3A_201], %parallel_loop3A_196 {strides = array<i32>} : memref<3x8x512xf32, #tpu.memory_space<vmem>>, vector<16xf32>,
        %parallel_loop3A_203 = arith.constant 4 : i32
        %parallel_loop3A_204 = arith.index_cast %parallel_loop3A_203 : i32 to index
        %parallel_loop3A_205 = arith.index_cast %parallel_loop3A_102 : i32 to index
        %parallel_loop3A_206 = tpu.vector_load %arg6[%parallel_loop3A_204, %parallel_loop3A_205] {strides = array<i32>} : memref<8x512xi32, #tpu.memory_space<vmem>>, vector<16xi32>,
        %parallel_loop3A_207 = tpu.vector_load_idx %arg5[%broadcast_in_dim3A_3, %parallel_loop3A_206] : memref<3x10xf32, #tpu.memory_space<vmem>>[vector<16xi32>, vector<16xi32>], vector<16xf32>,
        %parallel_loop3A_208 = arith.constant 0 : i32
        %parallel_loop3A_209 = arith.constant 4 : i32
        %parallel_loop3A_210 = arith.index_cast %parallel_loop3A_208 : i32 to index
        %parallel_loop3A_211 = arith.index_cast %parallel_loop3A_209 : i32 to index
        %parallel_loop3A_212 = arith.index_cast %parallel_loop3A_102 : i32 to index
        %parallel_loop3A_213 = tpu.vector_load %arg8[%parallel_loop3A_210, %parallel_loop3A_211, %parallel_loop3A_212] {strides = array<i32>} : memref<3x8x512xf32, #tpu.memory_space<vmem>>, vector<16xf32>,
        tpu.vector_store %arg8[%parallel_loop3A_210, %parallel_loop3A_211, %parallel_loop3A_212], %parallel_loop3A_207 {strides = array<i32>} : memref<3x8x512xf32, #tpu.memory_space<vmem>>, vector<16xf32>,
        %parallel_loop3A_214 = tpu.vector_load_idx %arg5[%broadcast_in_dim3A_5, %parallel_loop3A_206] : memref<3x10xf32, #tpu.memory_space<vmem>>[vector<16xi32>, vector<16xi32>], vector<16xf32>,
        %parallel_loop3A_215 = arith.constant 1 : i32
        %parallel_loop3A_216 = arith.constant 4 : i32
        %parallel_loop3A_217 = arith.index_cast %parallel_loop3A_215 : i32 to index
        %parallel_loop3A_218 = arith.index_cast %parallel_loop3A_216 : i32 to index
        %parallel_loop3A_219 = arith.index_cast %parallel_loop3A_102 : i32 to index
        %parallel_loop3A_220 = tpu.vector_load %arg8[%parallel_loop3A_217, %parallel_loop3A_218, %parallel_loop3A_219] {strides = array<i32>} : memref<3x8x512xf32, #tpu.memory_space<vmem>>, vector<16xf32>,
        tpu.vector_store %arg8[%parallel_loop3A_217, %parallel_loop3A_218, %parallel_loop3A_219], %parallel_loop3A_214 {strides = array<i32>} : memref<3x8x512xf32, #tpu.memory_space<vmem>>, vector<16xf32>,
        %parallel_loop3A_221 = tpu.vector_load_idx %arg5[%broadcast_in_dim3A_7, %parallel_loop3A_206] : memref<3x10xf32, #tpu.memory_space<vmem>>[vector<16xi32>, vector<16xi32>], vector<16xf32>,
        %parallel_loop3A_222 = arith.constant 2 : i32
        %parallel_loop3A_223 = arith.constant 4 : i32
        %parallel_loop3A_224 = arith.index_cast %parallel_loop3A_222 : i32 to index
        %parallel_loop3A_225 = arith.index_cast %parallel_loop3A_223 : i32 to index
        %parallel_loop3A_226 = arith.index_cast %parallel_loop3A_102 : i32 to index
        %parallel_loop3A_227 = tpu.vector_load %arg8[%parallel_loop3A_224, %parallel_loop3A_225, %parallel_loop3A_226] {strides = array<i32>} : memref<3x8x512xf32, #tpu.memory_space<vmem>>, vector<16xf32>,
        tpu.vector_store %arg8[%parallel_loop3A_224, %parallel_loop3A_225, %parallel_loop3A_226], %parallel_loop3A_221 {strides = array<i32>} : memref<3x8x512xf32, #tpu.memory_space<vmem>>, vector<16xf32>,
        %parallel_loop3A_228 = arith.constant 5 : i32
        %parallel_loop3A_229 = arith.index_cast %parallel_loop3A_228 : i32 to index
        %parallel_loop3A_230 = arith.index_cast %parallel_loop3A_102 : i32 to index
        %parallel_loop3A_231 = tpu.vector_load %arg6[%parallel_loop3A_229, %parallel_loop3A_230] {strides = array<i32>} : memref<8x512xi32, #tpu.memory_space<vmem>>, vector<16xi32>,
        %parallel_loop3A_232 = tpu.vector_load_idx %arg5[%broadcast_in_dim3A_3, %parallel_loop3A_231] : memref<3x10xf32, #tpu.memory_space<vmem>>[vector<16xi32>, vector<16xi32>], vector<16xf32>,
        %parallel_loop3A_233 = arith.constant 0 : i32
        %parallel_loop3A_234 = arith.constant 5 : i32
        %parallel_loop3A_235 = arith.index_cast %parallel_loop3A_233 : i32 to index
        %parallel_loop3A_236 = arith.index_cast %parallel_loop3A_234 : i32 to index
        %parallel_loop3A_237 = arith.index_cast %parallel_loop3A_102 : i32 to index
        %parallel_loop3A_238 = tpu.vector_load %arg8[%parallel_loop3A_235, %parallel_loop3A_236, %parallel_loop3A_237] {strides = array<i32>} : memref<3x8x512xf32, #tpu.memory_space<vmem>>, vector<16xf32>,
        tpu.vector_store %arg8[%parallel_loop3A_235, %parallel_loop3A_236, %parallel_loop3A_237], %parallel_loop3A_232 {strides = array<i32>} : memref<3x8x512xf32, #tpu.memory_space<vmem>>, vector<16xf32>,
        %parallel_loop3A_239 = tpu.vector_load_idx %arg5[%broadcast_in_dim3A_5, %parallel_loop3A_231] : memref<3x10xf32, #tpu.memory_space<vmem>>[vector<16xi32>, vector<16xi32>], vector<16xf32>,
        %parallel_loop3A_240 = arith.constant 1 : i32
        %parallel_loop3A_241 = arith.constant 5 : i32
        %parallel_loop3A_242 = arith.index_cast %parallel_loop3A_240 : i32 to index
        %parallel_loop3A_243 = arith.index_cast %parallel_loop3A_241 : i32 to index
        %parallel_loop3A_244 = arith.index_cast %parallel_loop3A_102 : i32 to index
        %parallel_loop3A_245 = tpu.vector_load %arg8[%parallel_loop3A_242, %parallel_loop3A_243, %parallel_loop3A_244] {strides = array<i32>} : memref<3x8x512xf32, #tpu.memory_space<vmem>>, vector<16xf32>,
        tpu.vector_store %arg8[%parallel_loop3A_242, %parallel_loop3A_243, %parallel_loop3A_244], %parallel_loop3A_239 {strides = array<i32>} : memref<3x8x512xf32, #tpu.memory_space<vmem>>, vector<16xf32>,
        %parallel_loop3A_246 = tpu.vector_load_idx %arg5[%broadcast_in_dim3A_7, %parallel_loop3A_231] : memref<3x10xf32, #tpu.memory_space<vmem>>[vector<16xi32>, vector<16xi32>], vector<16xf32>,
        %parallel_loop3A_247 = arith.constant 2 : i32
        %parallel_loop3A_248 = arith.constant 5 : i32
        %parallel_loop3A_249 = arith.index_cast %parallel_loop3A_247 : i32 to index
        %parallel_loop3A_250 = arith.index_cast %parallel_loop3A_248 : i32 to index
        %parallel_loop3A_251 = arith.index_cast %parallel_loop3A_102 : i32 to index
        %parallel_loop3A_252 = tpu.vector_load %arg8[%parallel_loop3A_249, %parallel_loop3A_250, %parallel_loop3A_251] {strides = array<i32>} : memref<3x8x512xf32, #tpu.memory_space<vmem>>, vector<16xf32>,
        tpu.vector_store %arg8[%parallel_loop3A_249, %parallel_loop3A_250, %parallel_loop3A_251], %parallel_loop3A_246 {strides = array<i32>} : memref<3x8x512xf32, #tpu.memory_space<vmem>>, vector<16xf32>,
        %parallel_loop3A_253 = arith.constant 6 : i32
        %parallel_loop3A_254 = arith.index_cast %parallel_loop3A_253 : i32 to index
        %parallel_loop3A_255 = arith.index_cast %parallel_loop3A_102 : i32 to index
        %parallel_loop3A_256 = tpu.vector_load %arg6[%parallel_loop3A_254, %parallel_loop3A_255] {strides = array<i32>} : memref<8x512xi32, #tpu.memory_space<vmem>>, vector<16xi32>,
        %parallel_loop3A_257 = tpu.vector_load_idx %arg5[%broadcast_in_dim3A_3, %parallel_loop3A_256] : memref<3x10xf32, #tpu.memory_space<vmem>>[vector<16xi32>, vector<16xi32>], vector<16xf32>,
        %parallel_loop3A_258 = arith.constant 0 : i32
        %parallel_loop3A_259 = arith.constant 6 : i32
        %parallel_loop3A_260 = arith.index_cast %parallel_loop3A_258 : i32 to index
        %parallel_loop3A_261 = arith.index_cast %parallel_loop3A_259 : i32 to index
        %parallel_loop3A_262 = arith.index_cast %parallel_loop3A_102 : i32 to index
        %parallel_loop3A_263 = tpu.vector_load %arg8[%parallel_loop3A_260, %parallel_loop3A_261, %parallel_loop3A_262] {strides = array<i32>} : memref<3x8x512xf32, #tpu.memory_space<vmem>>, vector<16xf32>,
        tpu.vector_store %arg8[%parallel_loop3A_260, %parallel_loop3A_261, %parallel_loop3A_262], %parallel_loop3A_257 {strides = array<i32>} : memref<3x8x512xf32, #tpu.memory_space<vmem>>, vector<16xf32>,
        %parallel_loop3A_264 = tpu.vector_load_idx %arg5[%broadcast_in_dim3A_5, %parallel_loop3A_256] : memref<3x10xf32, #tpu.memory_space<vmem>>[vector<16xi32>, vector<16xi32>], vector<16xf32>,
        %parallel_loop3A_265 = arith.constant 1 : i32
        %parallel_loop3A_266 = arith.constant 6 : i32
        %parallel_loop3A_267 = arith.index_cast %parallel_loop3A_265 : i32 to index
        %parallel_loop3A_268 = arith.index_cast %parallel_loop3A_266 : i32 to index
        %parallel_loop3A_269 = arith.index_cast %parallel_loop3A_102 : i32 to index
        %parallel_loop3A_270 = tpu.vector_load %arg8[%parallel_loop3A_267, %parallel_loop3A_268, %parallel_loop3A_269] {strides = array<i32>} : memref<3x8x512xf32, #tpu.memory_space<vmem>>, vector<16xf32>,
        tpu.vector_store %arg8[%parallel_loop3A_267, %parallel_loop3A_268, %parallel_loop3A_269], %parallel_loop3A_264 {strides = array<i32>} : memref<3x8x512xf32, #tpu.memory_space<vmem>>, vector<16xf32>,
        %parallel_loop3A_271 = tpu.vector_load_idx %arg5[%broadcast_in_dim3A_7, %parallel_loop3A_256] : memref<3x10xf32, #tpu.memory_space<vmem>>[vector<16xi32>, vector<16xi32>], vector<16xf32>,
        %parallel_loop3A_272 = arith.constant 2 : i32
        %parallel_loop3A_273 = arith.constant 6 : i32
        %parallel_loop3A_274 = arith.index_cast %parallel_loop3A_272 : i32 to index
        %parallel_loop3A_275 = arith.index_cast %parallel_loop3A_273 : i32 to index
        %parallel_loop3A_276 = arith.index_cast %parallel_loop3A_102 : i32 to index
        %parallel_loop3A_277 = tpu.vector_load %arg8[%parallel_loop3A_274, %parallel_loop3A_275, %parallel_loop3A_276] {strides = array<i32>} : memref<3x8x512xf32, #tpu.memory_space<vmem>>, vector<16xf32>,
        tpu.vector_store %arg8[%parallel_loop3A_274, %parallel_loop3A_275, %parallel_loop3A_276], %parallel_loop3A_271 {strides = array<i32>} : memref<3x8x512xf32, #tpu.memory_space<vmem>>, vector<16xf32>,
        %parallel_loop3A_278 = arith.constant 7 : i32
        %parallel_loop3A_279 = arith.index_cast %parallel_loop3A_278 : i32 to index
        %parallel_loop3A_280 = arith.index_cast %parallel_loop3A_102 : i32 to index
        %parallel_loop3A_281 = tpu.vector_load %arg6[%parallel_loop3A_279, %parallel_loop3A_280] {strides = array<i32>} : memref<8x512xi32, #tpu.memory_space<vmem>>, vector<16xi32>,
        %parallel_loop3A_282 = tpu.vector_load_idx %arg5[%broadcast_in_dim3A_3, %parallel_loop3A_281] : memref<3x10xf32, #tpu.memory_space<vmem>>[vector<16xi32>, vector<16xi32>], vector<16xf32>,
        %parallel_loop3A_283 = arith.constant 0 : i32
        %parallel_loop3A_284 = arith.constant 7 : i32
        %parallel_loop3A_285 = arith.index_cast %parallel_loop3A_283 : i32 to index
        %parallel_loop3A_286 = arith.index_cast %parallel_loop3A_284 : i32 to index
        %parallel_loop3A_287 = arith.index_cast %parallel_loop3A_102 : i32 to index
        %parallel_loop3A_288 = tpu.vector_load %arg8[%parallel_loop3A_285, %parallel_loop3A_286, %parallel_loop3A_287] {strides = array<i32>} : memref<3x8x512xf32, #tpu.memory_space<vmem>>, vector<16xf32>,
        tpu.vector_store %arg8[%parallel_loop3A_285, %parallel_loop3A_286, %parallel_loop3A_287], %parallel_loop3A_282 {strides = array<i32>} : memref<3x8x512xf32, #tpu.memory_space<vmem>>, vector<16xf32>,
        %parallel_loop3A_289 = tpu.vector_load_idx %arg5[%broadcast_in_dim3A_5, %parallel_loop3A_281] : memref<3x10xf32, #tpu.memory_space<vmem>>[vector<16xi32>, vector<16xi32>], vector<16xf32>,
        %parallel_loop3A_290 = arith.constant 1 : i32
        %parallel_loop3A_291 = arith.constant 7 : i32
        %parallel_loop3A_292 = arith.index_cast %parallel_loop3A_290 : i32 to index
        %parallel_loop3A_293 = arith.index_cast %parallel_loop3A_291 : i32 to index
        %parallel_loop3A_294 = arith.index_cast %parallel_loop3A_102 : i32 to index
        %parallel_loop3A_295 = tpu.vector_load %arg8[%parallel_loop3A_292, %parallel_loop3A_293, %parallel_loop3A_294] {strides = array<i32>} : memref<3x8x512xf32, #tpu.memory_space<vmem>>, vector<16xf32>,
        tpu.vector_store %arg8[%parallel_loop3A_292, %parallel_loop3A_293, %parallel_loop3A_294], %parallel_loop3A_289 {strides = array<i32>} : memref<3x8x512xf32, #tpu.memory_space<vmem>>, vector<16xf32>,
        %parallel_loop3A_296 = tpu.vector_load_idx %arg5[%broadcast_in_dim3A_7, %parallel_loop3A_281] : memref<3x10xf32, #tpu.memory_space<vmem>>[vector<16xi32>, vector<16xi32>], vector<16xf32>,
        %parallel_loop3A_297 = arith.constant 2 : i32
        %parallel_loop3A_298 = arith.constant 7 : i32
        %parallel_loop3A_299 = arith.index_cast %parallel_loop3A_297 : i32 to index
        %parallel_loop3A_300 = arith.index_cast %parallel_loop3A_298 : i32 to index
        %parallel_loop3A_301 = arith.index_cast %parallel_loop3A_102 : i32 to index
        %parallel_loop3A_302 = tpu.vector_load %arg8[%parallel_loop3A_299, %parallel_loop3A_300, %parallel_loop3A_301] {strides = array<i32>} : memref<3x8x512xf32, #tpu.memory_space<vmem>>, vector<16xf32>,
        tpu.vector_store %arg8[%parallel_loop3A_299, %parallel_loop3A_300, %parallel_loop3A_301], %parallel_loop3A_296 {strides = array<i32>} : memref<3x8x512xf32, #tpu.memory_space<vmem>>, vector<16xf32>,
      } {sc.loop_unroll_factor = 2 : i64, sc.parallel_access}
      %mul3A_65 = arith.constant 8 : i32
      %mul3A_66 = arith.muli %add3A_49, %mul3A_65 : i32
      %dma_start3A_67 = arith.constant 0 : i32
      %dma_start3A_68 = tpu.memref_slice %arg4[%dma_start3A_67, %mul3A_66, %mul3A_2] : memref<3x200x16384xf32, #tpu.memory_space<hbm>> -> memref<3x8x512xf32, #tpu.memory_space<hbm>>
      %dma_start3A_69 = arith.constant 0 : i32
      %dma_start3A_70 = tpu.memref_slice %arg4[%dma_start3A_69, %mul3A_66, %mul3A_2] : memref<3x200x16384xf32, #tpu.memory_space<hbm>> -> memref<3x8x512xf32, #tpu.memory_space<hbm>>
      tpu.enqueue_dma source(%arg8 : memref<3x8x512xf32, #tpu.memory_space<vmem>>) target(%dma_start3A_70 : memref<3x8x512xf32, #tpu.memory_space<hbm>>) target_semaphore(%arg12 : memref<!tpu.dma_semaphore, #tpu.memory_space<semaphore_mem>>)
      %mul3A_71 = arith.constant 2 : i32
      %mul3A_72 = arith.muli %mul3A_71, %scan3A_45 : i32
      %add3A_73 = arith.constant 1 : i32
      %add3A_74 = arith.addi %mul3A_72, %add3A_73 : i32
      %add3A_75 = arith.constant 1 : i32
      %add3A_76 = arith.addi %add3A_74, %add3A_75 : i32
      %lt3A_77 = arith.constant 25 : i32
      %lt3A_78 = arith.cmpi slt, %add3A_76, %lt3A_77 : i32
      %convert_element_type3A_79 = arith.extui %lt3A_78 : i1 to i32
      %cond3A_80 = arith.constant 0 : i32
      %cond3A_81 = arith.cmpi ne, %convert_element_type3A_79, %cond3A_80 : i32
      scf.if %cond3A_81 {
        %add3A_100 = arith.constant 1 : i32
        %add3A_101 = arith.addi %add3A_74, %add3A_100 : i32
        %mul3A_102 = arith.constant 8 : i32
        %mul3A_103 = arith.muli %add3A_101, %mul3A_102 : i32
        %dma_start3A_104 = tpu.memref_slice %arg2[%mul3A_103, %mul3A_2] : memref<200x16384xi32, #tpu.memory_space<hbm>> -> memref<8x512xi32, #tpu.memory_space<hbm>>
        %dma_start3A_105 = tpu.memref_slice %arg2[%mul3A_103, %mul3A_2] : memref<200x16384xi32, #tpu.memory_space<hbm>> -> memref<8x512xi32, #tpu.memory_space<hbm>>
        tpu.enqueue_dma source(%dma_start3A_105 : memref<8x512xi32, #tpu.memory_space<hbm>>) target(%arg6 : memref<8x512xi32, #tpu.memory_space<vmem>>) target_semaphore(%arg10 : memref<!tpu.dma_semaphore, #tpu.memory_space<semaphore_mem>>)
      } else {
      }
      %mul3A_82 = arith.constant 8 : i32
      %mul3A_83 = arith.muli %add3A_74, %mul3A_82 : i32
      %dma_wait3A_84 = tpu.memref_slice %arg2[%mul3A_83, %mul3A_2] : memref<200x16384xi32, #tpu.memory_space<hbm>> -> memref<8x512xi32, #tpu.memory_space<hbm>>
      %dma_wait3A_85 = tpu.memref_slice %arg2[%mul3A_83, %mul3A_2] : memref<200x16384xi32, #tpu.memory_space<hbm>> -> memref<8x512xi32, #tpu.memory_space<hbm>>
      tpu.wait_dma2 semaphore(%arg11 : memref<!tpu.dma_semaphore, #tpu.memory_space<semaphore_mem>>) src(%dma_wait3A_85 : memref<8x512xi32, #tpu.memory_space<hbm>>) dst(%arg7 : memref<8x512xi32, #tpu.memory_space<vmem>>)
      %ge3A_86 = arith.constant 2 : i32
      %ge3A_87 = arith.cmpi sge, %add3A_74, %ge3A_86 : i32
      %convert_element_type3A_88 = arith.extui %ge3A_87 : i1 to i32
      %cond3A_89 = arith.constant 0 : i32
      %cond3A_90 = arith.cmpi ne, %convert_element_type3A_88, %cond3A_89 : i32
      scf.if %cond3A_90 {
        %sub3A = arith.constant 2 : i32
        %sub3A_100 = arith.subi %add3A_74, %sub3A : i32
        %mul3A_101 = arith.constant 8 : i32
        %mul3A_102 = arith.muli %sub3A_100, %mul3A_101 : i32
        %dma_wait3A_103 = arith.constant 0 : i32
        %dma_wait3A_104 = tpu.memref_slice %arg4[%dma_wait3A_103, %mul3A_102, %mul3A_2] : memref<3x200x16384xf32, #tpu.memory_space<hbm>> -> memref<3x8x512xf32, #tpu.memory_space<hbm>>
        %dma_wait3A_105 = arith.constant 0 : i32
        %dma_wait3A_106 = tpu.memref_slice %arg4[%dma_wait3A_105, %mul3A_102, %mul3A_2] : memref<3x200x16384xf32, #tpu.memory_space<hbm>> -> memref<3x8x512xf32, #tpu.memory_space<hbm>>
        tpu.wait_dma2 semaphore(%arg13 : memref<!tpu.dma_semaphore, #tpu.memory_space<semaphore_mem>>) src(%arg9 : memref<3x8x512xf32, #tpu.memory_space<vmem>>) dst(%dma_wait3A_106 : memref<3x8x512xf32, #tpu.memory_space<hbm>>)
      } else {
      }
      %parallel_loop3A_91 = arith.constant 0 : i32
      %parallel_loop3A_92 = arith.constant 32 : i32
      %parallel_loop3A_93 = arith.constant 1 : i32
      scf.for %parallel_loop3A_100 = %parallel_loop3A_91 to %parallel_loop3A_92 step %parallel_loop3A_93  : i32 {
        %parallel_loop3A_101 = arith.constant 16 : i32
        %parallel_loop3A_102 = arith.muli %parallel_loop3A_100, %parallel_loop3A_101 : i32
        %parallel_loop3A_103 = arith.constant 0 : i32
        %parallel_loop3A_104 = arith.index_cast %parallel_loop3A_103 : i32 to index
        %parallel_loop3A_105 = arith.index_cast %parallel_loop3A_102 : i32 to index
        %parallel_loop3A_106 = tpu.vector_load %arg7[%parallel_loop3A_104, %parallel_loop3A_105] {strides = array<i32>} : memref<8x512xi32, #tpu.memory_space<vmem>>, vector<16xi32>,
        %parallel_loop3A_107 = tpu.vector_load_idx %arg5[%broadcast_in_dim3A_3, %parallel_loop3A_106] : memref<3x10xf32, #tpu.memory_space<vmem>>[vector<16xi32>, vector<16xi32>], vector<16xf32>,
        %parallel_loop3A_108 = arith.constant 0 : i32
        %parallel_loop3A_109 = arith.constant 0 : i32
        %parallel_loop3A_110 = arith.index_cast %parallel_loop3A_108 : i32 to index
        %parallel_loop3A_111 = arith.index_cast %parallel_loop3A_109 : i32 to index
        %parallel_loop3A_112 = arith.index_cast %parallel_loop3A_102 : i32 to index
        %parallel_loop3A_113 = tpu.vector_load %arg9[%parallel_loop3A_110, %parallel_loop3A_111, %parallel_loop3A_112] {strides = array<i32>} : memref<3x8x512xf32, #tpu.memory_space<vmem>>, vector<16xf32>,
        tpu.vector_store %arg9[%parallel_loop3A_110, %parallel_loop3A_111, %parallel_loop3A_112], %parallel_loop3A_107 {strides = array<i32>} : memref<3x8x512xf32, #tpu.memory_space<vmem>>, vector<16xf32>,
        %parallel_loop3A_114 = tpu.vector_load_idx %arg5[%broadcast_in_dim3A_5, %parallel_loop3A_106] : memref<3x10xf32, #tpu.memory_space<vmem>>[vector<16xi32>, vector<16xi32>], vector<16xf32>,
        %parallel_loop3A_115 = arith.constant 1 : i32
        %parallel_loop3A_116 = arith.constant 0 : i32
        %parallel_loop3A_117 = arith.index_cast %parallel_loop3A_115 : i32 to index
        %parallel_loop3A_118 = arith.index_cast %parallel_loop3A_116 : i32 to index
        %parallel_loop3A_119 = arith.index_cast %parallel_loop3A_102 : i32 to index
        %parallel_loop3A_120 = tpu.vector_load %arg9[%parallel_loop3A_117, %parallel_loop3A_118, %parallel_loop3A_119] {strides = array<i32>} : memref<3x8x512xf32, #tpu.memory_space<vmem>>, vector<16xf32>,
        tpu.vector_store %arg9[%parallel_loop3A_117, %parallel_loop3A_118, %parallel_loop3A_119], %parallel_loop3A_114 {strides = array<i32>} : memref<3x8x512xf32, #tpu.memory_space<vmem>>, vector<16xf32>,
        %parallel_loop3A_121 = tpu.vector_load_idx %arg5[%broadcast_in_dim3A_7, %parallel_loop3A_106] : memref<3x10xf32, #tpu.memory_space<vmem>>[vector<16xi32>, vector<16xi32>], vector<16xf32>,
        %parallel_loop3A_122 = arith.constant 2 : i32
        %parallel_loop3A_123 = arith.constant 0 : i32
        %parallel_loop3A_124 = arith.index_cast %parallel_loop3A_122 : i32 to index
        %parallel_loop3A_125 = arith.index_cast %parallel_loop3A_123 : i32 to index
        %parallel_loop3A_126 = arith.index_cast %parallel_loop3A_102 : i32 to index
        %parallel_loop3A_127 = tpu.vector_load %arg9[%parallel_loop3A_124, %parallel_loop3A_125, %parallel_loop3A_126] {strides = array<i32>} : memref<3x8x512xf32, #tpu.memory_space<vmem>>, vector<16xf32>,
        tpu.vector_store %arg9[%parallel_loop3A_124, %parallel_loop3A_125, %parallel_loop3A_126], %parallel_loop3A_121 {strides = array<i32>} : memref<3x8x512xf32, #tpu.memory_space<vmem>>, vector<16xf32>,
        %parallel_loop3A_128 = arith.constant 1 : i32
        %parallel_loop3A_129 = arith.index_cast %parallel_loop3A_128 : i32 to index
        %parallel_loop3A_130 = arith.index_cast %parallel_loop3A_102 : i32 to index
        %parallel_loop3A_131 = tpu.vector_load %arg7[%parallel_loop3A_129, %parallel_loop3A_130] {strides = array<i32>} : memref<8x512xi32, #tpu.memory_space<vmem>>, vector<16xi32>,
        %parallel_loop3A_132 = tpu.vector_load_idx %arg5[%broadcast_in_dim3A_3, %parallel_loop3A_131] : memref<3x10xf32, #tpu.memory_space<vmem>>[vector<16xi32>, vector<16xi32>], vector<16xf32>,
        %parallel_loop3A_133 = arith.constant 0 : i32
        %parallel_loop3A_134 = arith.constant 1 : i32
        %parallel_loop3A_135 = arith.index_cast %parallel_loop3A_133 : i32 to index
        %parallel_loop3A_136 = arith.index_cast %parallel_loop3A_134 : i32 to index
        %parallel_loop3A_137 = arith.index_cast %parallel_loop3A_102 : i32 to index
        %parallel_loop3A_138 = tpu.vector_load %arg9[%parallel_loop3A_135, %parallel_loop3A_136, %parallel_loop3A_137] {strides = array<i32>} : memref<3x8x512xf32, #tpu.memory_space<vmem>>, vector<16xf32>,
        tpu.vector_store %arg9[%parallel_loop3A_135, %parallel_loop3A_136, %parallel_loop3A_137], %parallel_loop3A_132 {strides = array<i32>} : memref<3x8x512xf32, #tpu.memory_space<vmem>>, vector<16xf32>,
        %parallel_loop3A_139 = tpu.vector_load_idx %arg5[%broadcast_in_dim3A_5, %parallel_loop3A_131] : memref<3x10xf32, #tpu.memory_space<vmem>>[vector<16xi32>, vector<16xi32>], vector<16xf32>,
        %parallel_loop3A_140 = arith.constant 1 : i32
        %parallel_loop3A_141 = arith.constant 1 : i32
        %parallel_loop3A_142 = arith.index_cast %parallel_loop3A_140 : i32 to index
        %parallel_loop3A_143 = arith.index_cast %parallel_loop3A_141 : i32 to index
        %parallel_loop3A_144 = arith.index_cast %parallel_loop3A_102 : i32 to index
        %parallel_loop3A_145 = tpu.vector_load %arg9[%parallel_loop3A_142, %parallel_loop3A_143, %parallel_loop3A_144] {strides = array<i32>} : memref<3x8x512xf32, #tpu.memory_space<vmem>>, vector<16xf32>,
        tpu.vector_store %arg9[%parallel_loop3A_142, %parallel_loop3A_143, %parallel_loop3A_144], %parallel_loop3A_139 {strides = array<i32>} : memref<3x8x512xf32, #tpu.memory_space<vmem>>, vector<16xf32>,
        %parallel_loop3A_146 = tpu.vector_load_idx %arg5[%broadcast_in_dim3A_7, %parallel_loop3A_131] : memref<3x10xf32, #tpu.memory_space<vmem>>[vector<16xi32>, vector<16xi32>], vector<16xf32>,
        %parallel_loop3A_147 = arith.constant 2 : i32
        %parallel_loop3A_148 = arith.constant 1 : i32
        %parallel_loop3A_149 = arith.index_cast %parallel_loop3A_147 : i32 to index
        %parallel_loop3A_150 = arith.index_cast %parallel_loop3A_148 : i32 to index
        %parallel_loop3A_151 = arith.index_cast %parallel_loop3A_102 : i32 to index
        %parallel_loop3A_152 = tpu.vector_load %arg9[%parallel_loop3A_149, %parallel_loop3A_150, %parallel_loop3A_151] {strides = array<i32>} : memref<3x8x512xf32, #tpu.memory_space<vmem>>, vector<16xf32>,
        tpu.vector_store %arg9[%parallel_loop3A_149, %parallel_loop3A_150, %parallel_loop3A_151], %parallel_loop3A_146 {strides = array<i32>} : memref<3x8x512xf32, #tpu.memory_space<vmem>>, vector<16xf32>,
        %parallel_loop3A_153 = arith.constant 2 : i32
        %parallel_loop3A_154 = arith.index_cast %parallel_loop3A_153 : i32 to index
        %parallel_loop3A_155 = arith.index_cast %parallel_loop3A_102 : i32 to index
        %parallel_loop3A_156 = tpu.vector_load %arg7[%parallel_loop3A_154, %parallel_loop3A_155] {strides = array<i32>} : memref<8x512xi32, #tpu.memory_space<vmem>>, vector<16xi32>,
        %parallel_loop3A_157 = tpu.vector_load_idx %arg5[%broadcast_in_dim3A_3, %parallel_loop3A_156] : memref<3x10xf32, #tpu.memory_space<vmem>>[vector<16xi32>, vector<16xi32>], vector<16xf32>,
        %parallel_loop3A_158 = arith.constant 0 : i32
        %parallel_loop3A_159 = arith.constant 2 : i32
        %parallel_loop3A_160 = arith.index_cast %parallel_loop3A_158 : i32 to index
        %parallel_loop3A_161 = arith.index_cast %parallel_loop3A_159 : i32 to index
        %parallel_loop3A_162 = arith.index_cast %parallel_loop3A_102 : i32 to index
        %parallel_loop3A_163 = tpu.vector_load %arg9[%parallel_loop3A_160, %parallel_loop3A_161, %parallel_loop3A_162] {strides = array<i32>} : memref<3x8x512xf32, #tpu.memory_space<vmem>>, vector<16xf32>,
        tpu.vector_store %arg9[%parallel_loop3A_160, %parallel_loop3A_161, %parallel_loop3A_162], %parallel_loop3A_157 {strides = array<i32>} : memref<3x8x512xf32, #tpu.memory_space<vmem>>, vector<16xf32>,
        %parallel_loop3A_164 = tpu.vector_load_idx %arg5[%broadcast_in_dim3A_5, %parallel_loop3A_156] : memref<3x10xf32, #tpu.memory_space<vmem>>[vector<16xi32>, vector<16xi32>], vector<16xf32>,
        %parallel_loop3A_165 = arith.constant 1 : i32
        %parallel_loop3A_166 = arith.constant 2 : i32
        %parallel_loop3A_167 = arith.index_cast %parallel_loop3A_165 : i32 to index
        %parallel_loop3A_168 = arith.index_cast %parallel_loop3A_166 : i32 to index
        %parallel_loop3A_169 = arith.index_cast %parallel_loop3A_102 : i32 to index
        %parallel_loop3A_170 = tpu.vector_load %arg9[%parallel_loop3A_167, %parallel_loop3A_168, %parallel_loop3A_169] {strides = array<i32>} : memref<3x8x512xf32, #tpu.memory_space<vmem>>, vector<16xf32>,
        tpu.vector_store %arg9[%parallel_loop3A_167, %parallel_loop3A_168, %parallel_loop3A_169], %parallel_loop3A_164 {strides = array<i32>} : memref<3x8x512xf32, #tpu.memory_space<vmem>>, vector<16xf32>,
        %parallel_loop3A_171 = tpu.vector_load_idx %arg5[%broadcast_in_dim3A_7, %parallel_loop3A_156] : memref<3x10xf32, #tpu.memory_space<vmem>>[vector<16xi32>, vector<16xi32>], vector<16xf32>,
        %parallel_loop3A_172 = arith.constant 2 : i32
        %parallel_loop3A_173 = arith.constant 2 : i32
        %parallel_loop3A_174 = arith.index_cast %parallel_loop3A_172 : i32 to index
        %parallel_loop3A_175 = arith.index_cast %parallel_loop3A_173 : i32 to index
        %parallel_loop3A_176 = arith.index_cast %parallel_loop3A_102 : i32 to index
        %parallel_loop3A_177 = tpu.vector_load %arg9[%parallel_loop3A_174, %parallel_loop3A_175, %parallel_loop3A_176] {strides = array<i32>} : memref<3x8x512xf32, #tpu.memory_space<vmem>>, vector<16xf32>,
        tpu.vector_store %arg9[%parallel_loop3A_174, %parallel_loop3A_175, %parallel_loop3A_176], %parallel_loop3A_171 {strides = array<i32>} : memref<3x8x512xf32, #tpu.memory_space<vmem>>, vector<16xf32>,
        %parallel_loop3A_178 = arith.constant 3 : i32
        %parallel_loop3A_179 = arith.index_cast %parallel_loop3A_178 : i32 to index
        %parallel_loop3A_180 = arith.index_cast %parallel_loop3A_102 : i32 to index
        %parallel_loop3A_181 = tpu.vector_load %arg7[%parallel_loop3A_179, %parallel_loop3A_180] {strides = array<i32>} : memref<8x512xi32, #tpu.memory_space<vmem>>, vector<16xi32>,
        %parallel_loop3A_182 = tpu.vector_load_idx %arg5[%broadcast_in_dim3A_3, %parallel_loop3A_181] : memref<3x10xf32, #tpu.memory_space<vmem>>[vector<16xi32>, vector<16xi32>], vector<16xf32>,
        %parallel_loop3A_183 = arith.constant 0 : i32
        %parallel_loop3A_184 = arith.constant 3 : i32
        %parallel_loop3A_185 = arith.index_cast %parallel_loop3A_183 : i32 to index
        %parallel_loop3A_186 = arith.index_cast %parallel_loop3A_184 : i32 to index
        %parallel_loop3A_187 = arith.index_cast %parallel_loop3A_102 : i32 to index
        %parallel_loop3A_188 = tpu.vector_load %arg9[%parallel_loop3A_185, %parallel_loop3A_186, %parallel_loop3A_187] {strides = array<i32>} : memref<3x8x512xf32, #tpu.memory_space<vmem>>, vector<16xf32>,
        tpu.vector_store %arg9[%parallel_loop3A_185, %parallel_loop3A_186, %parallel_loop3A_187], %parallel_loop3A_182 {strides = array<i32>} : memref<3x8x512xf32, #tpu.memory_space<vmem>>, vector<16xf32>,
        %parallel_loop3A_189 = tpu.vector_load_idx %arg5[%broadcast_in_dim3A_5, %parallel_loop3A_181] : memref<3x10xf32, #tpu.memory_space<vmem>>[vector<16xi32>, vector<16xi32>], vector<16xf32>,
        %parallel_loop3A_190 = arith.constant 1 : i32
        %parallel_loop3A_191 = arith.constant 3 : i32
        %parallel_loop3A_192 = arith.index_cast %parallel_loop3A_190 : i32 to index
        %parallel_loop3A_193 = arith.index_cast %parallel_loop3A_191 : i32 to index
        %parallel_loop3A_194 = arith.index_cast %parallel_loop3A_102 : i32 to index
        %parallel_loop3A_195 = tpu.vector_load %arg9[%parallel_loop3A_192, %parallel_loop3A_193, %parallel_loop3A_194] {strides = array<i32>} : memref<3x8x512xf32, #tpu.memory_space<vmem>>, vector<16xf32>,
        tpu.vector_store %arg9[%parallel_loop3A_192, %parallel_loop3A_193, %parallel_loop3A_194], %parallel_loop3A_189 {strides = array<i32>} : memref<3x8x512xf32, #tpu.memory_space<vmem>>, vector<16xf32>,
        %parallel_loop3A_196 = tpu.vector_load_idx %arg5[%broadcast_in_dim3A_7, %parallel_loop3A_181] : memref<3x10xf32, #tpu.memory_space<vmem>>[vector<16xi32>, vector<16xi32>], vector<16xf32>,
        %parallel_loop3A_197 = arith.constant 2 : i32
        %parallel_loop3A_198 = arith.constant 3 : i32
        %parallel_loop3A_199 = arith.index_cast %parallel_loop3A_197 : i32 to index
        %parallel_loop3A_200 = arith.index_cast %parallel_loop3A_198 : i32 to index
        %parallel_loop3A_201 = arith.index_cast %parallel_loop3A_102 : i32 to index
        %parallel_loop3A_202 = tpu.vector_load %arg9[%parallel_loop3A_199, %parallel_loop3A_200, %parallel_loop3A_201] {strides = array<i32>} : memref<3x8x512xf32, #tpu.memory_space<vmem>>, vector<16xf32>,
        tpu.vector_store %arg9[%parallel_loop3A_199, %parallel_loop3A_200, %parallel_loop3A_201], %parallel_loop3A_196 {strides = array<i32>} : memref<3x8x512xf32, #tpu.memory_space<vmem>>, vector<16xf32>,
        %parallel_loop3A_203 = arith.constant 4 : i32
        %parallel_loop3A_204 = arith.index_cast %parallel_loop3A_203 : i32 to index
        %parallel_loop3A_205 = arith.index_cast %parallel_loop3A_102 : i32 to index
        %parallel_loop3A_206 = tpu.vector_load %arg7[%parallel_loop3A_204, %parallel_loop3A_205] {strides = array<i32>} : memref<8x512xi32, #tpu.memory_space<vmem>>, vector<16xi32>,
        %parallel_loop3A_207 = tpu.vector_load_idx %arg5[%broadcast_in_dim3A_3, %parallel_loop3A_206] : memref<3x10xf32, #tpu.memory_space<vmem>>[vector<16xi32>, vector<16xi32>], vector<16xf32>,
        %parallel_loop3A_208 = arith.constant 0 : i32
        %parallel_loop3A_209 = arith.constant 4 : i32
        %parallel_loop3A_210 = arith.index_cast %parallel_loop3A_208 : i32 to index
        %parallel_loop3A_211 = arith.index_cast %parallel_loop3A_209 : i32 to index
        %parallel_loop3A_212 = arith.index_cast %parallel_loop3A_102 : i32 to index
        %parallel_loop3A_213 = tpu.vector_load %arg9[%parallel_loop3A_210, %parallel_loop3A_211, %parallel_loop3A_212] {strides = array<i32>} : memref<3x8x512xf32, #tpu.memory_space<vmem>>, vector<16xf32>,
        tpu.vector_store %arg9[%parallel_loop3A_210, %parallel_loop3A_211, %parallel_loop3A_212], %parallel_loop3A_207 {strides = array<i32>} : memref<3x8x512xf32, #tpu.memory_space<vmem>>, vector<16xf32>,
        %parallel_loop3A_214 = tpu.vector_load_idx %arg5[%broadcast_in_dim3A_5, %parallel_loop3A_206] : memref<3x10xf32, #tpu.memory_space<vmem>>[vector<16xi32>, vector<16xi32>], vector<16xf32>,
        %parallel_loop3A_215 = arith.constant 1 : i32
        %parallel_loop3A_216 = arith.constant 4 : i32
        %parallel_loop3A_217 = arith.index_cast %parallel_loop3A_215 : i32 to index
        %parallel_loop3A_218 = arith.index_cast %parallel_loop3A_216 : i32 to index
        %parallel_loop3A_219 = arith.index_cast %parallel_loop3A_102 : i32 to index
        %parallel_loop3A_220 = tpu.vector_load %arg9[%parallel_loop3A_217, %parallel_loop3A_218, %parallel_loop3A_219] {strides = array<i32>} : memref<3x8x512xf32, #tpu.memory_space<vmem>>, vector<16xf32>,
        tpu.vector_store %arg9[%parallel_loop3A_217, %parallel_loop3A_218, %parallel_loop3A_219], %parallel_loop3A_214 {strides = array<i32>} : memref<3x8x512xf32, #tpu.memory_space<vmem>>, vector<16xf32>,
        %parallel_loop3A_221 = tpu.vector_load_idx %arg5[%broadcast_in_dim3A_7, %parallel_loop3A_206] : memref<3x10xf32, #tpu.memory_space<vmem>>[vector<16xi32>, vector<16xi32>], vector<16xf32>,
        %parallel_loop3A_222 = arith.constant 2 : i32
        %parallel_loop3A_223 = arith.constant 4 : i32
        %parallel_loop3A_224 = arith.index_cast %parallel_loop3A_222 : i32 to index
        %parallel_loop3A_225 = arith.index_cast %parallel_loop3A_223 : i32 to index
        %parallel_loop3A_226 = arith.index_cast %parallel_loop3A_102 : i32 to index
        %parallel_loop3A_227 = tpu.vector_load %arg9[%parallel_loop3A_224, %parallel_loop3A_225, %parallel_loop3A_226] {strides = array<i32>} : memref<3x8x512xf32, #tpu.memory_space<vmem>>, vector<16xf32>,
        tpu.vector_store %arg9[%parallel_loop3A_224, %parallel_loop3A_225, %parallel_loop3A_226], %parallel_loop3A_221 {strides = array<i32>} : memref<3x8x512xf32, #tpu.memory_space<vmem>>, vector<16xf32>,
        %parallel_loop3A_228 = arith.constant 5 : i32
        %parallel_loop3A_229 = arith.index_cast %parallel_loop3A_228 : i32 to index
        %parallel_loop3A_230 = arith.index_cast %parallel_loop3A_102 : i32 to index
        %parallel_loop3A_231 = tpu.vector_load %arg7[%parallel_loop3A_229, %parallel_loop3A_230] {strides = array<i32>} : memref<8x512xi32, #tpu.memory_space<vmem>>, vector<16xi32>,
        %parallel_loop3A_232 = tpu.vector_load_idx %arg5[%broadcast_in_dim3A_3, %parallel_loop3A_231] : memref<3x10xf32, #tpu.memory_space<vmem>>[vector<16xi32>, vector<16xi32>], vector<16xf32>,
        %parallel_loop3A_233 = arith.constant 0 : i32
        %parallel_loop3A_234 = arith.constant 5 : i32
        %parallel_loop3A_235 = arith.index_cast %parallel_loop3A_233 : i32 to index
        %parallel_loop3A_236 = arith.index_cast %parallel_loop3A_234 : i32 to index
        %parallel_loop3A_237 = arith.index_cast %parallel_loop3A_102 : i32 to index
        %parallel_loop3A_238 = tpu.vector_load %arg9[%parallel_loop3A_235, %parallel_loop3A_236, %parallel_loop3A_237] {strides = array<i32>} : memref<3x8x512xf32, #tpu.memory_space<vmem>>, vector<16xf32>,
        tpu.vector_store %arg9[%parallel_loop3A_235, %parallel_loop3A_236, %parallel_loop3A_237], %parallel_loop3A_232 {strides = array<i32>} : memref<3x8x512xf32, #tpu.memory_space<vmem>>, vector<16xf32>,
        %parallel_loop3A_239 = tpu.vector_load_idx %arg5[%broadcast_in_dim3A_5, %parallel_loop3A_231] : memref<3x10xf32, #tpu.memory_space<vmem>>[vector<16xi32>, vector<16xi32>], vector<16xf32>,
        %parallel_loop3A_240 = arith.constant 1 : i32
        %parallel_loop3A_241 = arith.constant 5 : i32
        %parallel_loop3A_242 = arith.index_cast %parallel_loop3A_240 : i32 to index
        %parallel_loop3A_243 = arith.index_cast %parallel_loop3A_241 : i32 to index
        %parallel_loop3A_244 = arith.index_cast %parallel_loop3A_102 : i32 to index
        %parallel_loop3A_245 = tpu.vector_load %arg9[%parallel_loop3A_242, %parallel_loop3A_243, %parallel_loop3A_244] {strides = array<i32>} : memref<3x8x512xf32, #tpu.memory_space<vmem>>, vector<16xf32>,
        tpu.vector_store %arg9[%parallel_loop3A_242, %parallel_loop3A_243, %parallel_loop3A_244], %parallel_loop3A_239 {strides = array<i32>} : memref<3x8x512xf32, #tpu.memory_space<vmem>>, vector<16xf32>,
        %parallel_loop3A_246 = tpu.vector_load_idx %arg5[%broadcast_in_dim3A_7, %parallel_loop3A_231] : memref<3x10xf32, #tpu.memory_space<vmem>>[vector<16xi32>, vector<16xi32>], vector<16xf32>,
        %parallel_loop3A_247 = arith.constant 2 : i32
        %parallel_loop3A_248 = arith.constant 5 : i32
        %parallel_loop3A_249 = arith.index_cast %parallel_loop3A_247 : i32 to index
        %parallel_loop3A_250 = arith.index_cast %parallel_loop3A_248 : i32 to index
        %parallel_loop3A_251 = arith.index_cast %parallel_loop3A_102 : i32 to index
        %parallel_loop3A_252 = tpu.vector_load %arg9[%parallel_loop3A_249, %parallel_loop3A_250, %parallel_loop3A_251] {strides = array<i32>} : memref<3x8x512xf32, #tpu.memory_space<vmem>>, vector<16xf32>,
        tpu.vector_store %arg9[%parallel_loop3A_249, %parallel_loop3A_250, %parallel_loop3A_251], %parallel_loop3A_246 {strides = array<i32>} : memref<3x8x512xf32, #tpu.memory_space<vmem>>, vector<16xf32>,
        %parallel_loop3A_253 = arith.constant 6 : i32
        %parallel_loop3A_254 = arith.index_cast %parallel_loop3A_253 : i32 to index
        %parallel_loop3A_255 = arith.index_cast %parallel_loop3A_102 : i32 to index
        %parallel_loop3A_256 = tpu.vector_load %arg7[%parallel_loop3A_254, %parallel_loop3A_255] {strides = array<i32>} : memref<8x512xi32, #tpu.memory_space<vmem>>, vector<16xi32>,
        %parallel_loop3A_257 = tpu.vector_load_idx %arg5[%broadcast_in_dim3A_3, %parallel_loop3A_256] : memref<3x10xf32, #tpu.memory_space<vmem>>[vector<16xi32>, vector<16xi32>], vector<16xf32>,
        %parallel_loop3A_258 = arith.constant 0 : i32
        %parallel_loop3A_259 = arith.constant 6 : i32
        %parallel_loop3A_260 = arith.index_cast %parallel_loop3A_258 : i32 to index
        %parallel_loop3A_261 = arith.index_cast %parallel_loop3A_259 : i32 to index
        %parallel_loop3A_262 = arith.index_cast %parallel_loop3A_102 : i32 to index
        %parallel_loop3A_263 = tpu.vector_load %arg9[%parallel_loop3A_260, %parallel_loop3A_261, %parallel_loop3A_262] {strides = array<i32>} : memref<3x8x512xf32, #tpu.memory_space<vmem>>, vector<16xf32>,
        tpu.vector_store %arg9[%parallel_loop3A_260, %parallel_loop3A_261, %parallel_loop3A_262], %parallel_loop3A_257 {strides = array<i32>} : memref<3x8x512xf32, #tpu.memory_space<vmem>>, vector<16xf32>,
        %parallel_loop3A_264 = tpu.vector_load_idx %arg5[%broadcast_in_dim3A_5, %parallel_loop3A_256] : memref<3x10xf32, #tpu.memory_space<vmem>>[vector<16xi32>, vector<16xi32>], vector<16xf32>,
        %parallel_loop3A_265 = arith.constant 1 : i32
        %parallel_loop3A_266 = arith.constant 6 : i32
        %parallel_loop3A_267 = arith.index_cast %parallel_loop3A_265 : i32 to index
        %parallel_loop3A_268 = arith.index_cast %parallel_loop3A_266 : i32 to index
        %parallel_loop3A_269 = arith.index_cast %parallel_loop3A_102 : i32 to index
        %parallel_loop3A_270 = tpu.vector_load %arg9[%parallel_loop3A_267, %parallel_loop3A_268, %parallel_loop3A_269] {strides = array<i32>} : memref<3x8x512xf32, #tpu.memory_space<vmem>>, vector<16xf32>,
        tpu.vector_store %arg9[%parallel_loop3A_267, %parallel_loop3A_268, %parallel_loop3A_269], %parallel_loop3A_264 {strides = array<i32>} : memref<3x8x512xf32, #tpu.memory_space<vmem>>, vector<16xf32>,
        %parallel_loop3A_271 = tpu.vector_load_idx %arg5[%broadcast_in_dim3A_7, %parallel_loop3A_256] : memref<3x10xf32, #tpu.memory_space<vmem>>[vector<16xi32>, vector<16xi32>], vector<16xf32>,
        %parallel_loop3A_272 = arith.constant 2 : i32
        %parallel_loop3A_273 = arith.constant 6 : i32
        %parallel_loop3A_274 = arith.index_cast %parallel_loop3A_272 : i32 to index
        %parallel_loop3A_275 = arith.index_cast %parallel_loop3A_273 : i32 to index
        %parallel_loop3A_276 = arith.index_cast %parallel_loop3A_102 : i32 to index
        %parallel_loop3A_277 = tpu.vector_load %arg9[%parallel_loop3A_274, %parallel_loop3A_275, %parallel_loop3A_276] {strides = array<i32>} : memref<3x8x512xf32, #tpu.memory_space<vmem>>, vector<16xf32>,
        tpu.vector_store %arg9[%parallel_loop3A_274, %parallel_loop3A_275, %parallel_loop3A_276], %parallel_loop3A_271 {strides = array<i32>} : memref<3x8x512xf32, #tpu.memory_space<vmem>>, vector<16xf32>,
        %parallel_loop3A_278 = arith.constant 7 : i32
        %parallel_loop3A_279 = arith.index_cast %parallel_loop3A_278 : i32 to index
        %parallel_loop3A_280 = arith.index_cast %parallel_loop3A_102 : i32 to index
        %parallel_loop3A_281 = tpu.vector_load %arg7[%parallel_loop3A_279, %parallel_loop3A_280] {strides = array<i32>} : memref<8x512xi32, #tpu.memory_space<vmem>>, vector<16xi32>,
        %parallel_loop3A_282 = tpu.vector_load_idx %arg5[%broadcast_in_dim3A_3, %parallel_loop3A_281] : memref<3x10xf32, #tpu.memory_space<vmem>>[vector<16xi32>, vector<16xi32>], vector<16xf32>,
        %parallel_loop3A_283 = arith.constant 0 : i32
        %parallel_loop3A_284 = arith.constant 7 : i32
        %parallel_loop3A_285 = arith.index_cast %parallel_loop3A_283 : i32 to index
        %parallel_loop3A_286 = arith.index_cast %parallel_loop3A_284 : i32 to index
        %parallel_loop3A_287 = arith.index_cast %parallel_loop3A_102 : i32 to index
        %parallel_loop3A_288 = tpu.vector_load %arg9[%parallel_loop3A_285, %parallel_loop3A_286, %parallel_loop3A_287] {strides = array<i32>} : memref<3x8x512xf32, #tpu.memory_space<vmem>>, vector<16xf32>,
        tpu.vector_store %arg9[%parallel_loop3A_285, %parallel_loop3A_286, %parallel_loop3A_287], %parallel_loop3A_282 {strides = array<i32>} : memref<3x8x512xf32, #tpu.memory_space<vmem>>, vector<16xf32>,
        %parallel_loop3A_289 = tpu.vector_load_idx %arg5[%broadcast_in_dim3A_5, %parallel_loop3A_281] : memref<3x10xf32, #tpu.memory_space<vmem>>[vector<16xi32>, vector<16xi32>], vector<16xf32>,
        %parallel_loop3A_290 = arith.constant 1 : i32
        %parallel_loop3A_291 = arith.constant 7 : i32
        %parallel_loop3A_292 = arith.index_cast %parallel_loop3A_290 : i32 to index
        %parallel_loop3A_293 = arith.index_cast %parallel_loop3A_291 : i32 to index
        %parallel_loop3A_294 = arith.index_cast %parallel_loop3A_102 : i32 to index
        %parallel_loop3A_295 = tpu.vector_load %arg9[%parallel_loop3A_292, %parallel_loop3A_293, %parallel_loop3A_294] {strides = array<i32>} : memref<3x8x512xf32, #tpu.memory_space<vmem>>, vector<16xf32>,
        tpu.vector_store %arg9[%parallel_loop3A_292, %parallel_loop3A_293, %parallel_loop3A_294], %parallel_loop3A_289 {strides = array<i32>} : memref<3x8x512xf32, #tpu.memory_space<vmem>>, vector<16xf32>,
        %parallel_loop3A_296 = tpu.vector_load_idx %arg5[%broadcast_in_dim3A_7, %parallel_loop3A_281] : memref<3x10xf32, #tpu.memory_space<vmem>>[vector<16xi32>, vector<16xi32>], vector<16xf32>,
        %parallel_loop3A_297 = arith.constant 2 : i32
        %parallel_loop3A_298 = arith.constant 7 : i32
        %parallel_loop3A_299 = arith.index_cast %parallel_loop3A_297 : i32 to index
        %parallel_loop3A_300 = arith.index_cast %parallel_loop3A_298 : i32 to index
        %parallel_loop3A_301 = arith.index_cast %parallel_loop3A_102 : i32 to index
        %parallel_loop3A_302 = tpu.vector_load %arg9[%parallel_loop3A_299, %parallel_loop3A_300, %parallel_loop3A_301] {strides = array<i32>} : memref<3x8x512xf32, #tpu.memory_space<vmem>>, vector<16xf32>,
        tpu.vector_store %arg9[%parallel_loop3A_299, %parallel_loop3A_300, %parallel_loop3A_301], %parallel_loop3A_296 {strides = array<i32>} : memref<3x8x512xf32, #tpu.memory_space<vmem>>, vector<16xf32>,
      } {sc.loop_unroll_factor = 2 : i64, sc.parallel_access}
      %mul3A_94 = arith.constant 8 : i32
      %mul3A_95 = arith.muli %add3A_74, %mul3A_94 : i32
      %dma_start3A_96 = arith.constant 0 : i32
      %dma_start3A_97 = tpu.memref_slice %arg4[%dma_start3A_96, %mul3A_95, %mul3A_2] : memref<3x200x16384xf32, #tpu.memory_space<hbm>> -> memref<3x8x512xf32, #tpu.memory_space<hbm>>
      %dma_start3A_98 = arith.constant 0 : i32
      %dma_start3A_99 = tpu.memref_slice %arg4[%dma_start3A_98, %mul3A_95, %mul3A_2] : memref<3x200x16384xf32, #tpu.memory_space<hbm>> -> memref<3x8x512xf32, #tpu.memory_space<hbm>>
      tpu.enqueue_dma source(%arg9 : memref<3x8x512xf32, #tpu.memory_space<vmem>>) target(%dma_start3A_99 : memref<3x8x512xf32, #tpu.memory_space<hbm>>) target_semaphore(%arg13 : memref<!tpu.dma_semaphore, #tpu.memory_space<semaphore_mem>>)
    }
    %scan3A_15 = arith.constant 12 : i32
    %dma_wait3A = arith.constant 192 : i32
    %dma_wait3A_16 = tpu.memref_slice %arg2[%dma_wait3A, %mul3A_2] : memref<200x16384xi32, #tpu.memory_space<hbm>> -> memref<8x512xi32, #tpu.memory_space<hbm>>
    %dma_wait3A_17 = arith.constant 192 : i32
    %dma_wait3A_18 = tpu.memref_slice %arg2[%dma_wait3A_17, %mul3A_2] : memref<200x16384xi32, #tpu.memory_space<hbm>> -> memref<8x512xi32, #tpu.memory_space<hbm>>
    tpu.wait_dma2 semaphore(%arg10 : memref<!tpu.dma_semaphore, #tpu.memory_space<semaphore_mem>>) src(%dma_wait3A_18 : memref<8x512xi32, #tpu.memory_space<hbm>>) dst(%arg6 : memref<8x512xi32, #tpu.memory_space<vmem>>)
    %dma_wait3A_19 = arith.constant 0 : i32
    %dma_wait3A_20 = arith.constant 176 : i32
    %dma_wait3A_21 = tpu.memref_slice %arg4[%dma_wait3A_19, %dma_wait3A_20, %mul3A_2] : memref<3x200x16384xf32, #tpu.memory_space<hbm>> -> memref<3x8x512xf32, #tpu.memory_space<hbm>>
    %dma_wait3A_22 = arith.constant 0 : i32
    %dma_wait3A_23 = arith.constant 176 : i32
    %dma_wait3A_24 = tpu.memref_slice %arg4[%dma_wait3A_22, %dma_wait3A_23, %mul3A_2] : memref<3x200x16384xf32, #tpu.memory_space<hbm>> -> memref<3x8x512xf32, #tpu.memory_space<hbm>>
    tpu.wait_dma2 semaphore(%arg12 : memref<!tpu.dma_semaphore, #tpu.memory_space<semaphore_mem>>) src(%arg8 : memref<3x8x512xf32, #tpu.memory_space<vmem>>) dst(%dma_wait3A_24 : memref<3x8x512xf32, #tpu.memory_space<hbm>>)
    %parallel_loop3A = arith.constant 0 : i32
    %parallel_loop3A_25 = arith.constant 32 : i32
    %parallel_loop3A_26 = arith.constant 1 : i32
    scf.for %parallel_loop3A_45 = %parallel_loop3A to %parallel_loop3A_25 step %parallel_loop3A_26  : i32 {
      %parallel_loop3A_46 = arith.constant 16 : i32
      %parallel_loop3A_47 = arith.muli %parallel_loop3A_45, %parallel_loop3A_46 : i32
      %parallel_loop3A_48 = arith.constant 0 : i32
      %parallel_loop3A_49 = arith.index_cast %parallel_loop3A_48 : i32 to index
      %parallel_loop3A_50 = arith.index_cast %parallel_loop3A_47 : i32 to index
      %parallel_loop3A_51 = tpu.vector_load %arg6[%parallel_loop3A_49, %parallel_loop3A_50] {strides = array<i32>} : memref<8x512xi32, #tpu.memory_space<vmem>>, vector<16xi32>,
      %parallel_loop3A_52 = tpu.vector_load_idx %arg5[%broadcast_in_dim3A_3, %parallel_loop3A_51] : memref<3x10xf32, #tpu.memory_space<vmem>>[vector<16xi32>, vector<16xi32>], vector<16xf32>,
      %parallel_loop3A_53 = arith.constant 0 : i32
      %parallel_loop3A_54 = arith.constant 0 : i32
      %parallel_loop3A_55 = arith.index_cast %parallel_loop3A_53 : i32 to index
      %parallel_loop3A_56 = arith.index_cast %parallel_loop3A_54 : i32 to index
      %parallel_loop3A_57 = arith.index_cast %parallel_loop3A_47 : i32 to index
      %parallel_loop3A_58 = tpu.vector_load %arg8[%parallel_loop3A_55, %parallel_loop3A_56, %parallel_loop3A_57] {strides = array<i32>} : memref<3x8x512xf32, #tpu.memory_space<vmem>>, vector<16xf32>,
      tpu.vector_store %arg8[%parallel_loop3A_55, %parallel_loop3A_56, %parallel_loop3A_57], %parallel_loop3A_52 {strides = array<i32>} : memref<3x8x512xf32, #tpu.memory_space<vmem>>, vector<16xf32>,
      %parallel_loop3A_59 = tpu.vector_load_idx %arg5[%broadcast_in_dim3A_5, %parallel_loop3A_51] : memref<3x10xf32, #tpu.memory_space<vmem>>[vector<16xi32>, vector<16xi32>], vector<16xf32>,
      %parallel_loop3A_60 = arith.constant 1 : i32
      %parallel_loop3A_61 = arith.constant 0 : i32
      %parallel_loop3A_62 = arith.index_cast %parallel_loop3A_60 : i32 to index
      %parallel_loop3A_63 = arith.index_cast %parallel_loop3A_61 : i32 to index
      %parallel_loop3A_64 = arith.index_cast %parallel_loop3A_47 : i32 to index
      %parallel_loop3A_65 = tpu.vector_load %arg8[%parallel_loop3A_62, %parallel_loop3A_63, %parallel_loop3A_64] {strides = array<i32>} : memref<3x8x512xf32, #tpu.memory_space<vmem>>, vector<16xf32>,
      tpu.vector_store %arg8[%parallel_loop3A_62, %parallel_loop3A_63, %parallel_loop3A_64], %parallel_loop3A_59 {strides = array<i32>} : memref<3x8x512xf32, #tpu.memory_space<vmem>>, vector<16xf32>,
      %parallel_loop3A_66 = tpu.vector_load_idx %arg5[%broadcast_in_dim3A_7, %parallel_loop3A_51] : memref<3x10xf32, #tpu.memory_space<vmem>>[vector<16xi32>, vector<16xi32>], vector<16xf32>,
      %parallel_loop3A_67 = arith.constant 2 : i32
      %parallel_loop3A_68 = arith.constant 0 : i32
      %parallel_loop3A_69 = arith.index_cast %parallel_loop3A_67 : i32 to index
      %parallel_loop3A_70 = arith.index_cast %parallel_loop3A_68 : i32 to index
      %parallel_loop3A_71 = arith.index_cast %parallel_loop3A_47 : i32 to index
      %parallel_loop3A_72 = tpu.vector_load %arg8[%parallel_loop3A_69, %parallel_loop3A_70, %parallel_loop3A_71] {strides = array<i32>} : memref<3x8x512xf32, #tpu.memory_space<vmem>>, vector<16xf32>,
      tpu.vector_store %arg8[%parallel_loop3A_69, %parallel_loop3A_70, %parallel_loop3A_71], %parallel_loop3A_66 {strides = array<i32>} : memref<3x8x512xf32, #tpu.memory_space<vmem>>, vector<16xf32>,
      %parallel_loop3A_73 = arith.constant 1 : i32
      %parallel_loop3A_74 = arith.index_cast %parallel_loop3A_73 : i32 to index
      %parallel_loop3A_75 = arith.index_cast %parallel_loop3A_47 : i32 to index
      %parallel_loop3A_76 = tpu.vector_load %arg6[%parallel_loop3A_74, %parallel_loop3A_75] {strides = array<i32>} : memref<8x512xi32, #tpu.memory_space<vmem>>, vector<16xi32>,
      %parallel_loop3A_77 = tpu.vector_load_idx %arg5[%broadcast_in_dim3A_3, %parallel_loop3A_76] : memref<3x10xf32, #tpu.memory_space<vmem>>[vector<16xi32>, vector<16xi32>], vector<16xf32>,
      %parallel_loop3A_78 = arith.constant 0 : i32
      %parallel_loop3A_79 = arith.constant 1 : i32
      %parallel_loop3A_80 = arith.index_cast %parallel_loop3A_78 : i32 to index
      %parallel_loop3A_81 = arith.index_cast %parallel_loop3A_79 : i32 to index
      %parallel_loop3A_82 = arith.index_cast %parallel_loop3A_47 : i32 to index
      %parallel_loop3A_83 = tpu.vector_load %arg8[%parallel_loop3A_80, %parallel_loop3A_81, %parallel_loop3A_82] {strides = array<i32>} : memref<3x8x512xf32, #tpu.memory_space<vmem>>, vector<16xf32>,
      tpu.vector_store %arg8[%parallel_loop3A_80, %parallel_loop3A_81, %parallel_loop3A_82], %parallel_loop3A_77 {strides = array<i32>} : memref<3x8x512xf32, #tpu.memory_space<vmem>>, vector<16xf32>,
      %parallel_loop3A_84 = tpu.vector_load_idx %arg5[%broadcast_in_dim3A_5, %parallel_loop3A_76] : memref<3x10xf32, #tpu.memory_space<vmem>>[vector<16xi32>, vector<16xi32>], vector<16xf32>,
      %parallel_loop3A_85 = arith.constant 1 : i32
      %parallel_loop3A_86 = arith.constant 1 : i32
      %parallel_loop3A_87 = arith.index_cast %parallel_loop3A_85 : i32 to index
      %parallel_loop3A_88 = arith.index_cast %parallel_loop3A_86 : i32 to index
      %parallel_loop3A_89 = arith.index_cast %parallel_loop3A_47 : i32 to index
      %parallel_loop3A_90 = tpu.vector_load %arg8[%parallel_loop3A_87, %parallel_loop3A_88, %parallel_loop3A_89] {strides = array<i32>} : memref<3x8x512xf32, #tpu.memory_space<vmem>>, vector<16xf32>,
      tpu.vector_store %arg8[%parallel_loop3A_87, %parallel_loop3A_88, %parallel_loop3A_89], %parallel_loop3A_84 {strides = array<i32>} : memref<3x8x512xf32, #tpu.memory_space<vmem>>, vector<16xf32>,
      %parallel_loop3A_91 = tpu.vector_load_idx %arg5[%broadcast_in_dim3A_7, %parallel_loop3A_76] : memref<3x10xf32, #tpu.memory_space<vmem>>[vector<16xi32>, vector<16xi32>], vector<16xf32>,
      %parallel_loop3A_92 = arith.constant 2 : i32
      %parallel_loop3A_93 = arith.constant 1 : i32
      %parallel_loop3A_94 = arith.index_cast %parallel_loop3A_92 : i32 to index
      %parallel_loop3A_95 = arith.index_cast %parallel_loop3A_93 : i32 to index
      %parallel_loop3A_96 = arith.index_cast %parallel_loop3A_47 : i32 to index
      %parallel_loop3A_97 = tpu.vector_load %arg8[%parallel_loop3A_94, %parallel_loop3A_95, %parallel_loop3A_96] {strides = array<i32>} : memref<3x8x512xf32, #tpu.memory_space<vmem>>, vector<16xf32>,
      tpu.vector_store %arg8[%parallel_loop3A_94, %parallel_loop3A_95, %parallel_loop3A_96], %parallel_loop3A_91 {strides = array<i32>} : memref<3x8x512xf32, #tpu.memory_space<vmem>>, vector<16xf32>,
      %parallel_loop3A_98 = arith.constant 2 : i32
      %parallel_loop3A_99 = arith.index_cast %parallel_loop3A_98 : i32 to index
      %parallel_loop3A_100 = arith.index_cast %parallel_loop3A_47 : i32 to index
      %parallel_loop3A_101 = tpu.vector_load %arg6[%parallel_loop3A_99, %parallel_loop3A_100] {strides = array<i32>} : memref<8x512xi32, #tpu.memory_space<vmem>>, vector<16xi32>,
      %parallel_loop3A_102 = tpu.vector_load_idx %arg5[%broadcast_in_dim3A_3, %parallel_loop3A_101] : memref<3x10xf32, #tpu.memory_space<vmem>>[vector<16xi32>, vector<16xi32>], vector<16xf32>,
      %parallel_loop3A_103 = arith.constant 0 : i32
      %parallel_loop3A_104 = arith.constant 2 : i32
      %parallel_loop3A_105 = arith.index_cast %parallel_loop3A_103 : i32 to index
      %parallel_loop3A_106 = arith.index_cast %parallel_loop3A_104 : i32 to index
      %parallel_loop3A_107 = arith.index_cast %parallel_loop3A_47 : i32 to index
      %parallel_loop3A_108 = tpu.vector_load %arg8[%parallel_loop3A_105, %parallel_loop3A_106, %parallel_loop3A_107] {strides = array<i32>} : memref<3x8x512xf32, #tpu.memory_space<vmem>>, vector<16xf32>,
      tpu.vector_store %arg8[%parallel_loop3A_105, %parallel_loop3A_106, %parallel_loop3A_107], %parallel_loop3A_102 {strides = array<i32>} : memref<3x8x512xf32, #tpu.memory_space<vmem>>, vector<16xf32>,
      %parallel_loop3A_109 = tpu.vector_load_idx %arg5[%broadcast_in_dim3A_5, %parallel_loop3A_101] : memref<3x10xf32, #tpu.memory_space<vmem>>[vector<16xi32>, vector<16xi32>], vector<16xf32>,
      %parallel_loop3A_110 = arith.constant 1 : i32
      %parallel_loop3A_111 = arith.constant 2 : i32
      %parallel_loop3A_112 = arith.index_cast %parallel_loop3A_110 : i32 to index
      %parallel_loop3A_113 = arith.index_cast %parallel_loop3A_111 : i32 to index
      %parallel_loop3A_114 = arith.index_cast %parallel_loop3A_47 : i32 to index
      %parallel_loop3A_115 = tpu.vector_load %arg8[%parallel_loop3A_112, %parallel_loop3A_113, %parallel_loop3A_114] {strides = array<i32>} : memref<3x8x512xf32, #tpu.memory_space<vmem>>, vector<16xf32>,
      tpu.vector_store %arg8[%parallel_loop3A_112, %parallel_loop3A_113, %parallel_loop3A_114], %parallel_loop3A_109 {strides = array<i32>} : memref<3x8x512xf32, #tpu.memory_space<vmem>>, vector<16xf32>,
      %parallel_loop3A_116 = tpu.vector_load_idx %arg5[%broadcast_in_dim3A_7, %parallel_loop3A_101] : memref<3x10xf32, #tpu.memory_space<vmem>>[vector<16xi32>, vector<16xi32>], vector<16xf32>,
      %parallel_loop3A_117 = arith.constant 2 : i32
      %parallel_loop3A_118 = arith.constant 2 : i32
      %parallel_loop3A_119 = arith.index_cast %parallel_loop3A_117 : i32 to index
      %parallel_loop3A_120 = arith.index_cast %parallel_loop3A_118 : i32 to index
      %parallel_loop3A_121 = arith.index_cast %parallel_loop3A_47 : i32 to index
      %parallel_loop3A_122 = tpu.vector_load %arg8[%parallel_loop3A_119, %parallel_loop3A_120, %parallel_loop3A_121] {strides = array<i32>} : memref<3x8x512xf32, #tpu.memory_space<vmem>>, vector<16xf32>,
      tpu.vector_store %arg8[%parallel_loop3A_119, %parallel_loop3A_120, %parallel_loop3A_121], %parallel_loop3A_116 {strides = array<i32>} : memref<3x8x512xf32, #tpu.memory_space<vmem>>, vector<16xf32>,
      %parallel_loop3A_123 = arith.constant 3 : i32
      %parallel_loop3A_124 = arith.index_cast %parallel_loop3A_123 : i32 to index
      %parallel_loop3A_125 = arith.index_cast %parallel_loop3A_47 : i32 to index
      %parallel_loop3A_126 = tpu.vector_load %arg6[%parallel_loop3A_124, %parallel_loop3A_125] {strides = array<i32>} : memref<8x512xi32, #tpu.memory_space<vmem>>, vector<16xi32>,
      %parallel_loop3A_127 = tpu.vector_load_idx %arg5[%broadcast_in_dim3A_3, %parallel_loop3A_126] : memref<3x10xf32, #tpu.memory_space<vmem>>[vector<16xi32>, vector<16xi32>], vector<16xf32>,
      %parallel_loop3A_128 = arith.constant 0 : i32
      %parallel_loop3A_129 = arith.constant 3 : i32
      %parallel_loop3A_130 = arith.index_cast %parallel_loop3A_128 : i32 to index
      %parallel_loop3A_131 = arith.index_cast %parallel_loop3A_129 : i32 to index
      %parallel_loop3A_132 = arith.index_cast %parallel_loop3A_47 : i32 to index
      %parallel_loop3A_133 = tpu.vector_load %arg8[%parallel_loop3A_130, %parallel_loop3A_131, %parallel_loop3A_132] {strides = array<i32>} : memref<3x8x512xf32, #tpu.memory_space<vmem>>, vector<16xf32>,
      tpu.vector_store %arg8[%parallel_loop3A_130, %parallel_loop3A_131, %parallel_loop3A_132], %parallel_loop3A_127 {strides = array<i32>} : memref<3x8x512xf32, #tpu.memory_space<vmem>>, vector<16xf32>,
      %parallel_loop3A_134 = tpu.vector_load_idx %arg5[%broadcast_in_dim3A_5, %parallel_loop3A_126] : memref<3x10xf32, #tpu.memory_space<vmem>>[vector<16xi32>, vector<16xi32>], vector<16xf32>,
      %parallel_loop3A_135 = arith.constant 1 : i32
      %parallel_loop3A_136 = arith.constant 3 : i32
      %parallel_loop3A_137 = arith.index_cast %parallel_loop3A_135 : i32 to index
      %parallel_loop3A_138 = arith.index_cast %parallel_loop3A_136 : i32 to index
      %parallel_loop3A_139 = arith.index_cast %parallel_loop3A_47 : i32 to index
      %parallel_loop3A_140 = tpu.vector_load %arg8[%parallel_loop3A_137, %parallel_loop3A_138, %parallel_loop3A_139] {strides = array<i32>} : memref<3x8x512xf32, #tpu.memory_space<vmem>>, vector<16xf32>,
      tpu.vector_store %arg8[%parallel_loop3A_137, %parallel_loop3A_138, %parallel_loop3A_139], %parallel_loop3A_134 {strides = array<i32>} : memref<3x8x512xf32, #tpu.memory_space<vmem>>, vector<16xf32>,
      %parallel_loop3A_141 = tpu.vector_load_idx %arg5[%broadcast_in_dim3A_7, %parallel_loop3A_126] : memref<3x10xf32, #tpu.memory_space<vmem>>[vector<16xi32>, vector<16xi32>], vector<16xf32>,
      %parallel_loop3A_142 = arith.constant 2 : i32
      %parallel_loop3A_143 = arith.constant 3 : i32
      %parallel_loop3A_144 = arith.index_cast %parallel_loop3A_142 : i32 to index
      %parallel_loop3A_145 = arith.index_cast %parallel_loop3A_143 : i32 to index
      %parallel_loop3A_146 = arith.index_cast %parallel_loop3A_47 : i32 to index
      %parallel_loop3A_147 = tpu.vector_load %arg8[%parallel_loop3A_144, %parallel_loop3A_145, %parallel_loop3A_146] {strides = array<i32>} : memref<3x8x512xf32, #tpu.memory_space<vmem>>, vector<16xf32>,
      tpu.vector_store %arg8[%parallel_loop3A_144, %parallel_loop3A_145, %parallel_loop3A_146], %parallel_loop3A_141 {strides = array<i32>} : memref<3x8x512xf32, #tpu.memory_space<vmem>>, vector<16xf32>,
      %parallel_loop3A_148 = arith.constant 4 : i32
      %parallel_loop3A_149 = arith.index_cast %parallel_loop3A_148 : i32 to index
      %parallel_loop3A_150 = arith.index_cast %parallel_loop3A_47 : i32 to index
      %parallel_loop3A_151 = tpu.vector_load %arg6[%parallel_loop3A_149, %parallel_loop3A_150] {strides = array<i32>} : memref<8x512xi32, #tpu.memory_space<vmem>>, vector<16xi32>,
      %parallel_loop3A_152 = tpu.vector_load_idx %arg5[%broadcast_in_dim3A_3, %parallel_loop3A_151] : memref<3x10xf32, #tpu.memory_space<vmem>>[vector<16xi32>, vector<16xi32>], vector<16xf32>,
      %parallel_loop3A_153 = arith.constant 0 : i32
      %parallel_loop3A_154 = arith.constant 4 : i32
      %parallel_loop3A_155 = arith.index_cast %parallel_loop3A_153 : i32 to index
      %parallel_loop3A_156 = arith.index_cast %parallel_loop3A_154 : i32 to index
      %parallel_loop3A_157 = arith.index_cast %parallel_loop3A_47 : i32 to index
      %parallel_loop3A_158 = tpu.vector_load %arg8[%parallel_loop3A_155, %parallel_loop3A_156, %parallel_loop3A_157] {strides = array<i32>} : memref<3x8x512xf32, #tpu.memory_space<vmem>>, vector<16xf32>,
      tpu.vector_store %arg8[%parallel_loop3A_155, %parallel_loop3A_156, %parallel_loop3A_157], %parallel_loop3A_152 {strides = array<i32>} : memref<3x8x512xf32, #tpu.memory_space<vmem>>, vector<16xf32>,
      %parallel_loop3A_159 = tpu.vector_load_idx %arg5[%broadcast_in_dim3A_5, %parallel_loop3A_151] : memref<3x10xf32, #tpu.memory_space<vmem>>[vector<16xi32>, vector<16xi32>], vector<16xf32>,
      %parallel_loop3A_160 = arith.constant 1 : i32
      %parallel_loop3A_161 = arith.constant 4 : i32
      %parallel_loop3A_162 = arith.index_cast %parallel_loop3A_160 : i32 to index
      %parallel_loop3A_163 = arith.index_cast %parallel_loop3A_161 : i32 to index
      %parallel_loop3A_164 = arith.index_cast %parallel_loop3A_47 : i32 to index
      %parallel_loop3A_165 = tpu.vector_load %arg8[%parallel_loop3A_162, %parallel_loop3A_163, %parallel_loop3A_164] {strides = array<i32>} : memref<3x8x512xf32, #tpu.memory_space<vmem>>, vector<16xf32>,
      tpu.vector_store %arg8[%parallel_loop3A_162, %parallel_loop3A_163, %parallel_loop3A_164], %parallel_loop3A_159 {strides = array<i32>} : memref<3x8x512xf32, #tpu.memory_space<vmem>>, vector<16xf32>,
      %parallel_loop3A_166 = tpu.vector_load_idx %arg5[%broadcast_in_dim3A_7, %parallel_loop3A_151] : memref<3x10xf32, #tpu.memory_space<vmem>>[vector<16xi32>, vector<16xi32>], vector<16xf32>,
      %parallel_loop3A_167 = arith.constant 2 : i32
      %parallel_loop3A_168 = arith.constant 4 : i32
      %parallel_loop3A_169 = arith.index_cast %parallel_loop3A_167 : i32 to index
      %parallel_loop3A_170 = arith.index_cast %parallel_loop3A_168 : i32 to index
      %parallel_loop3A_171 = arith.index_cast %parallel_loop3A_47 : i32 to index
      %parallel_loop3A_172 = tpu.vector_load %arg8[%parallel_loop3A_169, %parallel_loop3A_170, %parallel_loop3A_171] {strides = array<i32>} : memref<3x8x512xf32, #tpu.memory_space<vmem>>, vector<16xf32>,
      tpu.vector_store %arg8[%parallel_loop3A_169, %parallel_loop3A_170, %parallel_loop3A_171], %parallel_loop3A_166 {strides = array<i32>} : memref<3x8x512xf32, #tpu.memory_space<vmem>>, vector<16xf32>,
      %parallel_loop3A_173 = arith.constant 5 : i32
      %parallel_loop3A_174 = arith.index_cast %parallel_loop3A_173 : i32 to index
      %parallel_loop3A_175 = arith.index_cast %parallel_loop3A_47 : i32 to index
      %parallel_loop3A_176 = tpu.vector_load %arg6[%parallel_loop3A_174, %parallel_loop3A_175] {strides = array<i32>} : memref<8x512xi32, #tpu.memory_space<vmem>>, vector<16xi32>,
      %parallel_loop3A_177 = tpu.vector_load_idx %arg5[%broadcast_in_dim3A_3, %parallel_loop3A_176] : memref<3x10xf32, #tpu.memory_space<vmem>>[vector<16xi32>, vector<16xi32>], vector<16xf32>,
      %parallel_loop3A_178 = arith.constant 0 : i32
      %parallel_loop3A_179 = arith.constant 5 : i32
      %parallel_loop3A_180 = arith.index_cast %parallel_loop3A_178 : i32 to index
      %parallel_loop3A_181 = arith.index_cast %parallel_loop3A_179 : i32 to index
      %parallel_loop3A_182 = arith.index_cast %parallel_loop3A_47 : i32 to index
      %parallel_loop3A_183 = tpu.vector_load %arg8[%parallel_loop3A_180, %parallel_loop3A_181, %parallel_loop3A_182] {strides = array<i32>} : memref<3x8x512xf32, #tpu.memory_space<vmem>>, vector<16xf32>,
      tpu.vector_store %arg8[%parallel_loop3A_180, %parallel_loop3A_181, %parallel_loop3A_182], %parallel_loop3A_177 {strides = array<i32>} : memref<3x8x512xf32, #tpu.memory_space<vmem>>, vector<16xf32>,
      %parallel_loop3A_184 = tpu.vector_load_idx %arg5[%broadcast_in_dim3A_5, %parallel_loop3A_176] : memref<3x10xf32, #tpu.memory_space<vmem>>[vector<16xi32>, vector<16xi32>], vector<16xf32>,
      %parallel_loop3A_185 = arith.constant 1 : i32
      %parallel_loop3A_186 = arith.constant 5 : i32
      %parallel_loop3A_187 = arith.index_cast %parallel_loop3A_185 : i32 to index
      %parallel_loop3A_188 = arith.index_cast %parallel_loop3A_186 : i32 to index
      %parallel_loop3A_189 = arith.index_cast %parallel_loop3A_47 : i32 to index
      %parallel_loop3A_190 = tpu.vector_load %arg8[%parallel_loop3A_187, %parallel_loop3A_188, %parallel_loop3A_189] {strides = array<i32>} : memref<3x8x512xf32, #tpu.memory_space<vmem>>, vector<16xf32>,
      tpu.vector_store %arg8[%parallel_loop3A_187, %parallel_loop3A_188, %parallel_loop3A_189], %parallel_loop3A_184 {strides = array<i32>} : memref<3x8x512xf32, #tpu.memory_space<vmem>>, vector<16xf32>,
      %parallel_loop3A_191 = tpu.vector_load_idx %arg5[%broadcast_in_dim3A_7, %parallel_loop3A_176] : memref<3x10xf32, #tpu.memory_space<vmem>>[vector<16xi32>, vector<16xi32>], vector<16xf32>,
      %parallel_loop3A_192 = arith.constant 2 : i32
      %parallel_loop3A_193 = arith.constant 5 : i32
      %parallel_loop3A_194 = arith.index_cast %parallel_loop3A_192 : i32 to index
      %parallel_loop3A_195 = arith.index_cast %parallel_loop3A_193 : i32 to index
      %parallel_loop3A_196 = arith.index_cast %parallel_loop3A_47 : i32 to index
      %parallel_loop3A_197 = tpu.vector_load %arg8[%parallel_loop3A_194, %parallel_loop3A_195, %parallel_loop3A_196] {strides = array<i32>} : memref<3x8x512xf32, #tpu.memory_space<vmem>>, vector<16xf32>,
      tpu.vector_store %arg8[%parallel_loop3A_194, %parallel_loop3A_195, %parallel_loop3A_196], %parallel_loop3A_191 {strides = array<i32>} : memref<3x8x512xf32, #tpu.memory_space<vmem>>, vector<16xf32>,
      %parallel_loop3A_198 = arith.constant 6 : i32
      %parallel_loop3A_199 = arith.index_cast %parallel_loop3A_198 : i32 to index
      %parallel_loop3A_200 = arith.index_cast %parallel_loop3A_47 : i32 to index
      %parallel_loop3A_201 = tpu.vector_load %arg6[%parallel_loop3A_199, %parallel_loop3A_200] {strides = array<i32>} : memref<8x512xi32, #tpu.memory_space<vmem>>, vector<16xi32>,
      %parallel_loop3A_202 = tpu.vector_load_idx %arg5[%broadcast_in_dim3A_3, %parallel_loop3A_201] : memref<3x10xf32, #tpu.memory_space<vmem>>[vector<16xi32>, vector<16xi32>], vector<16xf32>,
      %parallel_loop3A_203 = arith.constant 0 : i32
      %parallel_loop3A_204 = arith.constant 6 : i32
      %parallel_loop3A_205 = arith.index_cast %parallel_loop3A_203 : i32 to index
      %parallel_loop3A_206 = arith.index_cast %parallel_loop3A_204 : i32 to index
      %parallel_loop3A_207 = arith.index_cast %parallel_loop3A_47 : i32 to index
      %parallel_loop3A_208 = tpu.vector_load %arg8[%parallel_loop3A_205, %parallel_loop3A_206, %parallel_loop3A_207] {strides = array<i32>} : memref<3x8x512xf32, #tpu.memory_space<vmem>>, vector<16xf32>,
      tpu.vector_store %arg8[%parallel_loop3A_205, %parallel_loop3A_206, %parallel_loop3A_207], %parallel_loop3A_202 {strides = array<i32>} : memref<3x8x512xf32, #tpu.memory_space<vmem>>, vector<16xf32>,
      %parallel_loop3A_209 = tpu.vector_load_idx %arg5[%broadcast_in_dim3A_5, %parallel_loop3A_201] : memref<3x10xf32, #tpu.memory_space<vmem>>[vector<16xi32>, vector<16xi32>], vector<16xf32>,
      %parallel_loop3A_210 = arith.constant 1 : i32
      %parallel_loop3A_211 = arith.constant 6 : i32
      %parallel_loop3A_212 = arith.index_cast %parallel_loop3A_210 : i32 to index
      %parallel_loop3A_213 = arith.index_cast %parallel_loop3A_211 : i32 to index
      %parallel_loop3A_214 = arith.index_cast %parallel_loop3A_47 : i32 to index
      %parallel_loop3A_215 = tpu.vector_load %arg8[%parallel_loop3A_212, %parallel_loop3A_213, %parallel_loop3A_214] {strides = array<i32>} : memref<3x8x512xf32, #tpu.memory_space<vmem>>, vector<16xf32>,
      tpu.vector_store %arg8[%parallel_loop3A_212, %parallel_loop3A_213, %parallel_loop3A_214], %parallel_loop3A_209 {strides = array<i32>} : memref<3x8x512xf32, #tpu.memory_space<vmem>>, vector<16xf32>,
      %parallel_loop3A_216 = tpu.vector_load_idx %arg5[%broadcast_in_dim3A_7, %parallel_loop3A_201] : memref<3x10xf32, #tpu.memory_space<vmem>>[vector<16xi32>, vector<16xi32>], vector<16xf32>,
      %parallel_loop3A_217 = arith.constant 2 : i32
      %parallel_loop3A_218 = arith.constant 6 : i32
      %parallel_loop3A_219 = arith.index_cast %parallel_loop3A_217 : i32 to index
      %parallel_loop3A_220 = arith.index_cast %parallel_loop3A_218 : i32 to index
      %parallel_loop3A_221 = arith.index_cast %parallel_loop3A_47 : i32 to index
      %parallel_loop3A_222 = tpu.vector_load %arg8[%parallel_loop3A_219, %parallel_loop3A_220, %parallel_loop3A_221] {strides = array<i32>} : memref<3x8x512xf32, #tpu.memory_space<vmem>>, vector<16xf32>,
      tpu.vector_store %arg8[%parallel_loop3A_219, %parallel_loop3A_220, %parallel_loop3A_221], %parallel_loop3A_216 {strides = array<i32>} : memref<3x8x512xf32, #tpu.memory_space<vmem>>, vector<16xf32>,
      %parallel_loop3A_223 = arith.constant 7 : i32
      %parallel_loop3A_224 = arith.index_cast %parallel_loop3A_223 : i32 to index
      %parallel_loop3A_225 = arith.index_cast %parallel_loop3A_47 : i32 to index
      %parallel_loop3A_226 = tpu.vector_load %arg6[%parallel_loop3A_224, %parallel_loop3A_225] {strides = array<i32>} : memref<8x512xi32, #tpu.memory_space<vmem>>, vector<16xi32>,
      %parallel_loop3A_227 = tpu.vector_load_idx %arg5[%broadcast_in_dim3A_3, %parallel_loop3A_226] : memref<3x10xf32, #tpu.memory_space<vmem>>[vector<16xi32>, vector<16xi32>], vector<16xf32>,
      %parallel_loop3A_228 = arith.constant 0 : i32
      %parallel_loop3A_229 = arith.constant 7 : i32
      %parallel_loop3A_230 = arith.index_cast %parallel_loop3A_228 : i32 to index
      %parallel_loop3A_231 = arith.index_cast %parallel_loop3A_229 : i32 to index
      %parallel_loop3A_232 = arith.index_cast %parallel_loop3A_47 : i32 to index
      %parallel_loop3A_233 = tpu.vector_load %arg8[%parallel_loop3A_230, %parallel_loop3A_231, %parallel_loop3A_232] {strides = array<i32>} : memref<3x8x512xf32, #tpu.memory_space<vmem>>, vector<16xf32>,
      tpu.vector_store %arg8[%parallel_loop3A_230, %parallel_loop3A_231, %parallel_loop3A_232], %parallel_loop3A_227 {strides = array<i32>} : memref<3x8x512xf32, #tpu.memory_space<vmem>>, vector<16xf32>,
      %parallel_loop3A_234 = tpu.vector_load_idx %arg5[%broadcast_in_dim3A_5, %parallel_loop3A_226] : memref<3x10xf32, #tpu.memory_space<vmem>>[vector<16xi32>, vector<16xi32>], vector<16xf32>,
      %parallel_loop3A_235 = arith.constant 1 : i32
      %parallel_loop3A_236 = arith.constant 7 : i32
      %parallel_loop3A_237 = arith.index_cast %parallel_loop3A_235 : i32 to index
      %parallel_loop3A_238 = arith.index_cast %parallel_loop3A_236 : i32 to index
      %parallel_loop3A_239 = arith.index_cast %parallel_loop3A_47 : i32 to index
      %parallel_loop3A_240 = tpu.vector_load %arg8[%parallel_loop3A_237, %parallel_loop3A_238, %parallel_loop3A_239] {strides = array<i32>} : memref<3x8x512xf32, #tpu.memory_space<vmem>>, vector<16xf32>,
      tpu.vector_store %arg8[%parallel_loop3A_237, %parallel_loop3A_238, %parallel_loop3A_239], %parallel_loop3A_234 {strides = array<i32>} : memref<3x8x512xf32, #tpu.memory_space<vmem>>, vector<16xf32>,
      %parallel_loop3A_241 = tpu.vector_load_idx %arg5[%broadcast_in_dim3A_7, %parallel_loop3A_226] : memref<3x10xf32, #tpu.memory_space<vmem>>[vector<16xi32>, vector<16xi32>], vector<16xf32>,
      %parallel_loop3A_242 = arith.constant 2 : i32
      %parallel_loop3A_243 = arith.constant 7 : i32
      %parallel_loop3A_244 = arith.index_cast %parallel_loop3A_242 : i32 to index
      %parallel_loop3A_245 = arith.index_cast %parallel_loop3A_243 : i32 to index
      %parallel_loop3A_246 = arith.index_cast %parallel_loop3A_47 : i32 to index
      %parallel_loop3A_247 = tpu.vector_load %arg8[%parallel_loop3A_244, %parallel_loop3A_245, %parallel_loop3A_246] {strides = array<i32>} : memref<3x8x512xf32, #tpu.memory_space<vmem>>, vector<16xf32>,
      tpu.vector_store %arg8[%parallel_loop3A_244, %parallel_loop3A_245, %parallel_loop3A_246], %parallel_loop3A_241 {strides = array<i32>} : memref<3x8x512xf32, #tpu.memory_space<vmem>>, vector<16xf32>,
    } {sc.loop_unroll_factor = 2 : i64, sc.parallel_access}
    %dma_start3A_27 = arith.constant 0 : i32
    %dma_start3A_28 = arith.constant 192 : i32
    %dma_start3A_29 = tpu.memref_slice %arg4[%dma_start3A_27, %dma_start3A_28, %mul3A_2] : memref<3x200x16384xf32, #tpu.memory_space<hbm>> -> memref<3x8x512xf32, #tpu.memory_space<hbm>>
    %dma_start3A_30 = arith.constant 0 : i32
    %dma_start3A_31 = arith.constant 192 : i32
    %dma_start3A_32 = tpu.memref_slice %arg4[%dma_start3A_30, %dma_start3A_31, %mul3A_2] : memref<3x200x16384xf32, #tpu.memory_space<hbm>> -> memref<3x8x512xf32, #tpu.memory_space<hbm>>
    tpu.enqueue_dma source(%arg8 : memref<3x8x512xf32, #tpu.memory_space<vmem>>) target(%dma_start3A_32 : memref<3x8x512xf32, #tpu.memory_space<hbm>>) target_semaphore(%arg12 : memref<!tpu.dma_semaphore, #tpu.memory_space<semaphore_mem>>)
    %dma_wait3A_33 = arith.constant 0 : i32
    %dma_wait3A_34 = arith.constant 184 : i32
    %dma_wait3A_35 = tpu.memref_slice %arg4[%dma_wait3A_33, %dma_wait3A_34, %mul3A_2] : memref<3x200x16384xf32, #tpu.memory_space<hbm>> -> memref<3x8x512xf32, #tpu.memory_space<hbm>>
    %dma_wait3A_36 = arith.constant 0 : i32
    %dma_wait3A_37 = arith.constant 184 : i32
    %dma_wait3A_38 = tpu.memref_slice %arg4[%dma_wait3A_36, %dma_wait3A_37, %mul3A_2] : memref<3x200x16384xf32, #tpu.memory_space<hbm>> -> memref<3x8x512xf32, #tpu.memory_space<hbm>>
    tpu.wait_dma2 semaphore(%arg13 : memref<!tpu.dma_semaphore, #tpu.memory_space<semaphore_mem>>) src(%arg9 : memref<3x8x512xf32, #tpu.memory_space<vmem>>) dst(%dma_wait3A_38 : memref<3x8x512xf32, #tpu.memory_space<hbm>>)
    %dma_wait3A_39 = arith.constant 0 : i32
    %dma_wait3A_40 = arith.constant 192 : i32
    %dma_wait3A_41 = tpu.memref_slice %arg4[%dma_wait3A_39, %dma_wait3A_40, %mul3A_2] : memref<3x200x16384xf32, #tpu.memory_space<hbm>> -> memref<3x8x512xf32, #tpu.memory_space<hbm>>
    %dma_wait3A_42 = arith.constant 0 : i32
    %dma_wait3A_43 = arith.constant 192 : i32
    %dma_wait3A_44 = tpu.memref_slice %arg4[%dma_wait3A_42, %dma_wait3A_43, %mul3A_2] : memref<3x200x16384xf32, #tpu.memory_space<hbm>> -> memref<3x8x512xf32, #tpu.memory_space<hbm>>
    tpu.wait_dma2 semaphore(%arg12 : memref<!tpu.dma_semaphore, #tpu.memory_space<semaphore_mem>>) src(%arg8 : memref<3x8x512xf32, #tpu.memory_space<vmem>>) dst(%dma_wait3A_44 : memref<3x8x512xf32, #tpu.memory_space<hbm>>)
    return
  }
}

</mosaic_0001>

<sc_bundles>
// kernel: kernel.3.cloned.1.call-start
scs
__scs_entry_jumppad:
0x0: {  	(pc) =	sbr.rel $0x88, $3  }
0x1: {  	(tag) =	ssettag $0x0;
	lr =	simm.s32 $0x1  }
0x2: {  	[smem:$0x3F9F] =	sst lr;
	_ =	strace $0xD0000000  }
0x3: {  	_ = 	snop  }
0x4: {  	_ = 	snop  }
0x5: {  	_ = 	snop  }
0x6: {  	_ = 	snop  }
0x7: {  	_ = 	snop  }
__scs_overlays_trampoline_lowered:
0x8: {  	[smem:$0x3FAE] =	sst s0  }
0x9: {  	[smem:$0x3FAF] =	sst s1  }
0xa: {  	[smem:$0x3FB0] =	sst s2  }
0xb: {  	[smem:$0x3FB1] =	sst s3  }
0xc: {  	[smem:$0x3FB2] =	sst s4  }
0xd: {  	[smem:$0x3FB3] =	sst s5  }
0xe: {  	[smem:$0x3FB4] =	sst s6  }
0xf: {  	[smem:$0x3FB5] =	sst s7  }
0x10: {  	[smem:$0x3FB6] =	sst s8  }
0x11: {  	[smem:$0x3FB7] =	sst s9;
	s0 =	simm.s32 @!p0 $0x0  }
0x12: {  	s1 =	sld [smem:$0x3F9D];
	s0 =	simm.s32 @p0 $0x1  }
0x13: {  	[smem:$0x3FB8] =	sst s0;
	s0 =	simm.s32 @!p1 $0x0  }
0x14: {  	s2 =	sld [smem:$0x3F9C];
	s0 =	simm.s32 @p1 $0x1  }
0x15: {  	[smem:$0x3FB9] =	sst s0;
	s0 =	simm.s32 @!p2 $0x0  }
0x16: {  	s3 =	sld [smem:$0x3FDB];
	s0 =	simm.s32 @p2 $0x1  }
0x17: {  	s4 =	simm.s32 $0x1BF5;
	[smem:$0x3FBB] =	sst s0  }
0x18: {  	s0 =	sld [smem:$0x3F9E];
	_ =	swait.ge [sflag:s4], $0x0  }
0x19: {  	s7 =	sld [smem:$0x3F9F]  }
0x1a: {  	s8 =	sadd.s32 $0xFFFFE003, lr  }
0x1b: {  	s9 =	sadd.s32 $0xFFFFFEF7, lr;
	s5 =	simm.s32 $0xFFFFFFFF;
	p2 =	slt.u32 s8, $0xFFFFF086  }
0x1c: {  	p1 =	slt.u32 s9, $0xF7A;
	s5 =	simm.s32 @!p2 $0x0  }
0x1d: {  	s5 =	simm.s32 @p1 $0x1;
	p0 =	seq.s32 s7, s2  }
0x1e: {  	s7 =	smul.u32 @!p0 $0xF7A, s2;
	p2 =	seq.s32 @!p0 s5, $0x0  }
0x1f: {  	s9 =	smul.u32 $0xF7A, s1;
	s8 =	simm.s32 @!p0 $0x1BF5;
	p2 =	por !p2, p0  }
0x20: {  	[sflag:s8] =	ssyncset.s32 @!p0 $0xFFFFF086;
	s6 =	sadd.s32 @!p0 s3, s7;
	s7 =	simm.s32 @!p0 $0x108  }
0x21: {  	s3 =	sadd.s32 s3, s9;
	s6 =	sadd.s32 @!p0 $0x88, s6;
	s7 =	simm.s32 @p2 $0x1082  }
0x22: {  	[simem:s7], [sflag:s8] =	dma.local @!p0 [hbm:s6], $0xF7A  }
0x23: {  	s9 =	sor.u32 $0xD0000000, s2;
	s6 =	simm.s32 $0x108;
	_ =	swait.ge @!p0 [sflag:s8], $0x0  }
0x24: {  	s3 =	sadd.s32 $0x88, s3;
	s6 =	simm.s32 @!p1 $0x1082;
	[sflag:s4] =	ssyncset.s32 $0xFFFFF086  }
0x25: {  	[simem:s6], [sflag:s4] =	dma.local [hbm:s3], $0xF7A  }
0x26: {  	[smem:$0x3F9F] =	sst s1;
	(tag) =	ssettag s2;
	_ =	strace s9  }
0x27: {  	s1 =	sld [smem:$0x3FAF]  }
0x28: {  	s2 =	sld [smem:$0x3FB0]  }
0x29: {  	s4 =	sld [smem:$0x3FB2]  }
0x2a: {  	p0 =	seq.s32 s5, $0x0;
	s5 =	sld [smem:$0x3FB3]  }
0x2b: {  	s6 =	sld [smem:$0x3FB4]  }
0x2c: {  	s7 =	sld [smem:$0x3FB5]  }
0x2d: {  	s3 =	simm.s32 $0x108;
	s8 =	sld [smem:$0x3FB6]  }
0x2e: {  	s3 =	simm.s32 @!p0 $0x1082;
	s9 =	sld [smem:$0x3FB7]  }
0x2f: {  	lr =	sadd.s32 s0, s3;
	s0 =	sld [smem:$0x3FAE]  }
0x30: {  	s3 =	sld [smem:$0x3FB1]  }
0x31: {  	[smem:$0x3FBA] =	sst s10  }
0x32: {  	s10 =	sld [smem:$0x3FB8];
	_ =	sdelay $0x3  }
0x33: {  	p0 =	seq.s32 s10, $0x1;
	s10 =	sld [smem:$0x3FBA];
	_ =	sdelay $0x3  }
0x34: {  	[smem:$0x3FBA] =	sst s10  }
0x35: {  	s10 =	sld [smem:$0x3FB9];
	_ =	sdelay $0x3  }
0x36: {  	p1 =	seq.s32 s10, $0x1;
	s10 =	sld [smem:$0x3FBA];
	_ =	sdelay $0x3  }
0x37: {  	[smem:$0x3FBA] =	sst s10  }
0x38: {  	s10 =	sld [smem:$0x3FBB]  }
0x39: {  	_ = 	snop;
	(pc) =	sbr.ind lr, $3  }
0x3a: {  	_ = 	snop  }
0x3b: {  	_ = 	snop  }
0x3c: {  	p2 =	seq.s32 s10, $0x1;
	s10 =	sld [smem:$0x3FBA]  }
0x3d: {  	_ =	shalt  }
0x3e: {  	_ =	shalt  }
0x3f: {  	_ =	shalt  }
0x40: {  	_ =	shalt  }
0x41: {  	_ =	shalt  }
0x42: {  	_ =	shalt  }
0x43: {  	_ =	shalt  }
0x44: {  	_ =	shalt  }
0x45: {  	_ =	shalt  }
0x46: {  	_ =	shalt  }
0x47: {  	_ =	shalt  }
0x48: {  	_ =	shalt  }
0x49: {  	_ =	shalt  }
0x4a: {  	_ =	shalt  }
0x4b: {  	_ =	shalt  }
0x4c: {  	_ =	shalt  }
0x4d: {  	_ =	shalt  }
0x4e: {  	_ =	shalt  }
0x4f: {  	_ =	shalt  }
0x50: {  	_ =	shalt  }
0x51: {  	_ =	shalt  }
0x52: {  	_ =	shalt  }
0x53: {  	_ =	shalt  }
0x54: {  	_ =	shalt  }
0x55: {  	_ =	shalt  }
0x56: {  	_ =	shalt  }
0x57: {  	_ =	shalt  }
0x58: {  	_ =	shalt  }
0x59: {  	_ =	shalt  }
0x5a: {  	_ =	shalt  }
0x5b: {  	_ =	shalt  }
0x5c: {  	_ =	shalt  }
0x5d: {  	_ =	shalt  }
0x5e: {  	_ =	shalt  }
0x5f: {  	_ =	shalt  }
0x60: {  	_ =	shalt  }
0x61: {  	_ =	shalt  }
0x62: {  	_ =	shalt  }
0x63: {  	_ =	shalt  }
0x64: {  	_ =	shalt  }
0x65: {  	_ =	shalt  }
0x66: {  	_ =	shalt  }
0x67: {  	_ =	shalt  }
0x68: {  	_ =	shalt  }
0x69: {  	_ =	shalt  }
0x6a: {  	_ =	shalt  }
0x6b: {  	_ =	shalt  }
0x6c: {  	_ =	shalt  }
0x6d: {  	_ =	shalt  }
0x6e: {  	_ =	shalt  }
0x6f: {  	_ =	shalt  }
0x70: {  	_ =	shalt  }
0x71: {  	_ =	shalt  }
0x72: {  	_ =	shalt  }
0x73: {  	_ =	shalt  }
0x74: {  	_ =	shalt  }
0x75: {  	_ =	shalt  }
0x76: {  	_ =	shalt  }
0x77: {  	_ =	shalt  }
0x78: {  	_ =	shalt  }
0x79: {  	_ =	shalt  }
0x7a: {  	_ =	shalt  }
0x7b: {  	_ =	shalt  }
0x7c: {  	_ =	shalt  }
0x7d: {  	_ =	shalt  }
0x7e: {  	_ =	shalt  }
0x7f: {  	_ =	shalt  }
0x80: {  	_ =	shalt  }
0x81: {  	_ =	shalt  }
0x82: {  	_ =	shalt  }
0x83: {  	_ =	shalt  }
0x84: {  	_ =	shalt  }
0x85: {  	_ =	shalt  }
0x86: {  	_ =	shalt  }
0x87: {  	_ =	shalt  }
.Lfunc_end0:
.L_simem_size_0:
called_computation_lowered:
.L_overlay_start_0:
0x88: {  	s2 =	sld [smem:$0x3FD9]  }
0x89: {  	s3 =	sld [smem:$0x3FFE];
	_ =	sdelay $0x1  }
0x8a: {  	s1 =	srdreg.scid  }
0x8b: {  	s0 =	sand.u32 $0x1, s1  }
0x8c: {  	s18 =	sshll.u32 s0, $0xA;
	s2 =	sadd.s32 s3, s2  }
0x8d: {  	s2 =	sadd.s32 s2, s18  }
0x8e: {  	[smem:$0x3FC6] =	sst s2  }
0x8f: {  	_ = 	snop  }
0x90: {  	s2 =	sld [smem:$0x3FC9]  }
0x91: {  	s19 =	sld [smem:$0x3FC8]  }
0x92: {  	s4 =	sld [smem:$0x3FD0];
	(tm) =	ssettm $0x1  }
0x93: {  	s5 =	sld [smem:$0x3FFB];
	_ =	sdelay $0x3  }
0x94: {  	_ =	strace s5  }
0x95: {  	s5 =	sld [smem:$0x3FFC];
	_ =	sdelay $0x3  }
0x96: {  	_ =	strace s5  }
0x97: {  	s5 =	sld [smem:$0x3FFD];
	_ =	sdelay $0x3  }
0x98: {  	_ =	strace s5  }
0x99: {  	_ =	strace $0x8FFFFFFF  }
0x9a: {  	s20 =	sld [smem:$0x3FDB];
	_ =	sdelay $0x1  }
0x9b: {  	s6 =	simm.s32 $_scs_section_size  }
0x9c: {  	s7 =	simm.s32 $_size__tile_overlayer_lowered;
	s8 =	simm.s32 $_tile_overlayer_lowered  }
0x9d: {  	s23 =	simm.s32 $0x1BFF;
	s22 =	sshll.u32 s8, $0x1;
	s5 =	sadd.s32 s6, s20  }
0x9e: {  	s9 =	simm.s32 $0x0;
	s21 =	sshll.u32 s7, $0x1;
	s7 =	sadd.s32 s22, s5  }
0x9f: {  	[timem:s9], [sflag:s23] =	dma.local [hbm:s7], s21  }
0xa0: {  	_ =	swait.ge [sflag:s23], s21  }
0xa1: {  	s6 =	ssub.s32 $0x0, s21;
	[sflag:s23] =	ssyncset.done $0x0  }
0xa2: {  	[sflag:s23] =	ssyncadd.s32 s6;
	_ =	sdelay $0x1  }
0xa3: {  	s24 =	simm.s32 $0x1B8B  }
0xa4: {  	_ =	swait.ge [sflag:s24], $0x1  }
0xa5: {  	[sflag:s24] =	ssyncset.done $0x0  }
0xa6: {  	s25 =	simm.s32 $0x1B8E;
	[sflag:s24] =	ssyncadd.s32 $0xFFFFFFFF  }
0xa7: {  	s26 =	simm.s32 $execute0_lowered;
	[smem:$0x3FD2] =	sst s25  }
0xa8: {  	s6 =	sshll.u32 s26, $0x1;
	_ =	strace $0x80000046;
	[dreg:$0x1] =	wrdreg $0xFFFFFFFF  }
0xa9: {  	s28 =	simm.s32 $_size_execute0_lowered;
	s5 =	sadd.s32 s5, s6;
	[dreg:$0x0] =	wrdreg $0x0  }
0xaa: {  	s6 =	sshll.u32 s28, $0x1;
	[dreg:$0x2] =	wrdreg s5  }
0xab: {  	[dreg:$0x3] =	wrdreg s6  }
0xac: {  	[dreg:$0x4] =	wrdreg $0xC0  }
0xad: {  	_ =	task [dreg:s9], $0x5FFFF  }
0xae: {  	[dreg:$0x1] =	wrdreg $0xFFFFFFFF  }
0xaf: {  	[dreg:$0x0] =	wrdreg $0x60  }
0xb0: {  	[dreg:$0x2] =	wrdreg s2  }
0xb1: {  	[dreg:$0x3] =	wrdreg s19  }
0xb2: {  	[dreg:$0x4] =	wrdreg s4  }
0xb3: {  	[dreg:$0x5] =	wrdreg $0x9  }
0xb4: {  	_ =	task.clear_ibuf [dreg:s9], $0x6FFFF;
	_ =	strace $0x90000046  }
0xb5: {  	s29 =	simm.s32 $0x9;
	_ =	strace $0x80000048  }
0xb6: {  	_ =	swait.ge [sflag:s29], $0x1  }
0xb7: {  	[sflag:s29] =	ssyncadd.s32 $0xFFFFFFFF  }
0xb8: {  	_ =	strace $0x90000048  }
0xb9: {  	_ =	sfence  }
0xba: {  	s30 =	sld [smem:$0x0];
	_ =	sdelay $0x2  }
0xbb: {  	s31 =	sshll.u32 s1, $0xD;
	s1 =	sshrl.u32 s1, $0x2  }
0xbc: {  	s3 =	sand.u32 $0x4000, s31;
	s1 =	sadd.s32 s1, s30  }
0xbd: {  	s0 =	sor.u32 s3, s0;
	s1 =	sshll.u32 s1, $0x11  }
0xbe: {  	s0 =	sor.u32 s1, s0  }
0xbf: {  	s0 =	sadd.s32 $0x8F2B, s0  }
0xc0: {  	[sflag:s0] =	ssyncadd.remote.s32 $0x1  }
0xc1: {  	_ =	sfence.sel $0xFFFF  }
0xc2: {  	[dreg:$0x0] =	wrdreg $0xFFFFFFFF;
	(pc) =	sbr.abs _section_cstart, $3  }
0xc3: {  	[dreg:$0x1] =	wrdreg $0xFFFFFFFF  }
0xc4: {  	_ =	task.clear_ibuf [dreg:s9], $0x2FFFF;
	_ =	strace $0x9FFFFFFF  }
0xc5: {  	(tm) =	ssettm $0x7FFFFFFF  }
tec
execute0_lowered:
.L_overlay_start_1:
0x0: {  	(tag) =	ssettag $0x1  }
0x1: {  	s3 =	rddreg [dreg:$0x0]  }
0x2: {  	s4 =	rddreg [dreg:$0x2]  }
0x3: {  	s0 =	srdreg.scid;
	s1 =	stileid.u32  }
0x4: {  	s5 =	simm.s32 $0x0;
	s0 =	sand.u32 $0x1, s0;
	s1 =	sshll.u32 s1, $0xD  }
0x5: {  	[smem:$0x7FF] =	sst s5;
	s2 =	sshll.u32 s0, $0xC;
	s0 =	ssub.s32 $0x2, s0  }
0x6: {  	_ =	strace $0x80000047;
	s6 =	sor.u32 s2, s1;
	s28 =	sshrl.u32 s0, $0x1  }
0x7: {  	s2 =	sshrl.u32 s6, $0x3;
	[smem:$0x7FA] =	sst s6;
	s31 =	sor.u32 $0x40000, s6  }
0x8: {  	s0 =	ssub.s32 s0, s28;
	s29 =	sadd.s32 s3, s2;
	[smem:$0x7FB] =	sst s31  }
0x9: {  	s30 =	sadd.s32 s2, s4;
	s0 =	smax.u32 s0, $0x1;
	[smem:$0x7F9] =	sst s29  }
0xa: {  	s1 =	sadd.s32 $0x60000, s30;
	[smem:$0x7FD] =	sst s0  }
0xb: {  	s2 =	simm.s32 $0x0;
	[smem:$0x7FC] =	sst s1  }
.LBB2_1:
0xc: {  	[smem:$0x7F8] =	sst s2  }
0xd: {  	s0 =	rddreg [dreg:$0x1];
	s30 =	simm.s32 $0x5  }
0xe: {  	[tilespmem:s5], [sflag:$0x5] =	stream.linear.gather [hbm4b:s0+s5], $0x180, $0x38;
	[tilespmem:$0x8200] =	vst v63  }
0xf: {  	_ =	swait.ge [sflag:s30], $0x180  }
0x10: {  	s31 =	sld [smem:$0x7F9]  }
0x11: {  	[sflag:s30] =	ssyncset.done $0x0  }
0x12: {  	s1 =	simm.s32 $0x200;
	s2 =	simm.s32 $0x0;
	[sflag:s30] =	ssyncadd.s32 $0xFFFFFE80  }
0x13: {  	[tilespmem:s1], [sflag:$0x1] =	stream.linear.gather [hbm4b:s31+s5], $0x1000, $0x38;
	[tilespmem:$0x8200] =	vst v63  }
.LBB2_2:
0x14: {  	s0 =	sld [smem:$0x7FA];
	_ =	sdelay $0x1  }
0x15: {  	s1 =	sshll.u32 s2, $0x12  }
0x16: {  	s19 =	rddreg [dreg:$0x0];
	s0 =	sor.u32 s0, s1  }
0x17: {  	[smem:$0x7F3] =	sst s1;
	s0 =	sshrl.u32 s0, $0x3  }
0x18: {  	s20 =	simm.s32 $0x1200;
	[smem:$0x7F4] =	sst s0;
	s18 =	sor.u32 $0x4000, s0  }
0x19: {  	s21 =	simm.s32 $0x1;
	[smem:$0x7F5] =	sst s18;
	s0 =	sadd.s32 s19, s18  }
0x1a: {  	[tilespmem:s20], [sflag:$0x2] =	stream.linear.gather [hbm4b:s0+s5], $0x1000, $0x38;
	[tilespmem:$0x8200] =	vst v63  }
0x1b: {  	_ =	swait.ge [sflag:s21], $0x1000  }
0x1c: {  	p0 =	seq.s32 s2, $0x0;
	s22 =	simm.s32 $0x0;
	[sflag:s21] =	ssyncset.done $0x0  }
0x1d: {  	s0 =	simm.s32 @!p0 $0x3;
	[smem:$0x7F6] =	sst s2;
	[sflag:s21] =	ssyncadd.s32 $0xFFFFF000  }
0x1e: {  	s4 =	sand.u32 $0x60, s22;
	_ =	swait.ge @!p0 [sflag:s0], $0x3000  }
0x1f: {  	s12 =	sand.u32 $0xC00, s22;
	s15 =	sor.u32 $0x10, s4;
	[sflag:s0] =	ssyncset.done @!p0 $0x0  }
0x20: {  	s6 =	sor.u32 s12, s15;
	[sflag:s0] =	ssyncadd.s32 @!p0 $0xFFFFD000  }
0x21: {  	v0 =	vld [tilespmem:s6+$0x200];
	_ =	sdelay $0x7  }
0x22: {  	v1 =	vld.idx.msk [tilespmem:v0+s5+$0x0], $0xffff  }
0x23: {  	s3 =	sor.u32 s4, s12;
	v2 =	vadd.s32 $0x80, v0  }
0x24: {  	v3 =	vld [tilespmem:s3+$0x200];
	_ =	sdelay $0x2  }
0x25: {  	[tilespmem:s6+$0x2200] =	vst v1  }
0x26: {  	v1 =	vld.idx.msk [tilespmem:v2+s5+$0x0], $0xffff  }
0x27: {  	v0 =	vadd.s32 $0x100, v0;
	_ =	sdelay $0x1  }
0x28: {  	s23 =	sor.u32 $0x3200, s12  }
0x29: {  	s24 =	sor.u32 s15, s23;
	v2 =	vld.idx.msk [tilespmem:v3+s5+$0x0], $0xffff  }
0x2a: {  	v4 =	vadd.s32 $0x80, v3;
	[tilespmem:s24+$0x0] =	vst v1  }
0x2b: {  	v0 =	vld.idx.msk [tilespmem:v0+s5+$0x0], $0xffff;
	_ =	sdelay $0x2  }
0x2c: {  	s25 =	sor.u32 $0x4200, s12;
	[tilespmem:s3+$0x2200] =	vst v2  }
0x2d: {  	s7 =	sor.u32 s15, s25;
	v1 =	vld.idx.msk [tilespmem:v4+s5+$0x0], $0xffff  }
0x2e: {  	v2 =	vadd.s32 $0x100, v3;
	[tilespmem:s7+$0x0] =	vst v0  }
0x2f: {  	v0 =	vld [tilespmem:s6+$0x280];
	_ =	sdelay $0x1  }
0x30: {  	s0 =	sor.u32 s4, s23  }
0x31: {  	[tilespmem:s0+$0x0] =	vst v1  }
0x32: {  	v1 =	vld.idx.msk [tilespmem:v2+s5+$0x0], $0xffff;
	_ =	sdelay $0x3  }
0x33: {  	s26 =	sor.u32 s4, s25;
	v2 =	vld.idx.msk [tilespmem:v0+s5+$0x0], $0xffff  }
0x34: {  	[tilespmem:s26+$0x0] =	vst v1;
	v1 =	vadd.s32 $0x80, v0  }
0x35: {  	v3 =	vld [tilespmem:s3+$0x280];
	_ =	sdelay $0x2  }
0x36: {  	[tilespmem:s6+$0x2280] =	vst v2  }
0x37: {  	v1 =	vld.idx.msk [tilespmem:v1+s5+$0x0], $0xffff  }
0x38: {  	v0 =	vadd.s32 $0x100, v0;
	_ =	sdelay $0x1  }
0x39: {  	s1 =	sor.u32 $0x3280, s12  }
0x3a: {  	s8 =	sor.u32 s15, s1;
	v2 =	vld.idx.msk [tilespmem:v3+s5+$0x0], $0xffff  }
0x3b: {  	v4 =	vadd.s32 $0x80, v3;
	[tilespmem:s8+$0x0] =	vst v1  }
0x3c: {  	v0 =	vld.idx.msk [tilespmem:v0+s5+$0x0], $0xffff;
	_ =	sdelay $0x2  }
0x3d: {  	s9 =	sor.u32 $0x4280, s12;
	[tilespmem:s3+$0x2280] =	vst v2  }
0x3e: {  	s11 =	sor.u32 s15, s9;
	v1 =	vld.idx.msk [tilespmem:v4+s5+$0x0], $0xffff  }
0x3f: {  	v2 =	vadd.s32 $0x100, v3;
	[tilespmem:s11+$0x0] =	vst v0  }
0x40: {  	v0 =	vld [tilespmem:s6+$0x300]  }
0x41: {  	s14 =	simm.s32 $0x20  }
0x42: {  	s16 =	simm.s32 $0x100;
	s0 =	sor.u32 s4, s1;
	s11 =	sand.u32 $0x60, s14  }
0x43: {  	s10 =	sand.u32 $0xC00, s16;
	[tilespmem:s0+$0x0] =	vst v1;
	s17 =	sor.u32 $0x10, s11  }
0x44: {  	v1 =	vld.idx.msk [tilespmem:v2+s5+$0x0], $0xffff;
	s8 =	sor.u32 s10, s17  }
0x45: {  	v2 =	vld [tilespmem:s8+$0x200];
	_ =	sdelay $0x2  }
0x46: {  	s18 =	sor.u32 s4, s9;
	s31 =	sor.u32 s11, s10;
	v3 =	vld.idx.msk [tilespmem:v0+s5+$0x0], $0xffff  }
0x47: {  	[tilespmem:s18+$0x0] =	vst v1;
	v1 =	vld [tilespmem:s31+$0x200];
	v4 =	vadd.s32 $0x80, v0  }
0x48: {  	v5 =	vld [tilespmem:s3+$0x300];
	_ =	sdelay $0x2  }
0x49: {  	v6 =	vld.idx.msk [tilespmem:v2+s5+$0x0], $0xffff;
	[tilespmem:s6+$0x2300] =	vst v3  }
0x4a: {  	v3 =	vld.idx.msk [tilespmem:v4+s5+$0x0], $0xffff;
	v4 =	vadd.s32 $0x80, v2  }
0x4b: {  	v0 =	vadd.s32 $0x100, v0;
	_ =	sdelay $0x1  }
0x4c: {  	s20 =	sor.u32 $0x3300, s12;
	v7 =	vld.idx.msk [tilespmem:v1+s5+$0x0], $0xffff  }
0x4d: {  	s21 =	sor.u32 s15, s20;
	v8 =	vadd.s32 $0x80, v1;
	v9 =	vld.idx.msk [tilespmem:v5+s5+$0x0], $0xffff;
	[tilespmem:s8+$0x2200] =	vst v6  }
0x4e: {  	v6 =	vadd.s32 $0x80, v5;
	v4 =	vld.idx.msk [tilespmem:v4+s5+$0x0], $0xffff;
	[tilespmem:s21+$0x0] =	vst v3  }
0x4f: {  	v2 =	vadd.s32 $0x100, v2;
	v0 =	vld.idx.msk [tilespmem:v0+s5+$0x0], $0xffff;
	_ =	sdelay $0x1  }
0x50: {  	s22 =	sor.u32 $0x3200, s10;
	[tilespmem:s31+$0x2200] =	vst v7  }
0x51: {  	s9 =	sor.u32 $0x4300, s12;
	s7 =	sor.u32 s17, s22;
	[tilespmem:s3+$0x2300] =	vst v9;
	v3 =	vld.idx.msk [tilespmem:v8+s5+$0x0], $0xffff  }
0x52: {  	s24 =	sor.u32 s15, s9;
	v1 =	vadd.s32 $0x100, v1;
	v6 =	vld.idx.msk [tilespmem:v6+s5+$0x0], $0xffff;
	[tilespmem:s7+$0x0] =	vst v4  }
0x53: {  	v4 =	vadd.s32 $0x100, v5;
	v2 =	vld.idx.msk [tilespmem:v2+s5+$0x0], $0xffff;
	[tilespmem:s24+$0x0] =	vst v0  }
0x54: {  	v0 =	vld [tilespmem:s6+$0x380]  }
0x55: {  	s2 =	sor.u32 s11, s22  }
0x56: {  	s25 =	sor.u32 $0x4200, s10;
	s0 =	sor.u32 s4, s20;
	s23 =	smov.u32 s17;
	[tilespmem:s2+$0x0] =	vst v3  }
0x57: {  	s26 =	sor.u32 s23, s25;
	[tilespmem:s0+$0x0] =	vst v6;
	v1 =	vld.idx.msk [tilespmem:v1+s5+$0x0], $0xffff  }
0x58: {  	v3 =	vld.idx.msk [tilespmem:v4+s5+$0x0], $0xffff;
	[tilespmem:s26+$0x0] =	vst v2  }
0x59: {  	v2 =	vld [tilespmem:s8+$0x280];
	_ =	sdelay $0x1  }
0x5a: {  	s13 =	simm.s32 $0x0;
	s7 =	sor.u32 s11, s25  }
0x5b: {  	s13 =	sor.u32 s12, s13;
	s14 =	sor.u32 s4, s9;
	[tilespmem:s7+$0x0] =	vst v1;
	v4 =	vld.idx.msk [tilespmem:v0+s5+$0x0], $0xffff  }
0x5c: {  	s16 =	sor.u32 $0x180, s13;
	v1 =	vadd.s32 $0x80, v0;
	[tilespmem:s14+$0x0] =	vst v3;
	v3 =	vld [tilespmem:s31+$0x280]  }
0x5d: {  	v5 =	vld [tilespmem:s16+$0x200];
	_ =	sdelay $0x2  }
0x5e: {  	v6 =	vld.idx.msk [tilespmem:v2+s5+$0x0], $0xffff;
	[tilespmem:s6+$0x2380] =	vst v4  }
0x5f: {  	v4 =	vadd.s32 $0x80, v2;
	v1 =	vld.idx.msk [tilespmem:v1+s5+$0x0], $0xffff  }
0x60: {  	v0 =	vadd.s32 $0x100, v0;
	_ =	sdelay $0x1  }
0x61: {  	s17 =	sor.u32 $0x3380, s12;
	v7 =	vld.idx.msk [tilespmem:v3+s5+$0x0], $0xffff  }
0x62: {  	s18 =	sor.u32 s15, s17;
	v9 =	vadd.s32 $0x80, v3;
	v8 =	vld.idx.msk [tilespmem:v5+s5+$0x0], $0xffff;
	[tilespmem:s8+$0x2280] =	vst v6  }
0x63: {  	v6 =	vadd.s32 $0x80, v5;
	v4 =	vld.idx.msk [tilespmem:v4+s5+$0x0], $0xffff;
	[tilespmem:s18+$0x0] =	vst v1  }
0x64: {  	v1 =	vadd.s32 $0x100, v2;
	v0 =	vld.idx.msk [tilespmem:v0+s5+$0x0], $0xffff;
	_ =	sdelay $0x1  }
0x65: {  	s20 =	sor.u32 $0x3280, s10;
	s30 =	smov.u32 s23;
	[tilespmem:s31+$0x2280] =	vst v7  }
0x66: {  	s22 =	sor.u32 $0x4380, s12;
	s21 =	sor.u32 s30, s20;
	[tilespmem:s16+$0x2200] =	vst v8;
	v2 =	vld.idx.msk [tilespmem:v9+s5+$0x0], $0xffff  }
0x67: {  	s23 =	sor.u32 s15, s22;
	v3 =	vadd.s32 $0x100, v3;
	v6 =	vld.idx.msk [tilespmem:v6+s5+$0x0], $0xffff;
	[tilespmem:s21+$0x0] =	vst v4  }
0x68: {  	v4 =	vadd.s32 $0x100, v5;
	v1 =	vld.idx.msk [tilespmem:v1+s5+$0x0], $0xffff;
	[tilespmem:s23+$0x0] =	vst v0  }
0x69: {  	v0 =	vld [tilespmem:s6+$0x400]  }
0x6a: {  	s24 =	sor.u32 s11, s20  }
0x6b: {  	s2 =	sor.u32 s4, s17;
	s25 =	sor.u32 $0x4280, s10;
	[tilespmem:s24+$0x0] =	vst v2  }
0x6c: {  	s26 =	sor.u32 s30, s25;
	[tilespmem:s2+$0x0] =	vst v6;
	v2 =	vld.idx.msk [tilespmem:v3+s5+$0x0], $0xffff  }
0x6d: {  	v3 =	vld.idx.msk [tilespmem:v4+s5+$0x0], $0xffff;
	[tilespmem:s26+$0x0] =	vst v1  }
0x6e: {  	v1 =	vld [tilespmem:s8+$0x300]  }
0x6f: {  	s7 =	simm.s32 $0x40  }
0x70: {  	s17 =	simm.s32 $0x200;
	s14 =	sor.u32 s11, s25;
	s16 =	sand.u32 $0x60, s7  }
0x71: {  	s0 =	sand.u32 $0xC00, s17;
	s21 =	sor.u32 $0x10, s16;
	[tilespmem:s14+$0x0] =	vst v2;
	v4 =	vld.idx.msk [tilespmem:v0+s5+$0x0], $0xffff  }
0x72: {  	s18 =	sor.u32 s4, s22;
	s17 =	sor.u32 s0, s21;
	v2 =	vadd.s32 $0x80, v0;
	v5 =	vld [tilespmem:s31+$0x300]  }
0x73: {  	s22 =	sor.u32 s16, s0;
	[tilespmem:s18+$0x0] =	vst v3;
	v3 =	vld [tilespmem:s17+$0x200]  }
0x74: {  	v7 =	vld [tilespmem:s22+$0x200]  }
0x75: {  	v6 =	vld [tilespmem:s3+$0x400]  }
0x76: {  	v8 =	vld.idx.msk [tilespmem:v1+s5+$0x0], $0xffff;
	[tilespmem:s6+$0x2400] =	vst v4  }
0x77: {  	v4 =	vadd.s32 $0x80, v1;
	v2 =	vld.idx.msk [tilespmem:v2+s5+$0x0], $0xffff  }
0x78: {  	v0 =	vadd.s32 $0x100, v0;
	_ =	sdelay $0x1  }
0x79: {  	s7 =	sadd.s32 $0x3400, s12;
	v9 =	vld.idx.msk [tilespmem:v5+s5+$0x0], $0xffff  }
0x7a: {  	s20 =	sor.u32 s15, s7;
	v10 =	vadd.s32 $0x80, v5;
	v11 =	vld.idx.msk [tilespmem:v3+s5+$0x0], $0xffff;
	[tilespmem:s8+$0x2300] =	vst v8  }
0x7b: {  	v4 =	vld.idx.msk [tilespmem:v4+s5+$0x0], $0xffff;
	[tilespmem:s20+$0x0] =	vst v2;
	v2 =	vadd.s32 $0x80, v3  }
0x7c: {  	v1 =	vadd.s32 $0x100, v1;
	v0 =	vld.idx.msk [tilespmem:v0+s5+$0x0], $0xffff  }
0x7d: {  	v8 =	vld.idx.msk [tilespmem:v6+s5+$0x0], $0xffff  }
0x7e: {  	s23 =	sor.u32 $0x3300, s10;
	v13 =	vld.idx.msk [tilespmem:v7+s5+$0x0], $0xffff;
	v12 =	vadd.s32 $0x80, v6;
	[tilespmem:s31+$0x2300] =	vst v9  }
0x7f: {  	s13 =	smov.u32 s10;
	s10 =	sor.u32 s30, s23;
	s14 =	sadd.s32 $0x4400, s12;
	v9 =	vadd.s32 $0x80, v7;
	[tilespmem:s17+$0x2200] =	vst v11;
	v10 =	vld.idx.msk [tilespmem:v10+s5+$0x0], $0xffff  }
0x80: {  	s24 =	sor.u32 s15, s14;
	[tilespmem:s10+$0x0] =	vst v4;
	v4 =	vadd.s32 $0x100, v5;
	v2 =	vld.idx.msk [tilespmem:v2+s5+$0x0], $0xffff  }
0x81: {  	[tilespmem:s24+$0x0] =	vst v0;
	v0 =	vld.idx.msk [tilespmem:v1+s5+$0x0], $0xffff;
	v1 =	vadd.s32 $0x100, v3  }
0x82: {  	[tilespmem:s3+$0x2400] =	vst v8;
	v3 =	vld [tilespmem:s6+$0x480]  }
0x83: {  	s25 =	sor.u32 $0x3200, s0;
	s9 =	sor.u32 s11, s23;
	[tilespmem:s22+$0x2200] =	vst v13;
	v5 =	vld.idx.msk [tilespmem:v12+s5+$0x0], $0xffff  }
0x84: {  	s26 =	sor.u32 s21, s25;
	s18 =	sor.u32 $0x4300, s13;
	v6 =	vadd.s32 $0x100, v6;
	v8 =	vld.idx.msk [tilespmem:v9+s5+$0x0], $0xffff;
	[tilespmem:s9+$0x0] =	vst v10  }
0x85: {  	s2 =	sor.u32 s30, s18;
	[tilespmem:s26+$0x0] =	vst v2;
	v2 =	vld.idx.msk [tilespmem:v4+s5+$0x0], $0xffff  }
0x86: {  	[tilespmem:s2+$0x0] =	vst v0;
	v0 =	vadd.s32 $0x100, v7;
	v1 =	vld.idx.msk [tilespmem:v1+s5+$0x0], $0xffff  }
0x87: {  	s7 =	sor.u32 s4, s7;
	v4 =	vld [tilespmem:s8+$0x380]  }
0x88: {  	[tilespmem:s7+$0x0] =	vst v5  }
0x89: {  	s19 =	simm.s32 $0x20;
	s20 =	sor.u32 s16, s25;
	v5 =	vld.idx.msk [tilespmem:v6+s5+$0x0], $0xffff  }
0x8a: {  	s23 =	sor.u32 s13, s19;
	s25 =	sor.u32 $0x4200, s0;
	s24 =	sor.u32 s11, s18;
	[tilespmem:s20+$0x0] =	vst v8;
	v6 =	vld.idx.msk [tilespmem:v3+s5+$0x0], $0xffff  }
0x8b: {  	s7 =	sor.u32 $0x180, s23;
	s26 =	sor.u32 s21, s25;
	[tilespmem:s24+$0x0] =	vst v2;
	v2 =	vadd.s32 $0x80, v3;
	v0 =	vld.idx.msk [tilespmem:v0+s5+$0x0], $0xffff  }
0x8c: {  	[tilespmem:s26+$0x0] =	vst v1;
	v1 =	vld [tilespmem:s7+$0x200]  }
0x8d: {  	v7 =	vld [tilespmem:s17+$0x280];
	_ =	sdelay $0x1  }
0x8e: {  	s2 =	sor.u32 s16, s25;
	v8 =	vld.idx.msk [tilespmem:v4+s5+$0x0], $0xffff;
	[tilespmem:s6+$0x2480] =	vst v6  }
0x8f: {  	v2 =	vld.idx.msk [tilespmem:v2+s5+$0x0], $0xffff;
	[tilespmem:s2+$0x0] =	vst v0  }
0x90: {  	s10 =	sor.u32 s4, s14;
	v0 =	vadd.s32 $0x80, v4;
	v6 =	vld [tilespmem:s22+$0x280]  }
0x91: {  	v3 =	vadd.s32 $0x100, v3;
	[tilespmem:s10+$0x0] =	vst v5  }
0x92: {  	v5 =	vld [tilespmem:s3+$0x480]  }
0x93: {  	s6 =	sadd.s32 $0x3480, s12;
	v9 =	vld.idx.msk [tilespmem:v1+s5+$0x0], $0xffff  }
0x94: {  	v10 =	vadd.s32 $0x80, v1;
	s14 =	sor.u32 s15, s6;
	v11 =	vld.idx.msk [tilespmem:v7+s5+$0x0], $0xffff;
	[tilespmem:s8+$0x2380] =	vst v8  }
0x95: {  	v0 =	vld.idx.msk [tilespmem:v0+s5+$0x0], $0xffff;
	[tilespmem:s14+$0x0] =	vst v2;
	v2 =	vadd.s32 $0x80, v7  }
0x96: {  	s1 =	simm.s32 $0x0;
	v4 =	vadd.s32 $0x100, v4;
	v3 =	vld.idx.msk [tilespmem:v3+s5+$0x0], $0xffff  }
0x97: {  	s18 =	sand.u32 $0x3, s1  }
0x98: {  	s9 =	sshll.u32 s18, $0x5;
	[tilespmem:s7+$0x2200] =	vst v9;
	s7 =	sor.u32 $0x3380, s13;
	v8 =	vld.idx.msk [tilespmem:v6+s5+$0x0], $0xffff  }
0x99: {  	s24 =	sadd.s32 $0x4480, s12;
	s14 =	sadd.s32 $0x0, s9;
	[tilespmem:s17+$0x2280] =	vst v11;
	v9 =	vld.idx.msk [tilespmem:v10+s5+$0x0], $0xffff;
	s19 =	sor.u32 s30, s7  }
0x9a: {  	s20 =	sor.u32 s15, s24;
	s23 =	sadd.s32 $0x10, s14;
	[tilespmem:s19+$0x0] =	vst v0;
	v0 =	vadd.s32 $0x80, v6;
	v2 =	vld.idx.msk [tilespmem:v2+s5+$0x0], $0xffff  }
0x9b: {  	s9 =	sor.u32 $0x300, s23;
	[tilespmem:s20+$0x0] =	vst v3;
	v3 =	vld.idx.msk [tilespmem:v4+s5+$0x0], $0xffff;
	v4 =	vadd.s32 $0x100, v7  }
0x9c: {  	v7 =	vld [tilespmem:s9+$0x200]  }
0x9d: {  	s25 =	sor.u32 $0x3280, s0;
	v1 =	vadd.s32 $0x100, v1  }
0x9e: {  	s1 =	sor.u32 $0x4380, s13;
	s26 =	sor.u32 s21, s25;
	v10 =	vld.idx.msk [tilespmem:v5+s5+$0x0], $0xffff;
	[tilespmem:s22+$0x2280] =	vst v8  }
0x9f: {  	s2 =	sor.u32 s30, s1;
	[tilespmem:s26+$0x0] =	vst v2;
	v0 =	vld.idx.msk [tilespmem:v0+s5+$0x0], $0xffff  }
0xa0: {  	s7 =	sor.u32 s11, s7;
	v2 =	vadd.s32 $0x80, v5;
	[tilespmem:s2+$0x0] =	vst v3;
	v3 =	vld.idx.msk [tilespmem:v4+s5+$0x0], $0xffff  }
0xa1: {  	[tilespmem:s7+$0x0] =	vst v9;
	v4 =	vadd.s32 $0x100, v6;
	v6 =	vld [tilespmem:s8+$0x400]  }
0xa2: {  	v1 =	vld.idx.msk [tilespmem:v1+s5+$0x0], $0xffff;
	_ =	sdelay $0x1  }
0xa3: {  	s10 =	sor.u32 $0x4280, s0;
	[tilespmem:s3+$0x2480] =	vst v10;
	s7 =	sor.u32 s16, s25;
	v8 =	vld.idx.msk [tilespmem:v7+s5+$0x0], $0xffff  }
0xa4: {  	s18 =	sor.u32 s21, s10;
	[tilespmem:s7+$0x0] =	vst v0;
	v0 =	vld.idx.msk [tilespmem:v2+s5+$0x0], $0xffff;
	v2 =	vadd.s32 $0x80, v7  }
0xa5: {  	s20 =	sor.u32 s11, s1;
	[tilespmem:s18+$0x0] =	vst v3;
	v3 =	vadd.s32 $0x100, v5;
	v4 =	vld.idx.msk [tilespmem:v4+s5+$0x0], $0xffff  }
0xa6: {  	[tilespmem:s20+$0x0] =	vst v1;
	v1 =	vld [tilespmem:s17+$0x300]  }
0xa7: {  	v5 =	vld [tilespmem:s31+$0x400]  }
0xa8: {  	s25 =	sor.u32 s4, s6;
	s26 =	simm.s32 $0x60;
	[tilespmem:s9+$0x2200] =	vst v8;
	v8 =	vld.idx.msk [tilespmem:v6+s5+$0x0], $0xffff  }
0xa9: {  	s6 =	simm.s32 $0x300;
	s7 =	sor.u32 s16, s10;
	s20 =	sand.u32 $0x60, s26;
	[tilespmem:s25+$0x0] =	vst v0;
	v0 =	vld.idx.msk [tilespmem:v2+s5+$0x0], $0xffff  }
0xaa: {  	s3 =	sor.u32 $0x10, s20;
	[tilespmem:s7+$0x0] =	vst v4;
	v2 =	vadd.s32 $0x80, v6;
	v3 =	vld.idx.msk [tilespmem:v3+s5+$0x0], $0xffff;
	s7 =	sand.u32 $0xC00, s6  }
0xab: {  	v4 =	vld [tilespmem:s22+$0x300];
	s19 =	sor.u32 s7, s3  }
0xac: {  	v7 =	vadd.s32 $0x100, v7;
	s9 =	sor.u32 s20, s7;
	v9 =	vld [tilespmem:s19+$0x200]  }
0xad: {  	s18 =	sadd.s32 $0x3500, s12;
	v10 =	vld [tilespmem:s9+$0x200]  }
0xae: {  	s25 =	sor.u32 s15, s18;
	v11 =	vld.idx.msk [tilespmem:v1+s5+$0x0], $0xffff;
	[tilespmem:s8+$0x2400] =	vst v8  }
0xaf: {  	s24 =	sor.u32 s4, s24;
	[tilespmem:s25+$0x0] =	vst v0;
	v0 =	vld.idx.msk [tilespmem:v2+s5+$0x0], $0xffff  }
0xb0: {  	v2 =	vadd.s32 $0x80, v1;
	[tilespmem:s24+$0x0] =	vst v3;
	v3 =	vld.idx.msk [tilespmem:v5+s5+$0x0], $0xffff  }
0xb1: {  	v6 =	vadd.s32 $0x100, v6;
	s24 =	sor.u32 $0x300, s14;
	v7 =	vld.idx.msk [tilespmem:v7+s5+$0x0], $0xffff  }
0xb2: {  	s25 =	sadd.s32 $0x3400, s13;
	v8 =	vld [tilespmem:s24+$0x200]  }
0xb3: {  	s26 =	sor.u32 s30, s25;
	v54 =	vld.idx.msk [tilespmem:v4+s5+$0x0], $0xffff;
	[tilespmem:s17+$0x2300] =	vst v11  }
0xb4: {  	s14 =	sadd.s32 $0x4500, s12;
	v14 =	vld.idx.msk [tilespmem:v9+s5+$0x0], $0xffff;
	[tilespmem:s26+$0x0] =	vst v0;
	v0 =	vadd.s32 $0x80, v4  }
0xb5: {  	v55 =	vadd.s32 $0x80, v5;
	s2 =	sor.u32 s15, s14;
	v2 =	vld.idx.msk [tilespmem:v2+s5+$0x0], $0xffff  }
0xb6: {  	s23 =	sor.u32 $0x380, s23;
	[tilespmem:s2+$0x0] =	vst v7;
	v7 =	vadd.s32 $0x80, v9;
	v6 =	vld.idx.msk [tilespmem:v6+s5+$0x0], $0xffff  }
0xb7: {  	v1 =	vadd.s32 $0x100, v1;
	[tilespmem:s31+$0x2400] =	vst v3;
	v11 =	vld [tilespmem:s23+$0x200]  }
0xb8: {  	v3 =	vld.idx.msk [tilespmem:v10+s5+$0x0], $0xffff;
	[tilespmem:s22+$0x2300] =	vst v54  }
0xb9: {  	s10 =	sor.u32 $0x3300, s0;
	v57 =	vadd.s32 $0x80, v10;
	v0 =	vld.idx.msk [tilespmem:v0+s5+$0x0], $0xffff  }
0xba: {  	s29 =	sadd.s32 $0x4400, s13;
	s28 =	sor.u32 s21, s10;
	v56 =	vld.idx.msk [tilespmem:v55+s5+$0x0], $0xffff;
	[tilespmem:s19+$0x2200] =	vst v14  }
0xbb: {  	[tilespmem:s28+$0x0] =	vst v2;
	v2 =	vadd.s32 $0x100, v4;
	s28 =	sor.u32 s30, s29;
	v4 =	vld.idx.msk [tilespmem:v7+s5+$0x0], $0xffff  }
0xbc: {  	[tilespmem:s28+$0x0] =	vst v6;
	v1 =	vld.idx.msk [tilespmem:v1+s5+$0x0], $0xffff;
	v6 =	vadd.s32 $0x100, v9  }
0xbd: {  	s26 =	sor.u32 s16, s10;
	[tilespmem:s9+$0x2200] =	vst v3;
	v7 =	vld [tilespmem:s8+$0x480]  }
0xbe: {  	s28 =	sor.u32 $0x3200, s7;
	[tilespmem:s26+$0x0] =	vst v0;
	v0 =	vadd.s32 $0x100, v5;
	v5 =	vld.idx.msk [tilespmem:v57+s5+$0x0], $0xffff  }
0xbf: {  	s2 =	sor.u32 $0x4300, s0;
	s1 =	sor.u32 s3, s28;
	v9 =	vld.idx.msk [tilespmem:v11+s5+$0x0], $0xffff  }
0xc0: {  	s10 =	sor.u32 s21, s2;
	[tilespmem:s1+$0x0] =	vst v4;
	v2 =	vld.idx.msk [tilespmem:v2+s5+$0x0], $0xffff  }
0xc1: {  	[tilespmem:s10+$0x0] =	vst v1;
	v1 =	vadd.s32 $0x100, v10;
	v4 =	vld.idx.msk [tilespmem:v6+s5+$0x0], $0xffff  }
0xc2: {  	s25 =	sor.u32 s11, s25;
	v6 =	vld [tilespmem:s17+$0x380]  }
0xc3: {  	v3 =	vld.idx.msk [tilespmem:v8+s5+$0x0], $0xffff;
	[tilespmem:s25+$0x0] =	vst v56;
	s26 =	sor.u32 s20, s28  }
0xc4: {  	v10 =	vadd.s32 $0x80, v11;
	s10 =	simm.s32 $0x40;
	v0 =	vld.idx.msk [tilespmem:v0+s5+$0x0], $0xffff;
	[tilespmem:s26+$0x0] =	vst v5  }
0xc5: {  	s1 =	sor.u32 s16, s2;
	s2 =	sor.u32 s0, s10;
	v5 =	vld.idx.msk [tilespmem:v7+s5+$0x0], $0xffff;
	s26 =	sor.u32 $0x4200, s7;
	[tilespmem:s23+$0x2200] =	vst v9  }
0xc6: {  	v9 =	vadd.s32 $0x80, v8;
	[tilespmem:s1+$0x0] =	vst v2;
	s1 =	sor.u32 $0x180, s2;
	v1 =	vld.idx.msk [tilespmem:v1+s5+$0x0], $0xffff;
	s2 =	sor.u32 s3, s26  }
0xc7: {  	v2 =	vadd.s32 $0x80, v7;
	[tilespmem:s2+$0x0] =	vst v4;
	v4 =	vld [tilespmem:s1+$0x200]  }
0xc8: {  	v58 =	vld [tilespmem:s19+$0x280]  }
0xc9: {  	[tilespmem:s24+$0x2200] =	vst v3;
	v10 =	vld.idx.msk [tilespmem:v10+s5+$0x0], $0xffff  }
0xca: {  	s25 =	sor.u32 s20, s26;
	s26 =	sor.u32 s11, s29;
	[tilespmem:s8+$0x2480] =	vst v5;
	v5 =	vld.idx.msk [tilespmem:v6+s5+$0x0], $0xffff  }
0xcb: {  	[tilespmem:s26+$0x0] =	vst v0;
	v0 =	vld.idx.msk [tilespmem:v9+s5+$0x0], $0xffff  }
0xcc: {  	[tilespmem:s25+$0x0] =	vst v1;
	v1 =	vld.idx.msk [tilespmem:v2+s5+$0x0], $0xffff;
	v2 =	vadd.s32 $0x80, v6  }
0xcd: {  	v3 =	vadd.s32 $0x100, v7;
	v59 =	vld [tilespmem:s9+$0x280]  }
0xce: {  	v7 =	vadd.s32 $0x100, v8;
	v8 =	vld [tilespmem:s31+$0x480]  }
0xcf: {  	s23 =	sadd.s32 $0x3480, s13;
	v9 =	vld.idx.msk [tilespmem:v4+s5+$0x0], $0xffff;
	[tilespmem:s17+$0x2380] =	vst v5  }
0xd0: {  	s2 =	sor.u32 s30, s23;
	v15 =	vld.idx.msk [tilespmem:v58+s5+$0x0], $0xffff;
	[smem:$0x7F7] =	sst s30  }
0xd1: {  	s18 =	sor.u32 s4, s18;
	v60 =	vadd.s32 $0x80, v4;
	[tilespmem:s2+$0x0] =	vst v1;
	v1 =	vld.idx.msk [tilespmem:v2+s5+$0x0], $0xffff  }
0xd2: {  	s8 =	simm.s32 $0x1;
	v2 =	vadd.s32 $0x80, v58;
	[tilespmem:s18+$0x0] =	vst v0;
	v0 =	vld.idx.msk [tilespmem:v3+s5+$0x0], $0xffff  }
0xd3: {  	s24 =	sand.u32 $0x3, s8;
	v3 =	vadd.s32 $0x100, v6  }
0xd4: {  	s26 =	sor.u32 $0x3380, s0;
	s25 =	sshll.u32 s24, $0x5;
	v5 =	vld.idx.msk [tilespmem:v7+s5+$0x0], $0xffff;
	[tilespmem:s1+$0x2200] =	vst v9  }
0xd5: {  	s24 =	sadd.s32 $0x100, s25;
	s25 =	sadd.s32 $0x4480, s13;
	s2 =	sor.u32 s21, s26;
	v6 =	vld.idx.msk [tilespmem:v59+s5+$0x0], $0xffff;
	[tilespmem:s19+$0x2280] =	vst v15  }
0xd6: {  	v7 =	vld.idx.msk [tilespmem:v60+s5+$0x0], $0xffff;
	[tilespmem:s2+$0x0] =	vst v1;
	s2 =	sor.u32 s30, s25  }
0xd7: {  	s14 =	sor.u32 s4, s14;
	s18 =	smov.u32 s13;
	s13 =	sadd.s32 $0x10, s24;
	v2 =	vld.idx.msk [tilespmem:v2+s5+$0x0], $0xffff;
	[tilespmem:s2+$0x0] =	vst v0  }
0xd8: {  	s1 =	sor.u32 $0x300, s13;
	v1 =	vadd.s32 $0x80, v59;
	v0 =	vadd.s32 $0x100, v4;
	v4 =	vld.idx.msk [tilespmem:v3+s5+$0x0], $0xffff;
	[dreg:$0x1c] =	wrdreg s13;
	s13 =	simm.s32 $0x0  }
0xd9: {  	s28 =	sor.u32 $0x4380, s0;
	s2 =	sor.u32 s13, s13;
	[tilespmem:s14+$0x0] =	vst v5  }
0xda: {  	s29 =	sor.u32 s21, s28;
	v3 =	vld [tilespmem:s1+$0x200];
	[tilespmem:s9+$0x2280] =	vst v6;
	s2 =	sor.u32 $0x380, s2  }
0xdb: {  	v9 =	vadd.s32 $0x100, v58;
	s30 =	smov.u32 s17;
	v61 =	vld.idx.msk [tilespmem:v8+s5+$0x0], $0xffff;
	s13 =	sor.u32 s16, s26;
	[dreg:$0x8] =	wrdreg s2  }
0xdc: {  	v11 =	vadd.s32 $0x100, v11;
	s26 =	sor.u32 $0x3280, s7;
	s14 =	sadd.s32 $0x3580, s12;
	s12 =	sadd.s32 $0x4580, s12;
	v62 =	vld [tilespmem:s2+$0x200];
	[tilespmem:s13+$0x0] =	vst v7  }
0xdd: {  	v1 =	vld.idx.msk [tilespmem:v1+s5+$0x0], $0xffff;
	s13 =	sor.u32 s3, s26;
	s2 =	smov.u32 s0;
	s0 =	smov.u32 s21;
	[tilespmem:s29+$0x0] =	vst v4  }
0xde: {  	s21 =	smov.u32 s9;
	s29 =	sor.u32 s15, s14;
	s14 =	sor.u32 s4, s14;
	[tilespmem:s13+$0x0] =	vst v2;
	v0 =	vld.idx.msk [tilespmem:v0+s5+$0x0], $0xffff  }
0xdf: {  	s9 =	sor.u32 s20, s26;
	v2 =	vadd.s32 $0x80, v8;
	[tilespmem:s29+$0x0] =	vst v10;
	v5 =	vld [tilespmem:s17+$0x400];
	s13 =	simm.s32 $0x100;
	s17 =	simm.s32 $0x20  }
0xe0: {  	s29 =	sor.u32 s4, s12;
	s12 =	sor.u32 s15, s12;
	s15 =	sor.u32 $0x4280, s7;
	v7 =	vld.idx.msk [tilespmem:v9+s5+$0x0], $0xffff;
	[tilespmem:s31+$0x2480] =	vst v61  }
0xe1: {  	v4 =	vadd.s32 $0x100, v59;
	s17 =	sor.u32 s13, s17;
	v10 =	vld.idx.msk [tilespmem:v11+s5+$0x0], $0xffff;
	s31 =	smov.u32 s16;
	[dreg:$0xd] =	wrdreg s14  }
0xe2: {  	s13 =	sor.u32 s16, s28;
	s16 =	simm.s32 $0x200;
	s28 =	sor.u32 $0x380, s17;
	[tilespmem:s9+$0x0] =	vst v1  }
0xe3: {  	s14 =	simm.s32 $0x200;
	s4 =	sor.u32 s16, s10;
	s17 =	sor.u32 s3, s15;
	v63 =	vld.idx.msk [tilespmem:v3+s5+$0x0], $0xffff;
	[tilespmem:s13+$0x0] =	vst v0  }
0xe4: {  	s26 =	sor.u32 $0x380, s4;
	s4 =	simm.s32 $0x60;
	v6 =	vld.idx.msk [tilespmem:v2+s5+$0x0], $0xffff;
	[dreg:$0x7] =	wrdreg s14  }
0xe5: {  	s13 =	sor.u32 s6, s4;
	[tilespmem:s17+$0x0] =	vst v7  }
0xe6: {  	s16 =	smov.u32 s3;
	s3 =	sor.u32 $0x380, s13;
	v11 =	vld.idx.msk [tilespmem:v4+s5+$0x0], $0xffff;
	[dreg:$0x11] =	wrdreg s26  }
0xe7: {  	s23 =	sor.u32 s11, s23;
	v7 =	vld [tilespmem:s22+$0x400];
	[dreg:$0x10] =	wrdreg s3  }
0xe8: {  	s9 =	smov.u32 s7;
	s10 =	sor.u32 s7, s4;
	s4 =	sor.u32 s20, s15;
	[tilespmem:s12+$0x0] =	vst v10  }
0xe9: {  	s15 =	smov.u32 s18;
	s17 =	sor.u32 $0x300, s24;
	v9 =	vld [tilespmem:s19+$0x300];
	[dreg:$0x6] =	wrdreg s11  }
0xea: {  	s18 =	simm.s32 $0x300;
	s14 =	sor.u32 $0x180, s10;
	[dreg:$0x1e] =	wrdreg s17  }
0xeb: {  	v1 =	vadd.s32 $0x80, v62;
	s13 =	smov.u32 s20;
	s24 =	simm.s32 $0x6;
	s20 =	sld [smem:$0x7F7];
	v2 =	vld.idx.msk [tilespmem:v62+s5+$0x0], $0xffff;
	[tilespmem:s1+$0x2200] =	vst v63  }
0xec: {  	v0 =	vadd.s32 $0x100, v62;
	v4 =	vadd.s32 $0x100, v8;
	v8 =	vadd.s32 $0x80, v3;
	s26 =	sor.u32 s11, s25;
	s25 =	simm.s32 $0x80;
	v10 =	vld.idx.msk [tilespmem:v5+s5+$0x0], $0xffff;
	[dreg:$0x1b] =	wrdreg s18  }
.LBB2_3:
0xed: {  	_ = 	snop  }
0xee: {  	[smem:$0x7F1] =	sst s29;
	s6 =	sadd.s32 $0x100, s6  }
0xef: {  	s1 =	sand.u32 $0x60, s25;
	[smem:$0x7EC] =	sst s6;
	s17 =	sand.u32 $0xC00, s6  }
0xf0: {  	[tilespmem:s23+$0x0] =	vst v6;
	s18 =	sor.u32 s17, s25;
	s7 =	smov.u32 s28;
	s28 =	smov.u32 s14  }
0xf1: {  	v6 =	vld.idx.msk [tilespmem:v8+s5+$0x0], $0xffff;
	[tilespmem:s4+$0x0] =	vst v11;
	s14 =	smov.u32 s8;
	s8 =	rddreg [dreg:$0x1e];
	s3 =	sor.u32 $0x180, s18  }
0xf2: {  	v12 =	vadd.s32 $0x80, v5;
	s12 =	sor.u32 $0x10, s1;
	v4 =	vld.idx.msk [tilespmem:v4+s5+$0x0], $0xffff;
	[smem:$0x7EF] =	sst s3  }
0xf3: {  	v3 =	vadd.s32 $0x100, v3;
	s23 =	sor.u32 s17, s12;
	v13 =	vld [tilespmem:s21+$0x300];
	s3 =	sor.u32 s6, s25;
	s6 =	rddreg [dreg:$0x8]  }
0xf4: {  	s10 =	sor.u32 s1, s17;
	v14 =	vld [tilespmem:s23+$0x200];
	[dreg:$0x8] =	wrdreg s7  }
0xf5: {  	s29 =	sadd.s32 $0x3500, s15;
	v15 =	vld [tilespmem:s10+$0x200];
	s7 =	rddreg [dreg:$0x6];
	[tilespmem:s6+$0x2200] =	vst v2  }
0xf6: {  	s18 =	rddreg [dreg:$0x11];
	v2 =	vld.idx.msk [tilespmem:v9+s5+$0x0], $0xffff;
	[tilespmem:s30+$0x2400] =	vst v10;
	s11 =	sor.u32 s7, s29;
	s29 =	sor.u32 s20, s29  }
0xf7: {  	[smem:$0x7ED] =	sst s11;
	s11 =	smov.u32 s18;
	v10 =	vld.idx.msk [tilespmem:v12+s5+$0x0], $0xffff;
	[tilespmem:s29+$0x0] =	vst v6  }
0xf8: {  	v16 =	vadd.s32 $0x80, v9;
	[smem:$0x7F2] =	sst s11;
	v3 =	vld.idx.msk [tilespmem:v3+s5+$0x0], $0xffff;
	[tilespmem:s26+$0x0] =	vst v4  }
0xf9: {  	v5 =	vadd.s32 $0x100, v5;
	s11 =	rddreg [dreg:$0x10];
	v4 =	vld.idx.msk [tilespmem:v7+s5+$0x0], $0xffff  }
0xfa: {  	s4 =	sor.u32 $0x380, s3;
	s18 =	smov.u32 s11;
	v18 =	vld [tilespmem:s8+$0x200]  }
0xfb: {  	s3 =	sadd.s32 $0x3400, s2;
	v6 =	vadd.s32 $0x80, v13;
	v52 =	vadd.s32 $0x100, v13;
	[dreg:$0x11] =	wrdreg s18;
	s18 =	smov.u32 s4;
	v13 =	vld.idx.msk [tilespmem:v13+s5+$0x0], $0xffff  }
0xfc: {  	v8 =	vadd.s32 $0x80, v7;
	s29 =	sadd.s32 $0x4500, s15;
	s4 =	sor.u32 s0, s3;
	[dreg:$0x10] =	wrdreg s18;
	v19 =	vld.idx.msk [tilespmem:v14+s5+$0x0], $0xffff;
	[tilespmem:s19+$0x2300] =	vst v2  }
0xfd: {  	s11 =	sor.u32 s7, s29;
	s29 =	sor.u32 s20, s29;
	s18 =	rddreg [dreg:$0x1c];
	v2 =	vld.idx.msk [tilespmem:v16+s5+$0x0], $0xffff;
	[tilespmem:s4+$0x0] =	vst v10  }
0xfe: {  	s18 =	sor.u32 $0x380, s18;
	v10 =	vadd.s32 $0x80, v14;
	v5 =	vld.idx.msk [tilespmem:v5+s5+$0x0], $0xffff;
	[tilespmem:s29+$0x0] =	vst v3  }
0xff: {  	v3 =	vadd.s32 $0x100, v9;
	[tilespmem:s22+$0x2400] =	vst v4;
	v53 =	vld [tilespmem:s18+$0x200]  }
0x100: {  	[smem:$0x7F0] =	sst s21;
	v11 =	vadd.s32 $0x100, v7;
	v17 =	vadd.s32 $0x100, v15;
	v7 =	vadd.s32 $0x80, v15;
	v15 =	vld.idx.msk [tilespmem:v15+s5+$0x0], $0xffff;
	[tilespmem:s21+$0x2300] =	vst v13  }
0x101: {  	s6 =	smov.u32 s30;
	s4 =	smov.u32 s20;
	s29 =	sor.u32 $0x3300, s9;
	v8 =	vld.idx.msk [tilespmem:v8+s5+$0x0], $0xffff  }
0x102: {  	s30 =	sor.u32 s13, s29;
	s29 =	sor.u32 s16, s29;
	[tilespmem:s23+$0x2200] =	vst v19;
	s21 =	sadd.s32 $0x4400, s2;
	v6 =	vld.idx.msk [tilespmem:v6+s5+$0x0], $0xffff  }
0x103: {  	s20 =	smov.u32 s7;
	s7 =	smov.u32 s13;
	v10 =	vld.idx.msk [tilespmem:v10+s5+$0x0], $0xffff;
	[tilespmem:s29+$0x0] =	vst v2;
	s13 =	sor.u32 s0, s21  }
0x104: {  	v2 =	vld.idx.msk [tilespmem:v3+s5+$0x0], $0xffff;
	[tilespmem:s13+$0x0] =	vst v5;
	v3 =	vadd.s32 $0x100, v14  }
0x105: {  	v5 =	vld [tilespmem:s6+$0x480];
	[tilespmem:s10+$0x2200] =	vst v15  }
0x106: {  	s26 =	sor.u32 s31, s3;
	s29 =	sor.u32 s31, s21;
	s21 =	sor.u32 $0x3200, s17;
	v13 =	vld.idx.msk [tilespmem:v18+s5+$0x0], $0xffff  }
0x107: {  	s13 =	sor.u32 s12, s21;
	[tilespmem:s26+$0x0] =	vst v8;
	v8 =	vld.idx.msk [tilespmem:v53+s5+$0x0], $0xffff  }
0x108: {  	[tilespmem:s13+$0x0] =	vst v10;
	v7 =	vld.idx.msk [tilespmem:v7+s5+$0x0], $0xffff  }
0x109: {  	[tilespmem:s30+$0x0] =	vst v6;
	s30 =	sor.u32 $0x4300, s9;
	v3 =	vld.idx.msk [tilespmem:v3+s5+$0x0], $0xffff  }
0x10a: {  	s26 =	sor.u32 s1, s21;
	v10 =	vadd.s32 $0x80, v53;
	v6 =	vld.idx.msk [tilespmem:v52+s5+$0x0], $0xffff;
	s21 =	sor.u32 s7, s30;
	s30 =	sor.u32 s16, s30  }
0x10b: {  	v11 =	vld.idx.msk [tilespmem:v11+s5+$0x0], $0xffff;
	[tilespmem:s30+$0x0] =	vst v2  }
0x10c: {  	v2 =	vld [tilespmem:s19+$0x380];
	[tilespmem:s8+$0x2200] =	vst v13  }
0x10d: {  	s8 =	sor.u32 $0x4200, s17;
	v54 =	vld.idx.msk [tilespmem:v5+s5+$0x0], $0xffff;
	[tilespmem:s18+$0x2200] =	vst v8  }
0x10e: {  	[smem:$0x7EE] =	sst s11;
	s11 =	smov.u32 s16;
	v4 =	vadd.s32 $0x80, v18;
	s16 =	sor.u32 s12, s8;
	[tilespmem:s26+$0x0] =	vst v7  }
0x10f: {  	v7 =	vld.idx.msk [tilespmem:v10+s5+$0x0], $0xffff;
	[tilespmem:s16+$0x0] =	vst v3  }
0x110: {  	v8 =	vld.idx.msk [tilespmem:v17+s5+$0x0], $0xffff;
	[tilespmem:s21+$0x0] =	vst v6;
	v6 =	vadd.s32 $0x80, v5  }
0x111: {  	v55 =	vld [tilespmem:s23+$0x280]  }
0x112: {  	v3 =	vld [tilespmem:s28+$0x200];
	[tilespmem:s29+$0x0] =	vst v11  }
0x113: {  	v10 =	vadd.s32 $0x100, v53;
	v4 =	vld.idx.msk [tilespmem:v4+s5+$0x0], $0xffff  }
0x114: {  	s3 =	smov.u32 s9;
	s9 =	sor.u32 s1, s8;
	v11 =	vld.idx.msk [tilespmem:v2+s5+$0x0], $0xffff;
	[tilespmem:s6+$0x2480] =	vst v54  }
0x115: {  	s8 =	sld [smem:$0x7ED];
	s26 =	sadd.s32 $0x3480, s2;
	s21 =	sadd.s32 $0x3580, s15;
	[tilespmem:s9+$0x0] =	vst v8;
	v6 =	vld.idx.msk [tilespmem:v6+s5+$0x0], $0xffff  }
0x116: {  	v9 =	vadd.s32 $0x100, v18;
	s16 =	smov.u32 s3;
	s3 =	smov.u32 s17;
	s13 =	sor.u32 s4, s21;
	v57 =	vld [tilespmem:s10+$0x280]  }
0x117: {  	s17 =	rddreg [dreg:$0x7];
	s29 =	sor.u32 s20, s21;
	s21 =	smov.u32 s19;
	v56 =	vadd.s32 $0x80, v2;
	[tilespmem:s13+$0x0] =	vst v7;
	v15 =	vld [tilespmem:s22+$0x480]  }
0x118: {  	v5 =	vadd.s32 $0x100, v5;
	s19 =	smov.u32 s23;
	s23 =	sor.u32 s31, s26;
	s9 =	sadd.s32 $0x4580, s15;
	v10 =	vld.idx.msk [tilespmem:v10+s5+$0x0], $0xffff  }
0x119: {  	s6 =	sld [smem:$0x7EC];
	s13 =	sor.u32 s0, s26;
	s18 =	sor.u32 s20, s9;
	v58 =	vld.idx.msk [tilespmem:v55+s5+$0x0], $0xffff  }
0x11a: {  	v7 =	vadd.s32 $0x80, v3;
	v8 =	vadd.s32 $0x100, v3;
	s15 =	sor.u32 s4, s9;
	s26 =	smov.u32 s31;
	s31 =	smov.u32 s7;
	v3 =	vld.idx.msk [tilespmem:v3+s5+$0x0], $0xffff;
	[tilespmem:s8+$0x0] =	vst v4  }
0x11b: {  	s7 =	smov.u32 s1;
	s20 =	smov.u32 s0;
	s0 =	smov.u32 s11;
	[tilespmem:s21+$0x2380] =	vst v11;
	v9 =	vld.idx.msk [tilespmem:v9+s5+$0x0], $0xffff  }
0x11c: {  	s11 =	smov.u32 s12;
	s12 =	sld [smem:$0x7EE];
	s8 =	sadd.s32 $0x1, s14;
	v11 =	vld.idx.msk [tilespmem:v56+s5+$0x0], $0xffff;
	[tilespmem:s13+$0x0] =	vst v6  }
0x11d: {  	v60 =	vadd.s32 $0x80, v55;
	[dreg:$0x6] =	wrdreg s26;
	s4 =	sand.u32 $0x3, s8;
	v5 =	vld.idx.msk [tilespmem:v5+s5+$0x0], $0xffff;
	[tilespmem:s15+$0x0] =	vst v10;
	s15 =	smov.u32 s2  }
0x11e: {  	v1 =	vld.idx.msk [tilespmem:v1+s5+$0x0], $0xffff;
	s13 =	sor.u32 $0x3380, s16;
	s1 =	sshll.u32 s4, $0x5;
	s14 =	sadd.s32 $0x4480, s15  }
0x11f: {  	v2 =	vadd.s32 $0x100, v2;
	v14 =	vld.idx.msk [tilespmem:v57+s5+$0x0], $0xffff;
	[tilespmem:s28+$0x2200] =	vst v3;
	s4 =	sor.u32 s20, s14;
	s26 =	sor.u32 s26, s14;
	s14 =	rddreg [dreg:$0x1b]  }
0x120: {  	s1 =	sadd.s32 s1, s17;
	v7 =	vld.idx.msk [tilespmem:v7+s5+$0x0], $0xffff;
	[tilespmem:s12+$0x0] =	vst v9;
	s17 =	smov.u32 s14;
	s12 =	sld [smem:$0x7EF]  }
0x121: {  	s9 =	sor.u32 s0, s13;
	[tilespmem:s19+$0x2280] =	vst v58;
	[dreg:$0x7] =	wrdreg s17  }
0x122: {  	v16 =	vld.idx.msk [tilespmem:v60+s5+$0x0], $0xffff;
	[tilespmem:s9+$0x0] =	vst v11;
	s9 =	sadd.s32 $0x10, s1;
	s1 =	sor.u32 $0x300, s1;
	s17 =	rddreg [dreg:$0xd]  }
0x123: {  	v6 =	vadd.s32 $0x80, v57;
	v9 =	vld.idx.msk [tilespmem:v15+s5+$0x0], $0xffff;
	[dreg:$0x1e] =	wrdreg s1  }
0x124: {  	v2 =	vld.idx.msk [tilespmem:v2+s5+$0x0], $0xffff;
	[tilespmem:s4+$0x0] =	vst v5;
	[dreg:$0x1c] =	wrdreg s9;
	s1 =	sor.u32 $0x300, s9  }
0x125: {  	s16 =	smov.u32 s16;
	v5 =	vadd.s32 $0x100, v55;
	s9 =	smov.u32 s6;
	[tilespmem:s17+$0x0] =	vst v1;
	s17 =	rddreg [dreg:$0x8];
	v3 =	vld [tilespmem:s1+$0x200]  }
0x126: {  	s13 =	sor.u32 s31, s13;
	s4 =	smov.u32 s29;
	[dreg:$0x1b] =	wrdreg s9;
	[tilespmem:s10+$0x2280] =	vst v14  }
0x127: {  	s14 =	smov.u32 s12;
	[dreg:$0xd] =	wrdreg s4;
	s9 =	sor.u32 $0x3280, s3;
	v61 =	vld [tilespmem:s17+$0x200]  }
0x128: {  	s12 =	sor.u32 s7, s9;
	s4 =	sor.u32 s11, s9;
	s9 =	sor.u32 $0x4380, s16;
	v6 =	vld.idx.msk [tilespmem:v6+s5+$0x0], $0xffff;
	[tilespmem:s13+$0x0] =	vst v7  }
0x129: {  	v10 =	vadd.s32 $0x80, v15;
	s2 =	smov.u32 s16;
	[tilespmem:s4+$0x0] =	vst v16;
	s16 =	sor.u32 s0, s9;
	v7 =	vld.idx.msk [tilespmem:v8+s5+$0x0], $0xffff  }
0x12a: {  	v59 =	vadd.s32 $0x100, v57;
	v62 =	vld.idx.msk [tilespmem:v5+s5+$0x0], $0xffff;
	[tilespmem:s16+$0x0] =	vst v2  }
0x12b: {  	s17 =	sor.u32 s31, s9;
	s9 =	sld [smem:$0x7F0];
	[tilespmem:s22+$0x2480] =	vst v9;
	v5 =	vld [tilespmem:s21+$0x400]  }
0x12c: {  	s24 =	sadd.s32 $0x2, s24;
	v63 =	vld.idx.msk [tilespmem:v0+s5+$0x0], $0xffff  }
0x12d: {  	p1 =	slt.u32 s24, $0x1E;
	s30 =	smov.u32 s21;
	[tilespmem:s12+$0x0] =	vst v6;
	v16 =	vld.idx.msk [tilespmem:v3+s5+$0x0], $0xffff  }
0x12e: {  	s28 =	smov.u32 s9;
	s21 =	smov.u32 s10;
	s12 =	sor.u32 $0x4280, s3;
	v6 =	vld.idx.msk [tilespmem:v10+s5+$0x0], $0xffff  }
.Ltmp0:
0x12f: {  	v11 =	vld.idx.msk [tilespmem:v59+s5+$0x0], $0xffff;
	s10 =	sor.u32 s11, s12;
	[tilespmem:s17+$0x0] =	vst v7;
	s17 =	sld [smem:$0x7F1];
	(pc) =	sbr.rel @p1 .LBB2_3-.Ltmp0, $4  }
0x130: {  	[tilespmem:s10+$0x0] =	vst v62;
	v7 =	vld [tilespmem:s28+$0x400]  }
0x131: {  	s25 =	sadd.s32 $0x20, s25;
	s29 =	smov.u32 s18;
	v9 =	vld [tilespmem:s19+$0x300]  }
0x132: {  	v4 =	vadd.s32 $0x100, v15;
	s13 =	smov.u32 s7;
	s16 =	smov.u32 s11;
	s9 =	smov.u32 s3;
	v2 =	vld.idx.msk [tilespmem:v61+s5+$0x0], $0xffff;
	[tilespmem:s17+$0x0] =	vst v63  }
0x133: {  	v8 =	vadd.s32 $0x80, v3;
	s22 =	smov.u32 s28;
	v1 =	vadd.s32 $0x80, v61;
	v0 =	vadd.s32 $0x100, v61;
	s4 =	sor.u32 s7, s12;
	s28 =	sld [smem:$0x7F2];
	v10 =	vld.idx.msk [tilespmem:v5+s5+$0x0], $0xffff;
	[tilespmem:s1+$0x2200] =	vst v16  }
0x134: {  	[tilespmem:s4+$0x0] =	vst v11  }
0x135: {  	v11 =	vld [tilespmem:s21+$0x300];
	_ =	sdelay $0x4  }
0x136: {  	v12 =	vld.idx.msk [tilespmem:v9+s5+$0x0], $0xffff  }
0x137: {  	v13 =	vadd.s32 $0x80, v9;
	_ =	sdelay $0x1  }
0x138: {  	v14 =	vld.idx.msk [tilespmem:v11+s5+$0x0], $0xffff  }
0x139: {  	v15 =	vadd.s32 $0x80, v11  }
0x13a: {  	[tilespmem:s19+$0x2300] =	vst v12  }
0x13b: {  	v12 =	vld.idx.msk [tilespmem:v13+s5+$0x0], $0xffff  }
0x13c: {  	v9 =	vadd.s32 $0x100, v9  }
0x13d: {  	[tilespmem:s21+$0x2300] =	vst v14  }
0x13e: {  	s1 =	sor.u32 $0x3300, s9;
	v31 =	vld.idx.msk [tilespmem:v15+s5+$0x0], $0xffff  }
0x13f: {  	s3 =	sor.u32 s16, s1;
	v11 =	vadd.s32 $0x100, v11  }
0x140: {  	[tilespmem:s3+$0x0] =	vst v12  }
0x141: {  	v9 =	vld.idx.msk [tilespmem:v9+s5+$0x0], $0xffff  }
0x142: {  	s1 =	sor.u32 s13, s1  }
0x143: {  	s7 =	smov.u32 s9;
	[tilespmem:s1+$0x0] =	vst v31  }
0x144: {  	s6 =	sor.u32 $0x4300, s7;
	v11 =	vld.idx.msk [tilespmem:v11+s5+$0x0], $0xffff  }
0x145: {  	s10 =	sor.u32 s16, s6  }
0x146: {  	[tilespmem:s10+$0x0] =	vst v9  }
0x147: {  	v9 =	vld [tilespmem:s19+$0x380]  }
0x148: {  	s1 =	sor.u32 s13, s6  }
0x149: {  	[tilespmem:s1+$0x0] =	vst v11  }
0x14a: {  	v11 =	vld [tilespmem:s14+$0x200];
	_ =	sdelay $0x4  }
0x14b: {  	v12 =	vld.idx.msk [tilespmem:v9+s5+$0x0], $0xffff  }
0x14c: {  	v32 =	vadd.s32 $0x80, v9;
	_ =	sdelay $0x1  }
0x14d: {  	v14 =	vld.idx.msk [tilespmem:v11+s5+$0x0], $0xffff  }
0x14e: {  	v33 =	vadd.s32 $0x80, v11  }
0x14f: {  	[tilespmem:s19+$0x2380] =	vst v12  }
0x150: {  	v12 =	vld.idx.msk [tilespmem:v32+s5+$0x0], $0xffff  }
0x151: {  	v9 =	vadd.s32 $0x100, v9  }
0x152: {  	[tilespmem:s14+$0x2200] =	vst v14  }
0x153: {  	s11 =	sor.u32 $0x3380, s7;
	v34 =	vld.idx.msk [tilespmem:v33+s5+$0x0], $0xffff  }
0x154: {  	s12 =	sor.u32 s16, s11;
	v11 =	vadd.s32 $0x100, v11  }
0x155: {  	[tilespmem:s12+$0x0] =	vst v12  }
0x156: {  	v9 =	vld.idx.msk [tilespmem:v9+s5+$0x0], $0xffff  }
0x157: {  	s1 =	sor.u32 s13, s11  }
0x158: {  	[tilespmem:s1+$0x0] =	vst v34  }
0x159: {  	s14 =	sor.u32 $0x4380, s7;
	v11 =	vld.idx.msk [tilespmem:v11+s5+$0x0], $0xffff  }
0x15a: {  	s17 =	sor.u32 s16, s14  }
0x15b: {  	[tilespmem:s17+$0x0] =	vst v9  }
0x15c: {  	v9 =	vld [tilespmem:s19+$0x400]  }
0x15d: {  	s1 =	sor.u32 s13, s14  }
0x15e: {  	[tilespmem:s1+$0x0] =	vst v11  }
0x15f: {  	v11 =	vld [tilespmem:s21+$0x400];
	_ =	sdelay $0x3  }
0x160: {  	v35 =	vadd.s32 $0x80, v5  }
0x161: {  	v36 =	vld.idx.msk [tilespmem:v9+s5+$0x0], $0xffff  }
0x162: {  	v37 =	vld.idx.msk [tilespmem:v7+s5+$0x0], $0xffff;
	v38 =	vadd.s32 $0x80, v9  }
0x163: {  	v16 =	vadd.s32 $0x80, v7  }
0x164: {  	[tilespmem:s30+$0x2400] =	vst v10;
	v17 =	vld.idx.msk [tilespmem:v11+s5+$0x0], $0xffff  }
0x165: {  	v12 =	vld.idx.msk [tilespmem:v35+s5+$0x0], $0xffff;
	v10 =	vadd.s32 $0x80, v11  }
0x166: {  	v5 =	vadd.s32 $0x100, v5;
	[tilespmem:s19+$0x2400] =	vst v36  }
0x167: {  	[tilespmem:s22+$0x2400] =	vst v37;
	v13 =	vld.idx.msk [tilespmem:v38+s5+$0x0], $0xffff  }
0x168: {  	s18 =	sadd.s32 $0x3400, s2;
	v14 =	vld.idx.msk [tilespmem:v16+s5+$0x0], $0xffff;
	v9 =	vadd.s32 $0x100, v9  }
0x169: {  	v7 =	vadd.s32 $0x100, v7;
	s24 =	sor.u32 s0, s18;
	[tilespmem:s21+$0x2400] =	vst v17  }
0x16a: {  	s9 =	smov.u32 s16;
	s25 =	sadd.s32 $0x3400, s7;
	[tilespmem:s24+$0x0] =	vst v12;
	v10 =	vld.idx.msk [tilespmem:v10+s5+$0x0], $0xffff  }
0x16b: {  	s6 =	sor.u32 s9, s25;
	v5 =	vld.idx.msk [tilespmem:v5+s5+$0x0], $0xffff;
	v11 =	vadd.s32 $0x100, v11  }
0x16c: {  	s1 =	sor.u32 s31, s18;
	[tilespmem:s6+$0x0] =	vst v13  }
0x16d: {  	[tilespmem:s1+$0x0] =	vst v14;
	v9 =	vld.idx.msk [tilespmem:v9+s5+$0x0], $0xffff  }
0x16e: {  	s10 =	sadd.s32 $0x4400, s2;
	v7 =	vld.idx.msk [tilespmem:v7+s5+$0x0], $0xffff;
	s6 =	sor.u32 s13, s25  }
0x16f: {  	s11 =	sor.u32 s0, s10;
	[tilespmem:s6+$0x0] =	vst v10  }
0x170: {  	s12 =	sadd.s32 $0x4400, s7;
	[tilespmem:s11+$0x0] =	vst v5;
	v10 =	vld.idx.msk [tilespmem:v11+s5+$0x0], $0xffff  }
0x171: {  	s14 =	sor.u32 s9, s12;
	v5 =	vld [tilespmem:s30+$0x480]  }
0x172: {  	s1 =	sor.u32 s31, s10;
	[tilespmem:s14+$0x0] =	vst v9  }
0x173: {  	[tilespmem:s1+$0x0] =	vst v7;
	v7 =	vld [tilespmem:s19+$0x480]  }
0x174: {  	s18 =	sor.u32 s13, s12;
	v9 =	vld [tilespmem:s22+$0x480]  }
0x175: {  	[tilespmem:s18+$0x0] =	vst v10  }
0x176: {  	v10 =	vld [tilespmem:s21+$0x480];
	_ =	sdelay $0x2  }
0x177: {  	v11 =	vld.idx.msk [tilespmem:v5+s5+$0x0], $0xffff  }
0x178: {  	v39 =	vadd.s32 $0x80, v5  }
0x179: {  	v13 =	vld.idx.msk [tilespmem:v7+s5+$0x0], $0xffff  }
0x17a: {  	v40 =	vadd.s32 $0x80, v7;
	v14 =	vld.idx.msk [tilespmem:v9+s5+$0x0], $0xffff  }
0x17b: {  	v41 =	vadd.s32 $0x80, v9  }
0x17c: {  	[tilespmem:s30+$0x2480] =	vst v11;
	v17 =	vld.idx.msk [tilespmem:v10+s5+$0x0], $0xffff  }
0x17d: {  	v12 =	vld.idx.msk [tilespmem:v39+s5+$0x0], $0xffff;
	v11 =	vadd.s32 $0x80, v10  }
0x17e: {  	v5 =	vadd.s32 $0x100, v5;
	[tilespmem:s19+$0x2480] =	vst v13  }
0x17f: {  	[tilespmem:s22+$0x2480] =	vst v14;
	v13 =	vld.idx.msk [tilespmem:v40+s5+$0x0], $0xffff  }
0x180: {  	v7 =	vadd.s32 $0x100, v7;
	s19 =	sadd.s32 $0x3480, s2;
	v14 =	vld.idx.msk [tilespmem:v41+s5+$0x0], $0xffff  }
0x181: {  	v8 =	vld.idx.msk [tilespmem:v8+s5+$0x0], $0xffff;
	[tilespmem:s21+$0x2480] =	vst v17;
	s21 =	sor.u32 s0, s19  }
0x182: {  	s8 =	sadd.s32 $0x1, s8;
	s10 =	sadd.s32 $0x3480, s7;
	v9 =	vadd.s32 $0x100, v9;
	v11 =	vld.idx.msk [tilespmem:v11+s5+$0x0], $0xffff;
	[tilespmem:s21+$0x0] =	vst v12  }
0x183: {  	[tilespmem:s23+$0x0] =	vst v6;
	s3 =	smov.u32 s13;
	s24 =	sor.u32 s9, s10;
	s6 =	sadd.s32 $0x3500, s15;
	v5 =	vld.idx.msk [tilespmem:v5+s5+$0x0], $0xffff  }
0x184: {  	v4 =	vld.idx.msk [tilespmem:v4+s5+$0x0], $0xffff;
	s22 =	sand.u32 $0x3, s8;
	s1 =	sor.u32 s31, s19;
	v10 =	vadd.s32 $0x100, v10;
	s25 =	rddreg [dreg:$0x7];
	[tilespmem:s24+$0x0] =	vst v13  }
0x185: {  	v3 =	vadd.s32 $0x100, v3;
	s16 =	smov.u32 s0;
	s12 =	sor.u32 s20, s6;
	s4 =	sshll.u32 s22, $0x5;
	[tilespmem:s1+$0x0] =	vst v14;
	v6 =	vld.idx.msk [tilespmem:v7+s5+$0x0], $0xffff  }
0x186: {  	[tilespmem:s12+$0x0] =	vst v8;
	s11 =	sadd.s32 s4, s25;
	s4 =	sor.u32 s13, s10;
	s13 =	sadd.s32 $0x4480, s2  }
0x187: {  	s23 =	sadd.s32 $0x4480, s7;
	v7 =	vld.idx.msk [tilespmem:v9+s5+$0x0], $0xffff;
	s19 =	sor.u32 s16, s13;
	[tilespmem:s4+$0x0] =	vst v11  }
0x188: {  	s24 =	sor.u32 s9, s23;
	s10 =	sadd.s32 $0x1, s8;
	[tilespmem:s19+$0x0] =	vst v5  }
0x189: {  	s18 =	sand.u32 $0x3, s10;
	s1 =	sadd.s32 $0x10, s11;
	v8 =	vld.idx.msk [tilespmem:v10+s5+$0x0], $0xffff;
	s22 =	rddreg [dreg:$0x1b];
	[tilespmem:s26+$0x0] =	vst v4  }
0x18a: {  	v3 =	vld.idx.msk [tilespmem:v3+s5+$0x0], $0xffff;
	s21 =	sshll.u32 s18, $0x5;
	s12 =	sor.u32 $0x300, s1;
	[tilespmem:s24+$0x0] =	vst v6  }
0x18b: {  	s10 =	sor.u32 s31, s13;
	v4 =	vld [tilespmem:s12+$0x200];
	s8 =	sadd.s32 s21, s22;
	s18 =	rddreg [dreg:$0x1e]  }
0x18c: {  	s26 =	sor.u32 $0x300, s11;
	[tilespmem:s10+$0x0] =	vst v7;
	s4 =	sadd.s32 $0x10, s8;
	v5 =	vld [tilespmem:s18+$0x200]  }
0x18d: {  	s13 =	sor.u32 s3, s23;
	s19 =	sadd.s32 $0x4500, s15;
	v7 =	vld [tilespmem:s26+$0x200];
	s25 =	sor.u32 $0x300, s4  }
0x18e: {  	s21 =	sor.u32 s20, s19;
	s8 =	sor.u32 $0x300, s8;
	v6 =	vld [tilespmem:s25+$0x200];
	[tilespmem:s13+$0x0] =	vst v8  }
0x18f: {  	[tilespmem:s21+$0x0] =	vst v3;
	v8 =	vld [tilespmem:s8+$0x200]  }
0x190: {  	s22 =	rddreg [dreg:$0x1c]  }
0x191: {  	s23 =	sor.u32 $0x380, s22  }
0x192: {  	v3 =	vld [tilespmem:s23+$0x200]  }
0x193: {  	v9 =	vld.idx.msk [tilespmem:v4+s5+$0x0], $0xffff  }
0x194: {  	v11 =	vadd.s32 $0x80, v4;
	v10 =	vld.idx.msk [tilespmem:v5+s5+$0x0], $0xffff  }
0x195: {  	v42 =	vadd.s32 $0x80, v5;
	v14 =	vld.idx.msk [tilespmem:v7+s5+$0x0], $0xffff  }
0x196: {  	v44 =	vadd.s32 $0x80, v7;
	v13 =	vld.idx.msk [tilespmem:v6+s5+$0x0], $0xffff  }
0x197: {  	v43 =	vadd.s32 $0x80, v6;
	v17 =	vld.idx.msk [tilespmem:v8+s5+$0x0], $0xffff  }
0x198: {  	[tilespmem:s12+$0x2200] =	vst v9;
	v9 =	vadd.s32 $0x80, v8  }
0x199: {  	[tilespmem:s18+$0x2200] =	vst v10;
	v10 =	vld.idx.msk [tilespmem:v11+s5+$0x0], $0xffff  }
0x19a: {  	v4 =	vadd.s32 $0x100, v4;
	[tilespmem:s26+$0x2200] =	vst v14;
	v11 =	vld.idx.msk [tilespmem:v42+s5+$0x0], $0xffff  }
0x19b: {  	v5 =	vadd.s32 $0x100, v5;
	v46 =	vld.idx.msk [tilespmem:v44+s5+$0x0], $0xffff;
	[tilespmem:s25+$0x2200] =	vst v13  }
0x19c: {  	s24 =	sadd.s32 $0x3500, s2;
	v7 =	vadd.s32 $0x100, v7;
	v45 =	vld.idx.msk [tilespmem:v43+s5+$0x0], $0xffff;
	[tilespmem:s8+$0x2200] =	vst v17  }
0x19d: {  	s17 =	smov.u32 s2;
	v6 =	vadd.s32 $0x100, v6;
	s25 =	sor.u32 s16, s24;
	v9 =	vld.idx.msk [tilespmem:v9+s5+$0x0], $0xffff;
	s2 =	rddreg [dreg:$0x6]  }
0x19e: {  	v8 =	vadd.s32 $0x100, v8;
	v47 =	vld.idx.msk [tilespmem:v3+s5+$0x0], $0xffff;
	s6 =	sor.u32 s2, s6;
	[tilespmem:s25+$0x0] =	vst v10  }
0x19f: {  	s10 =	sor.u32 s31, s24;
	s26 =	sadd.s32 $0x3500, s7;
	[tilespmem:s6+$0x0] =	vst v11;
	v4 =	vld.idx.msk [tilespmem:v4+s5+$0x0], $0xffff  }
0x1a0: {  	s0 =	sor.u32 s9, s26;
	v10 =	vadd.s32 $0x80, v3;
	[tilespmem:s10+$0x0] =	vst v46;
	v5 =	vld.idx.msk [tilespmem:v5+s5+$0x0], $0xffff  }
0x1a1: {  	s10 =	sor.u32 s3, s26;
	v7 =	vld.idx.msk [tilespmem:v7+s5+$0x0], $0xffff;
	[tilespmem:s0+$0x0] =	vst v45  }
0x1a2: {  	s12 =	sadd.s32 $0x4500, s17;
	v6 =	vld.idx.msk [tilespmem:v6+s5+$0x0], $0xffff;
	[tilespmem:s10+$0x0] =	vst v9  }
0x1a3: {  	s14 =	sor.u32 s16, s12;
	[tilespmem:s23+$0x2200] =	vst v47;
	v8 =	vld.idx.msk [tilespmem:v8+s5+$0x0], $0xffff  }
0x1a4: {  	s18 =	sor.u32 s2, s19;
	[tilespmem:s14+$0x0] =	vst v4  }
0x1a5: {  	s1 =	sor.u32 $0x380, s1;
	s8 =	sor.u32 s31, s12;
	s19 =	sadd.s32 $0x4500, s7;
	v9 =	vld.idx.msk [tilespmem:v10+s5+$0x0], $0xffff;
	[tilespmem:s18+$0x0] =	vst v5  }
0x1a6: {  	s21 =	sor.u32 s9, s19;
	v4 =	vld [tilespmem:s1+$0x200];
	[tilespmem:s8+$0x0] =	vst v7  }
0x1a7: {  	s4 =	sor.u32 $0x380, s4;
	s6 =	sor.u32 s3, s19;
	v5 =	vld [tilespmem:s28+$0x200];
	[tilespmem:s21+$0x0] =	vst v6  }
0x1a8: {  	v3 =	vadd.s32 $0x100, v3;
	v6 =	vld [tilespmem:s4+$0x200];
	s12 =	rddreg [dreg:$0x11];
	[tilespmem:s6+$0x0] =	vst v8  }
0x1a9: {  	v7 =	vld [tilespmem:s12+$0x200];
	s23 =	rddreg [dreg:$0x10]  }
0x1aa: {  	s22 =	sadd.s32 $0x3580, s15;
	v8 =	vld [tilespmem:s23+$0x200]  }
0x1ab: {  	s24 =	sor.u32 s20, s22  }
0x1ac: {  	[tilespmem:s24+$0x0] =	vst v9  }
0x1ad: {  	v3 =	vld.idx.msk [tilespmem:v3+s5+$0x0], $0xffff  }
0x1ae: {  	v9 =	vld.idx.msk [tilespmem:v4+s5+$0x0], $0xffff  }
0x1af: {  	v10 =	vld.idx.msk [tilespmem:v5+s5+$0x0], $0xffff  }
0x1b0: {  	s25 =	sadd.s32 $0x4580, s15;
	v11 =	vadd.s32 $0x80, v4;
	s26 =	rddreg [dreg:$0x8];
	v49 =	vld.idx.msk [tilespmem:v6+s5+$0x0], $0xffff  }
0x1b1: {  	s0 =	sor.u32 s20, s25;
	v48 =	vadd.s32 $0x80, v5;
	[tilespmem:s26+$0x2200] =	vst v2;
	v2 =	vld.idx.msk [tilespmem:v7+s5+$0x0], $0xffff  }
0x1b2: {  	v50 =	vadd.s32 $0x80, v6;
	[tilespmem:s0+$0x0] =	vst v3;
	v51 =	vld.idx.msk [tilespmem:v8+s5+$0x0], $0xffff  }
0x1b3: {  	v3 =	vadd.s32 $0x80, v7;
	[tilespmem:s1+$0x2200] =	vst v9  }
0x1b4: {  	v1 =	vld.idx.msk [tilespmem:v1+s5+$0x0], $0xffff;
	v9 =	vadd.s32 $0x80, v8;
	[tilespmem:s28+$0x2200] =	vst v10  }
0x1b5: {  	v10 =	vld.idx.msk [tilespmem:v11+s5+$0x0], $0xffff;
	[tilespmem:s4+$0x2200] =	vst v49  }
0x1b6: {  	v4 =	vadd.s32 $0x100, v4;
	v11 =	vld.idx.msk [tilespmem:v48+s5+$0x0], $0xffff;
	[tilespmem:s12+$0x2200] =	vst v2  }
0x1b7: {  	v5 =	vadd.s32 $0x100, v5;
	v2 =	vld.idx.msk [tilespmem:v50+s5+$0x0], $0xffff;
	[tilespmem:s23+$0x2200] =	vst v51  }
0x1b8: {  	s10 =	sadd.s32 $0x3580, s17;
	v6 =	vadd.s32 $0x100, v6;
	v3 =	vld.idx.msk [tilespmem:v3+s5+$0x0], $0xffff;
	s0 =	rddreg [dreg:$0xd]  }
0x1b9: {  	s12 =	sor.u32 s16, s10;
	[tilespmem:s0+$0x0] =	vst v1;
	v1 =	vadd.s32 $0x100, v7;
	v7 =	vld.idx.msk [tilespmem:v9+s5+$0x0], $0xffff  }
0x1ba: {  	s13 =	sadd.s32 $0x3580, s7;
	s6 =	sor.u32 s2, s22;
	v8 =	vadd.s32 $0x100, v8;
	[tilespmem:s12+$0x0] =	vst v10;
	v0 =	vld.idx.msk [tilespmem:v0+s5+$0x0], $0xffff  }
0x1bb: {  	s14 =	sor.u32 s9, s13;
	v4 =	vld.idx.msk [tilespmem:v4+s5+$0x0], $0xffff;
	[tilespmem:s6+$0x0] =	vst v11  }
0x1bc: {  	s1 =	sor.u32 s31, s10;
	v5 =	vld.idx.msk [tilespmem:v5+s5+$0x0], $0xffff;
	[tilespmem:s14+$0x0] =	vst v2  }
0x1bd: {  	s4 =	sor.u32 s3, s13;
	v2 =	vld.idx.msk [tilespmem:v6+s5+$0x0], $0xffff;
	[tilespmem:s1+$0x0] =	vst v3  }
0x1be: {  	s15 =	sadd.s32 $0x4580, s17;
	v1 =	vld.idx.msk [tilespmem:v1+s5+$0x0], $0xffff;
	[tilespmem:s4+$0x0] =	vst v7  }
0x1bf: {  	s16 =	sor.u32 s16, s15;
	[tilespmem:s29+$0x0] =	vst v0;
	v0 =	vld.idx.msk [tilespmem:v8+s5+$0x0], $0xffff  }
0x1c0: {  	s17 =	sadd.s32 $0x4580, s7;
	s2 =	sor.u32 s2, s25;
	[tilespmem:s16+$0x0] =	vst v4  }
0x1c1: {  	s18 =	sor.u32 s9, s17;
	[tilespmem:s2+$0x0] =	vst v5  }
0x1c2: {  	s1 =	sor.u32 s31, s15;
	[tilespmem:s18+$0x0] =	vst v2  }
0x1c3: {  	s0 =	sor.u32 s3, s17;
	[tilespmem:s1+$0x0] =	vst v1  }
0x1c4: {  	s19 =	rddreg [dreg:$0x2];
	[tilespmem:s0+$0x0] =	vst v0  }
0x1c5: {  	s1 =	sld [smem:$0x7F4]  }
0x1c6: {  	s23 =	sld [smem:$0x7FB]  }
0x1c7: {  	s20 =	simm.s32 $0x1000;
	s24 =	sld [smem:$0x7F3]  }
0x1c8: {  	s21 =	simm.s32 $0x320000;
	s22 =	simm.s32 $0x2200;
	s0 =	sadd.s32 s19, s1  }
0x1c9: {  	[hbm4b:s0+s20] =	stream.strided.scatter [tilespmem:s22], [sflag:$0x3], $0x3000, s21, s20, $0x38;
	[tilespmem:$0x8200] =	vst v63  }
0x1ca: {  	s0 =	sadd.s32 s23, s24  }
0x1cb: {  	s25 =	rddreg [dreg:$0x0];
	s0 =	sshrl.u32 s0, $0x3  }
0x1cc: {  	s26 =	simm.s32 $0x200;
	s29 =	simm.s32 $0x2;
	s0 =	sadd.s32 s25, s0  }
0x1cd: {  	[tilespmem:s26], [sflag:$0x1] =	stream.linear.gather [hbm4b:s0+s5], $0x1000, $0x38;
	[tilespmem:$0x8200] =	vst v63  }
0x1ce: {  	_ =	swait.ge [sflag:s29], $0x1000  }
0x1cf: {  	[sflag:s29] =	ssyncset.done $0x0  }
0x1d0: {  	s15 =	simm.s32 $0x0;
	s0 =	simm.s32 @!p0 $0x4;
	[sflag:s29] =	ssyncadd.s32 $0xFFFFF000  }
0x1d1: {  	s4 =	sand.u32 $0x60, s15;
	_ =	swait.ge @!p0 [sflag:s0], $0x3000  }
0x1d2: {  	s6 =	sand.u32 $0xC00, s15;
	s8 =	sor.u32 $0x10, s4;
	[sflag:s0] =	ssyncset.done @!p0 $0x0  }
0x1d3: {  	s3 =	sor.u32 s6, s8;
	[sflag:s0] =	ssyncadd.s32 @!p0 $0xFFFFD000  }
0x1d4: {  	v0 =	vld [tilespmem:s3+$0x1200];
	_ =	sdelay $0x7  }
0x1d5: {  	v1 =	vld.idx.msk [tilespmem:v0+s5+$0x0], $0xffff  }
0x1d6: {  	s2 =	sor.u32 s4, s6;
	v2 =	vadd.s32 $0x80, v0  }
0x1d7: {  	v3 =	vld [tilespmem:s2+$0x1200];
	_ =	sdelay $0x2  }
0x1d8: {  	[tilespmem:s3+$0x5200] =	vst v1  }
0x1d9: {  	v1 =	vld.idx.msk [tilespmem:v2+s5+$0x0], $0xffff  }
0x1da: {  	v0 =	vadd.s32 $0x100, v0;
	_ =	sdelay $0x1  }
0x1db: {  	s1 =	sor.u32 $0x6200, s6  }
0x1dc: {  	s9 =	sor.u32 s8, s1;
	v2 =	vld.idx.msk [tilespmem:v3+s5+$0x0], $0xffff  }
0x1dd: {  	v4 =	vadd.s32 $0x80, v3;
	[tilespmem:s9+$0x0] =	vst v1  }
0x1de: {  	v0 =	vld.idx.msk [tilespmem:v0+s5+$0x0], $0xffff;
	_ =	sdelay $0x2  }
0x1df: {  	s10 =	sor.u32 $0x7200, s6;
	[tilespmem:s2+$0x5200] =	vst v2  }
0x1e0: {  	s11 =	sor.u32 s8, s10;
	v1 =	vld.idx.msk [tilespmem:v4+s5+$0x0], $0xffff  }
0x1e1: {  	v2 =	vadd.s32 $0x100, v3;
	[tilespmem:s11+$0x0] =	vst v0  }
0x1e2: {  	v0 =	vld [tilespmem:s3+$0x1280];
	_ =	sdelay $0x1  }
0x1e3: {  	s0 =	sor.u32 s4, s1  }
0x1e4: {  	[tilespmem:s0+$0x0] =	vst v1  }
0x1e5: {  	v1 =	vld.idx.msk [tilespmem:v2+s5+$0x0], $0xffff;
	_ =	sdelay $0x3  }
0x1e6: {  	s12 =	sor.u32 s4, s10;
	v2 =	vld.idx.msk [tilespmem:v0+s5+$0x0], $0xffff  }
0x1e7: {  	[tilespmem:s12+$0x0] =	vst v1;
	v1 =	vadd.s32 $0x80, v0  }
0x1e8: {  	v3 =	vld [tilespmem:s2+$0x1280];
	_ =	sdelay $0x2  }
0x1e9: {  	[tilespmem:s3+$0x5280] =	vst v2  }
0x1ea: {  	v1 =	vld.idx.msk [tilespmem:v1+s5+$0x0], $0xffff  }
0x1eb: {  	v0 =	vadd.s32 $0x100, v0;
	_ =	sdelay $0x1  }
0x1ec: {  	s13 =	sor.u32 $0x6280, s6  }
0x1ed: {  	s14 =	sor.u32 s8, s13;
	v2 =	vld.idx.msk [tilespmem:v3+s5+$0x0], $0xffff  }
0x1ee: {  	v4 =	vadd.s32 $0x80, v3;
	[tilespmem:s14+$0x0] =	vst v1  }
0x1ef: {  	v0 =	vld.idx.msk [tilespmem:v0+s5+$0x0], $0xffff;
	_ =	sdelay $0x2  }
0x1f0: {  	s16 =	sor.u32 $0x7280, s6;
	[tilespmem:s2+$0x5280] =	vst v2  }
0x1f1: {  	s17 =	sor.u32 s8, s16;
	v1 =	vld.idx.msk [tilespmem:v4+s5+$0x0], $0xffff  }
0x1f2: {  	v2 =	vadd.s32 $0x100, v3;
	[tilespmem:s17+$0x0] =	vst v0  }
0x1f3: {  	v0 =	vld [tilespmem:s3+$0x1300]  }
0x1f4: {  	s18 =	simm.s32 $0x20  }
0x1f5: {  	s19 =	simm.s32 $0x100;
	s29 =	sand.u32 $0x60, s18;
	s0 =	sor.u32 s4, s13  }
0x1f6: {  	s12 =	sor.u32 $0x10, s29;
	[tilespmem:s0+$0x0] =	vst v1;
	s17 =	sand.u32 $0xC00, s19  }
0x1f7: {  	v1 =	vld.idx.msk [tilespmem:v2+s5+$0x0], $0xffff;
	s13 =	sor.u32 s17, s12  }
0x1f8: {  	v2 =	vld [tilespmem:s13+$0x1200];
	_ =	sdelay $0x2  }
0x1f9: {  	s20 =	sor.u32 s4, s16;
	s14 =	sor.u32 s29, s17;
	v3 =	vld.idx.msk [tilespmem:v0+s5+$0x0], $0xffff  }
0x1fa: {  	[tilespmem:s20+$0x0] =	vst v1;
	v1 =	vld [tilespmem:s14+$0x1200];
	v4 =	vadd.s32 $0x80, v0  }
0x1fb: {  	v5 =	vld [tilespmem:s2+$0x1300];
	_ =	sdelay $0x2  }
0x1fc: {  	v6 =	vld.idx.msk [tilespmem:v2+s5+$0x0], $0xffff;
	[tilespmem:s3+$0x5300] =	vst v3  }
0x1fd: {  	v3 =	vld.idx.msk [tilespmem:v4+s5+$0x0], $0xffff;
	v4 =	vadd.s32 $0x80, v2  }
0x1fe: {  	v0 =	vadd.s32 $0x100, v0;
	_ =	sdelay $0x1  }
0x1ff: {  	s21 =	sor.u32 $0x6300, s6;
	v7 =	vld.idx.msk [tilespmem:v1+s5+$0x0], $0xffff  }
0x200: {  	s22 =	sor.u32 s8, s21;
	v8 =	vadd.s32 $0x80, v1;
	v9 =	vld.idx.msk [tilespmem:v5+s5+$0x0], $0xffff;
	[tilespmem:s13+$0x5200] =	vst v6  }
0x201: {  	v6 =	vadd.s32 $0x80, v5;
	v4 =	vld.idx.msk [tilespmem:v4+s5+$0x0], $0xffff;
	[tilespmem:s22+$0x0] =	vst v3  }
0x202: {  	v2 =	vadd.s32 $0x100, v2;
	v0 =	vld.idx.msk [tilespmem:v0+s5+$0x0], $0xffff;
	_ =	sdelay $0x1  }
0x203: {  	s23 =	sor.u32 $0x6200, s17;
	[tilespmem:s14+$0x5200] =	vst v7  }
0x204: {  	s25 =	sor.u32 $0x7300, s6;
	s24 =	sor.u32 s12, s23;
	[tilespmem:s2+$0x5300] =	vst v9;
	v3 =	vld.idx.msk [tilespmem:v8+s5+$0x0], $0xffff  }
0x205: {  	s26 =	sor.u32 s8, s25;
	v1 =	vadd.s32 $0x100, v1;
	v6 =	vld.idx.msk [tilespmem:v6+s5+$0x0], $0xffff;
	[tilespmem:s24+$0x0] =	vst v4  }
0x206: {  	v4 =	vadd.s32 $0x100, v5;
	v2 =	vld.idx.msk [tilespmem:v2+s5+$0x0], $0xffff;
	[tilespmem:s26+$0x0] =	vst v0  }
0x207: {  	v0 =	vld [tilespmem:s3+$0x1380]  }
0x208: {  	s7 =	sor.u32 s29, s23  }
0x209: {  	s0 =	sor.u32 s4, s21;
	s11 =	sor.u32 $0x7200, s17;
	[tilespmem:s7+$0x0] =	vst v3  }
0x20a: {  	s16 =	sor.u32 s12, s11;
	[tilespmem:s0+$0x0] =	vst v6;
	v1 =	vld.idx.msk [tilespmem:v1+s5+$0x0], $0xffff  }
0x20b: {  	v3 =	vld.idx.msk [tilespmem:v4+s5+$0x0], $0xffff;
	[tilespmem:s16+$0x0] =	vst v2  }
0x20c: {  	v2 =	vld [tilespmem:s13+$0x1280];
	_ =	sdelay $0x1  }
0x20d: {  	s18 =	sor.u32 s29, s11  }
0x20e: {  	s19 =	sor.u32 s6, s15;
	s20 =	sor.u32 s4, s25;
	[tilespmem:s18+$0x0] =	vst v1;
	v4 =	vld.idx.msk [tilespmem:v0+s5+$0x0], $0xffff  }
0x20f: {  	s21 =	sor.u32 $0x180, s19;
	v1 =	vadd.s32 $0x80, v0;
	[tilespmem:s20+$0x0] =	vst v3;
	v3 =	vld [tilespmem:s14+$0x1280]  }
0x210: {  	v5 =	vld [tilespmem:s21+$0x1200];
	_ =	sdelay $0x2  }
0x211: {  	v6 =	vld.idx.msk [tilespmem:v2+s5+$0x0], $0xffff;
	[tilespmem:s3+$0x5380] =	vst v4  }
0x212: {  	v4 =	vadd.s32 $0x80, v2;
	v1 =	vld.idx.msk [tilespmem:v1+s5+$0x0], $0xffff  }
0x213: {  	v0 =	vadd.s32 $0x100, v0;
	_ =	sdelay $0x1  }
0x214: {  	s22 =	sor.u32 $0x6380, s6;
	v7 =	vld.idx.msk [tilespmem:v3+s5+$0x0], $0xffff  }
0x215: {  	s23 =	sor.u32 s8, s22;
	v9 =	vadd.s32 $0x80, v3;
	v8 =	vld.idx.msk [tilespmem:v5+s5+$0x0], $0xffff;
	[tilespmem:s13+$0x5280] =	vst v6  }
0x216: {  	v6 =	vadd.s32 $0x80, v5;
	v4 =	vld.idx.msk [tilespmem:v4+s5+$0x0], $0xffff;
	[tilespmem:s23+$0x0] =	vst v1  }
0x217: {  	v1 =	vadd.s32 $0x100, v2;
	v0 =	vld.idx.msk [tilespmem:v0+s5+$0x0], $0xffff;
	_ =	sdelay $0x1  }
0x218: {  	s24 =	sor.u32 $0x6280, s17;
	[tilespmem:s14+$0x5280] =	vst v7  }
0x219: {  	s25 =	sor.u32 s12, s24;
	s26 =	sor.u32 $0x7380, s6;
	[tilespmem:s21+$0x5200] =	vst v8;
	v2 =	vld.idx.msk [tilespmem:v9+s5+$0x0], $0xffff  }
0x21a: {  	s11 =	sor.u32 s8, s26;
	v3 =	vadd.s32 $0x100, v3;
	v6 =	vld.idx.msk [tilespmem:v6+s5+$0x0], $0xffff;
	[tilespmem:s25+$0x0] =	vst v4  }
0x21b: {  	v4 =	vadd.s32 $0x100, v5;
	v1 =	vld.idx.msk [tilespmem:v1+s5+$0x0], $0xffff;
	[tilespmem:s11+$0x0] =	vst v0  }
0x21c: {  	v0 =	vld [tilespmem:s3+$0x1400]  }
0x21d: {  	s16 =	sor.u32 s29, s24  }
0x21e: {  	s7 =	sor.u32 s4, s22;
	s18 =	sor.u32 $0x7280, s17;
	[tilespmem:s16+$0x0] =	vst v2  }
0x21f: {  	s19 =	sor.u32 s12, s18;
	[tilespmem:s7+$0x0] =	vst v6;
	v2 =	vld.idx.msk [tilespmem:v3+s5+$0x0], $0xffff  }
0x220: {  	v3 =	vld.idx.msk [tilespmem:v4+s5+$0x0], $0xffff;
	[tilespmem:s19+$0x0] =	vst v1  }
0x221: {  	v1 =	vld [tilespmem:s13+$0x1300]  }
0x222: {  	s20 =	simm.s32 $0x40  }
0x223: {  	s22 =	simm.s32 $0x200;
	s21 =	sor.u32 s29, s18;
	s11 =	sand.u32 $0x60, s20  }
0x224: {  	s0 =	sand.u32 $0xC00, s22;
	s28 =	sor.u32 $0x10, s11;
	[tilespmem:s21+$0x0] =	vst v2;
	v4 =	vld.idx.msk [tilespmem:v0+s5+$0x0], $0xffff  }
0x225: {  	s23 =	sor.u32 s4, s26;
	s22 =	sor.u32 s0, s28;
	v2 =	vadd.s32 $0x80, v0;
	v5 =	vld [tilespmem:s14+$0x1300]  }
0x226: {  	s18 =	sor.u32 s11, s0;
	[tilespmem:s23+$0x0] =	vst v3;
	v3 =	vld [tilespmem:s22+$0x1200]  }
0x227: {  	v7 =	vld [tilespmem:s18+$0x1200]  }
0x228: {  	v6 =	vld [tilespmem:s2+$0x1400]  }
0x229: {  	v8 =	vld.idx.msk [tilespmem:v1+s5+$0x0], $0xffff;
	[tilespmem:s3+$0x5400] =	vst v4  }
0x22a: {  	v4 =	vadd.s32 $0x80, v1;
	v2 =	vld.idx.msk [tilespmem:v2+s5+$0x0], $0xffff  }
0x22b: {  	v0 =	vadd.s32 $0x100, v0;
	_ =	sdelay $0x1  }
0x22c: {  	s7 =	sadd.s32 $0x6400, s6;
	v9 =	vld.idx.msk [tilespmem:v5+s5+$0x0], $0xffff  }
0x22d: {  	s24 =	sor.u32 s8, s7;
	v10 =	vadd.s32 $0x80, v5;
	v11 =	vld.idx.msk [tilespmem:v3+s5+$0x0], $0xffff;
	[tilespmem:s13+$0x5300] =	vst v8  }
0x22e: {  	v4 =	vld.idx.msk [tilespmem:v4+s5+$0x0], $0xffff;
	[tilespmem:s24+$0x0] =	vst v2;
	v2 =	vadd.s32 $0x80, v3  }
0x22f: {  	v1 =	vadd.s32 $0x100, v1;
	v0 =	vld.idx.msk [tilespmem:v0+s5+$0x0], $0xffff  }
0x230: {  	v8 =	vld.idx.msk [tilespmem:v6+s5+$0x0], $0xffff  }
0x231: {  	s25 =	sor.u32 $0x6300, s17;
	v53 =	vld.idx.msk [tilespmem:v7+s5+$0x0], $0xffff;
	v52 =	vadd.s32 $0x80, v6;
	[tilespmem:s14+$0x5300] =	vst v9  }
0x232: {  	s26 =	sor.u32 s12, s25;
	s16 =	sadd.s32 $0x7400, s6;
	v9 =	vadd.s32 $0x80, v7;
	[tilespmem:s22+$0x5200] =	vst v11;
	v10 =	vld.idx.msk [tilespmem:v10+s5+$0x0], $0xffff  }
0x233: {  	s19 =	sor.u32 s8, s16;
	v5 =	vadd.s32 $0x100, v5;
	v2 =	vld.idx.msk [tilespmem:v2+s5+$0x0], $0xffff;
	[tilespmem:s26+$0x0] =	vst v4  }
0x234: {  	v1 =	vld.idx.msk [tilespmem:v1+s5+$0x0], $0xffff;
	[tilespmem:s19+$0x0] =	vst v0;
	v0 =	vadd.s32 $0x100, v3  }
0x235: {  	[tilespmem:s2+$0x5400] =	vst v8;
	v3 =	vld [tilespmem:s3+$0x1480]  }
0x236: {  	s9 =	sor.u32 s29, s25;
	s20 =	sor.u32 $0x6200, s0;
	[tilespmem:s18+$0x5200] =	vst v53;
	v4 =	vld.idx.msk [tilespmem:v52+s5+$0x0], $0xffff  }
0x237: {  	s21 =	sor.u32 s28, s20;
	s23 =	sor.u32 $0x7300, s17;
	v6 =	vadd.s32 $0x100, v6;
	v8 =	vld.idx.msk [tilespmem:v9+s5+$0x0], $0xffff;
	[tilespmem:s9+$0x0] =	vst v10  }
0x238: {  	s24 =	sor.u32 s12, s23;
	[tilespmem:s21+$0x0] =	vst v2;
	v2 =	vld.idx.msk [tilespmem:v5+s5+$0x0], $0xffff  }
0x239: {  	v5 =	vadd.s32 $0x100, v7;
	v0 =	vld.idx.msk [tilespmem:v0+s5+$0x0], $0xffff;
	[tilespmem:s24+$0x0] =	vst v1  }
0x23a: {  	s7 =	sor.u32 s4, s7;
	v1 =	vld [tilespmem:s13+$0x1380]  }
0x23b: {  	[tilespmem:s7+$0x0] =	vst v4  }
0x23c: {  	s1 =	simm.s32 $0x20;
	s25 =	sor.u32 s11, s20;
	v4 =	vld.idx.msk [tilespmem:v6+s5+$0x0], $0xffff  }
0x23d: {  	s26 =	sor.u32 s17, s1;
	s1 =	sor.u32 $0x7200, s0;
	s9 =	sor.u32 s29, s23;
	[tilespmem:s25+$0x0] =	vst v8;
	v6 =	vld.idx.msk [tilespmem:v3+s5+$0x0], $0xffff  }
0x23e: {  	s10 =	smov.u32 s14;
	s14 =	sor.u32 $0x180, s26;
	s20 =	sor.u32 s28, s1;
	v5 =	vld.idx.msk [tilespmem:v5+s5+$0x0], $0xffff;
	[tilespmem:s9+$0x0] =	vst v2;
	v2 =	vadd.s32 $0x80, v3  }
0x23f: {  	[tilespmem:s20+$0x0] =	vst v0;
	v0 =	vld [tilespmem:s14+$0x1200]  }
0x240: {  	v7 =	vld [tilespmem:s22+$0x1280];
	_ =	sdelay $0x1  }
0x241: {  	s7 =	sor.u32 s11, s1;
	v8 =	vld.idx.msk [tilespmem:v1+s5+$0x0], $0xffff;
	[tilespmem:s3+$0x5480] =	vst v6  }
0x242: {  	[tilespmem:s7+$0x0] =	vst v5;
	v2 =	vld.idx.msk [tilespmem:v2+s5+$0x0], $0xffff  }
0x243: {  	v5 =	vadd.s32 $0x80, v1;
	v6 =	vld [tilespmem:s18+$0x1280]  }
0x244: {  	v3 =	vadd.s32 $0x100, v3;
	_ =	sdelay $0x1  }
0x245: {  	s3 =	sadd.s32 $0x6480, s6;
	v9 =	vld.idx.msk [tilespmem:v0+s5+$0x0], $0xffff  }
0x246: {  	v10 =	vadd.s32 $0x80, v0;
	s23 =	sor.u32 s8, s3;
	v11 =	vld.idx.msk [tilespmem:v7+s5+$0x0], $0xffff;
	[tilespmem:s13+$0x5380] =	vst v8  }
0x247: {  	s21 =	sor.u32 s4, s16;
	v5 =	vld.idx.msk [tilespmem:v5+s5+$0x0], $0xffff;
	[tilespmem:s23+$0x0] =	vst v2;
	v2 =	vadd.s32 $0x80, v7  }
0x248: {  	[tilespmem:s21+$0x0] =	vst v4;
	v1 =	vadd.s32 $0x100, v1;
	v3 =	vld.idx.msk [tilespmem:v3+s5+$0x0], $0xffff  }
0x249: {  	s24 =	sand.u32 $0x3, s15;
	v4 =	vld [tilespmem:s2+$0x1480]  }
0x24a: {  	s9 =	sor.u32 $0x6380, s17;
	s7 =	sshll.u32 s24, $0x5;
	v8 =	vld.idx.msk [tilespmem:v6+s5+$0x0], $0xffff;
	[tilespmem:s14+$0x5200] =	vst v9  }
0x24b: {  	s25 =	sor.u32 s12, s9;
	s23 =	sadd.s32 $0x7480, s6;
	s14 =	sadd.s32 $0x0, s7;
	[tilespmem:s22+$0x5280] =	vst v11;
	v9 =	vld.idx.msk [tilespmem:v10+s5+$0x0], $0xffff  }
0x24c: {  	s26 =	sor.u32 s8, s23;
	s20 =	sadd.s32 $0x10, s14;
	v2 =	vld.idx.msk [tilespmem:v2+s5+$0x0], $0xffff;
	[tilespmem:s25+$0x0] =	vst v5  }
0x24d: {  	v10 =	vadd.s32 $0x80, v6;
	s7 =	sor.u32 $0x300, s20;
	v1 =	vld.idx.msk [tilespmem:v1+s5+$0x0], $0xffff;
	[tilespmem:s26+$0x0] =	vst v3  }
0x24e: {  	v3 =	vadd.s32 $0x100, v7;
	v5 =	vld [tilespmem:s7+$0x1200]  }
0x24f: {  	s1 =	sor.u32 $0x6280, s0  }
0x250: {  	s21 =	sor.u32 s28, s1;
	s24 =	sor.u32 $0x7380, s17;
	v0 =	vadd.s32 $0x100, v0;
	[tilespmem:s18+$0x5280] =	vst v8  }
0x251: {  	s25 =	sor.u32 s12, s24;
	v7 =	vld.idx.msk [tilespmem:v4+s5+$0x0], $0xffff;
	[tilespmem:s21+$0x0] =	vst v2  }
0x252: {  	v2 =	vld.idx.msk [tilespmem:v10+s5+$0x0], $0xffff;
	[tilespmem:s25+$0x0] =	vst v1;
	v1 =	vadd.s32 $0x80, v4  }
0x253: {  	s9 =	sor.u32 s29, s9;
	v6 =	vadd.s32 $0x100, v6;
	v3 =	vld.idx.msk [tilespmem:v3+s5+$0x0], $0xffff  }
0x254: {  	[tilespmem:s9+$0x0] =	vst v9;
	v8 =	vld [tilespmem:s13+$0x1400]  }
0x255: {  	v0 =	vld.idx.msk [tilespmem:v0+s5+$0x0], $0xffff  }
0x256: {  	s26 =	sor.u32 s11, s1;
	[tilespmem:s2+$0x5480] =	vst v7;
	v7 =	vld.idx.msk [tilespmem:v5+s5+$0x0], $0xffff  }
0x257: {  	s1 =	sor.u32 $0x7280, s0;
	[tilespmem:s26+$0x0] =	vst v2;
	v1 =	vld.idx.msk [tilespmem:v1+s5+$0x0], $0xffff  }
0x258: {  	s19 =	sor.u32 s28, s1;
	v2 =	vadd.s32 $0x80, v5;
	v6 =	vld.idx.msk [tilespmem:v6+s5+$0x0], $0xffff  }
0x259: {  	s24 =	sor.u32 s29, s24;
	v4 =	vadd.s32 $0x100, v4;
	[tilespmem:s19+$0x0] =	vst v3  }
0x25a: {  	[tilespmem:s24+$0x0] =	vst v0;
	v0 =	vld [tilespmem:s22+$0x1300]  }
0x25b: {  	s3 =	sor.u32 s4, s3;
	v3 =	vld [tilespmem:s10+$0x1400];
	[tilespmem:s7+$0x5200] =	vst v7  }
0x25c: {  	s2 =	sor.u32 s11, s1;
	v9 =	vld.idx.msk [tilespmem:v8+s5+$0x0], $0xffff;
	[tilespmem:s3+$0x0] =	vst v1  }
0x25d: {  	s21 =	smov.u32 s10;
	s25 =	simm.s32 $0x60;
	s7 =	simm.s32 $0x300;
	v1 =	vld.idx.msk [tilespmem:v2+s5+$0x0], $0xffff;
	[tilespmem:s2+$0x0] =	vst v6  }
0x25e: {  	s9 =	sand.u32 $0x60, s25;
	s10 =	sand.u32 $0xC00, s7;
	v2 =	vadd.s32 $0x80, v8;
	v4 =	vld.idx.msk [tilespmem:v4+s5+$0x0], $0xffff;
	[smem:$0x7EB] =	sst s18  }
0x25f: {  	v5 =	vadd.s32 $0x100, v5;
	s19 =	sor.u32 $0x10, s9;
	s30 =	sor.u32 s9, s10;
	v6 =	vld [tilespmem:s18+$0x1300]  }
0x260: {  	s26 =	smov.u32 s18;
	s18 =	sor.u32 s10, s19;
	v10 =	vld [tilespmem:s30+$0x1200]  }
0x261: {  	s16 =	sadd.s32 $0x6500, s6;
	v7 =	vld [tilespmem:s18+$0x1200]  }
0x262: {  	s24 =	sor.u32 s8, s16;
	v11 =	vld.idx.msk [tilespmem:v0+s5+$0x0], $0xffff;
	[tilespmem:s13+$0x5400] =	vst v9  }
0x263: {  	[tilespmem:s24+$0x0] =	vst v1;
	v1 =	vld.idx.msk [tilespmem:v2+s5+$0x0], $0xffff;
	v2 =	vadd.s32 $0x80, v0  }
0x264: {  	s23 =	sor.u32 s4, s23;
	v5 =	vld.idx.msk [tilespmem:v5+s5+$0x0], $0xffff  }
0x265: {  	[tilespmem:s23+$0x0] =	vst v4;
	s23 =	sor.u32 $0x300, s14;
	v4 =	vld.idx.msk [tilespmem:v3+s5+$0x0], $0xffff  }
0x266: {  	v8 =	vadd.s32 $0x100, v8;
	s24 =	sadd.s32 $0x6400, s17;
	v9 =	vld [tilespmem:s23+$0x1200]  }
0x267: {  	s25 =	sor.u32 s12, s24;
	s14 =	sadd.s32 $0x7500, s6;
	[tilespmem:s22+$0x5300] =	vst v11;
	v54 =	vld.idx.msk [tilespmem:v6+s5+$0x0], $0xffff  }
0x268: {  	v55 =	vadd.s32 $0x80, v3;
	s2 =	sor.u32 s8, s14;
	[tilespmem:s25+$0x0] =	vst v1;
	v2 =	vld.idx.msk [tilespmem:v2+s5+$0x0], $0xffff  }
0x269: {  	s20 =	sor.u32 $0x380, s20;
	v1 =	vadd.s32 $0x80, v6;
	v56 =	vld.idx.msk [tilespmem:v7+s5+$0x0], $0xffff;
	[tilespmem:s2+$0x0] =	vst v5  }
0x26a: {  	v5 =	vadd.s32 $0x80, v7;
	v11 =	vld [tilespmem:s20+$0x1200]  }
0x26b: {  	v0 =	vadd.s32 $0x100, v0;
	v8 =	vld.idx.msk [tilespmem:v8+s5+$0x0], $0xffff  }
0x26c: {  	[tilespmem:s21+$0x5400] =	vst v4;
	v4 =	vld.idx.msk [tilespmem:v10+s5+$0x0], $0xffff  }
0x26d: {  	s3 =	sor.u32 $0x6300, s0;
	v57 =	vld.idx.msk [tilespmem:v55+s5+$0x0], $0xffff;
	[tilespmem:s26+$0x5300] =	vst v54  }
0x26e: {  	s31 =	sadd.s32 $0x7400, s17;
	s1 =	sor.u32 s28, s3;
	v58 =	vadd.s32 $0x80, v10;
	[tilespmem:s18+$0x5200] =	vst v56;
	v1 =	vld.idx.msk [tilespmem:v1+s5+$0x0], $0xffff  }
0x26f: {  	s2 =	sor.u32 s12, s31;
	[tilespmem:s1+$0x0] =	vst v2;
	v2 =	vadd.s32 $0x100, v6;
	v5 =	vld.idx.msk [tilespmem:v5+s5+$0x0], $0xffff  }
0x270: {  	v6 =	vadd.s32 $0x100, v7;
	[tilespmem:s2+$0x0] =	vst v8;
	v0 =	vld.idx.msk [tilespmem:v0+s5+$0x0], $0xffff  }
0x271: {  	v7 =	vld [tilespmem:s13+$0x1480]  }
0x272: {  	s25 =	sor.u32 s11, s3;
	s26 =	sor.u32 $0x6200, s10;
	[tilespmem:s30+$0x5200] =	vst v4;
	v8 =	vld.idx.msk [tilespmem:v11+s5+$0x0], $0xffff  }
0x273: {  	s1 =	sor.u32 $0x7300, s0;
	s3 =	sor.u32 s19, s26;
	[tilespmem:s25+$0x0] =	vst v1;
	v1 =	vadd.s32 $0x100, v3;
	v3 =	vld.idx.msk [tilespmem:v58+s5+$0x0], $0xffff  }
0x274: {  	s2 =	sor.u32 s28, s1;
	[tilespmem:s3+$0x0] =	vst v5;
	v2 =	vld.idx.msk [tilespmem:v2+s5+$0x0], $0xffff  }
0x275: {  	[tilespmem:s2+$0x0] =	vst v0;
	v5 =	vld.idx.msk [tilespmem:v6+s5+$0x0], $0xffff  }
0x276: {  	v0 =	vadd.s32 $0x100, v10;
	v6 =	vld [tilespmem:s22+$0x1380]  }
0x277: {  	s24 =	sor.u32 s29, s24  }
0x278: {  	v4 =	vld.idx.msk [tilespmem:v9+s5+$0x0], $0xffff;
	[tilespmem:s24+$0x0] =	vst v57;
	s3 =	sor.u32 s9, s26  }
0x279: {  	s25 =	simm.s32 $0x40;
	[tilespmem:s3+$0x0] =	vst v3;
	v3 =	vld.idx.msk [tilespmem:v7+s5+$0x0], $0xffff  }
0x27a: {  	s1 =	sor.u32 s11, s1;
	s2 =	sor.u32 $0x7200, s10;
	s26 =	sor.u32 s0, s25;
	[tilespmem:s20+$0x5200] =	vst v8;
	v8 =	vadd.s32 $0x80, v9;
	v1 =	vld.idx.msk [tilespmem:v1+s5+$0x0], $0xffff  }
0x27b: {  	s3 =	sor.u32 s19, s2;
	[tilespmem:s1+$0x0] =	vst v2;
	s1 =	sor.u32 $0x180, s26;
	v0 =	vld.idx.msk [tilespmem:v0+s5+$0x0], $0xffff;
	v2 =	vadd.s32 $0x80, v7  }
0x27c: {  	[tilespmem:s3+$0x0] =	vst v5;
	v5 =	vld [tilespmem:s1+$0x1200]  }
0x27d: {  	v10 =	vadd.s32 $0x80, v11;
	[tilespmem:s23+$0x5200] =	vst v4;
	v59 =	vld [tilespmem:s18+$0x1280]  }
0x27e: {  	s26 =	sor.u32 s29, s31;
	[tilespmem:s13+$0x5480] =	vst v3;
	v3 =	vld.idx.msk [tilespmem:v6+s5+$0x0], $0xffff  }
0x27f: {  	s25 =	sor.u32 s9, s2;
	[tilespmem:s26+$0x0] =	vst v1;
	v1 =	vld.idx.msk [tilespmem:v8+s5+$0x0], $0xffff  }
0x280: {  	[tilespmem:s25+$0x0] =	vst v0;
	v0 =	vld.idx.msk [tilespmem:v2+s5+$0x0], $0xffff  }
0x281: {  	v2 =	vadd.s32 $0x80, v6;
	v4 =	vld [tilespmem:s30+$0x1280]  }
0x282: {  	v10 =	vld.idx.msk [tilespmem:v10+s5+$0x0], $0xffff;
	v8 =	vadd.s32 $0x100, v9  }
0x283: {  	v7 =	vadd.s32 $0x100, v7;
	v60 =	vld [tilespmem:s21+$0x1480]  }
0x284: {  	s20 =	sadd.s32 $0x6480, s17;
	s3 =	sor.u32 s4, s16;
	v9 =	vld.idx.msk [tilespmem:v5+s5+$0x0], $0xffff;
	[tilespmem:s22+$0x5380] =	vst v3  }
0x285: {  	s2 =	sor.u32 s12, s20;
	[tilespmem:s3+$0x0] =	vst v1;
	v62 =	vld.idx.msk [tilespmem:v59+s5+$0x0], $0xffff  }
0x286: {  	v61 =	vadd.s32 $0x80, v5;
	[tilespmem:s2+$0x0] =	vst v0;
	v0 =	vld.idx.msk [tilespmem:v2+s5+$0x0], $0xffff  }
0x287: {  	s23 =	simm.s32 $0x1;
	v3 =	vadd.s32 $0x100, v6;
	v2 =	vadd.s32 $0x80, v59;
	v6 =	vld.idx.msk [tilespmem:v8+s5+$0x0], $0xffff  }
0x288: {  	v1 =	vld.idx.msk [tilespmem:v7+s5+$0x0], $0xffff;
	[dreg:$0x17] =	wrdreg s23  }
0x289: {  	s16 =	simm.s32 $0x1;
	s23 =	sor.u32 $0x6380, s0;
	[tilespmem:s1+$0x5200] =	vst v9;
	v7 =	vld.idx.msk [tilespmem:v4+s5+$0x0], $0xffff  }
0x28a: {  	s24 =	sand.u32 $0x3, s16;
	s26 =	sor.u32 s28, s23;
	[tilespmem:s18+$0x5280] =	vst v62  }
0x28b: {  	s14 =	sor.u32 s4, s14;
	s25 =	sshll.u32 s24, $0x5;
	s24 =	sadd.s32 $0x7480, s17;
	v8 =	vld.idx.msk [tilespmem:v61+s5+$0x0], $0xffff;
	[tilespmem:s26+$0x0] =	vst v0  }
0x28c: {  	s25 =	sadd.s32 $0x100, s25;
	s2 =	sor.u32 s12, s24;
	v0 =	vadd.s32 $0x80, v4;
	[tilespmem:s14+$0x0] =	vst v6;
	v2 =	vld.idx.msk [tilespmem:v2+s5+$0x0], $0xffff  }
0x28d: {  	s16 =	sadd.s32 $0x10, s25;
	s3 =	sor.u32 s15, s15;
	[tilespmem:s2+$0x0] =	vst v1;
	v1 =	vadd.s32 $0x100, v5;
	v5 =	vld.idx.msk [tilespmem:v3+s5+$0x0], $0xffff  }
0x28e: {  	s15 =	sor.u32 $0x380, s3;
	s1 =	sor.u32 $0x300, s16;
	v6 =	vld.idx.msk [tilespmem:v60+s5+$0x0], $0xffff;
	[tilespmem:s30+$0x5280] =	vst v7  }
0x28f: {  	s23 =	sor.u32 s11, s23;
	v9 =	vadd.s32 $0x100, v59;
	s14 =	sor.u32 $0x6280, s10;
	v3 =	vld [tilespmem:s1+$0x1200];
	[dreg:$0x9] =	wrdreg s15  }
0x290: {  	v11 =	vadd.s32 $0x100, v11;
	s26 =	sor.u32 s19, s14;
	v63 =	vld [tilespmem:s15+$0x1200];
	[tilespmem:s23+$0x0] =	vst v8;
	s23 =	sor.u32 $0x7380, s0  }
0x291: {  	s31 =	smov.u32 s21;
	s3 =	smov.u32 s0;
	v0 =	vld.idx.msk [tilespmem:v0+s5+$0x0], $0xffff;
	[tilespmem:s26+$0x0] =	vst v2;
	s0 =	sor.u32 s28, s23  }
0x292: {  	s13 =	smov.u32 s22;
	s21 =	smov.u32 s12;
	s12 =	sadd.s32 $0x6580, s6;
	v1 =	vld.idx.msk [tilespmem:v1+s5+$0x0], $0xffff;
	[tilespmem:s0+$0x0] =	vst v5  }
0x293: {  	s15 =	sor.u32 s8, s12;
	s26 =	simm.s32 $0x20;
	[tilespmem:s31+$0x5480] =	vst v6;
	v5 =	vld [tilespmem:s22+$0x1400];
	s22 =	simm.s32 $0x100  }
0x294: {  	s6 =	sadd.s32 $0x7580, s6;
	v2 =	vadd.s32 $0x80, v60;
	v7 =	vld.idx.msk [tilespmem:v9+s5+$0x0], $0xffff;
	[tilespmem:s15+$0x0] =	vst v10;
	s15 =	sor.u32 s22, s26;
	s22 =	sor.u32 s4, s12  }
0x295: {  	v8 =	vld.idx.msk [tilespmem:v11+s5+$0x0], $0xffff;
	s26 =	sor.u32 s4, s6;
	[dreg:$0xe] =	wrdreg s22  }
0x296: {  	s0 =	sor.u32 s9, s14;
	[smem:$0x7EA] =	sst s26  }
0x297: {  	s2 =	smov.u32 s28;
	s28 =	smov.u32 s11;
	s11 =	sor.u32 s11, s23;
	[tilespmem:s0+$0x0] =	vst v0  }
0x298: {  	s24 =	sor.u32 s29, s24;
	v4 =	vadd.s32 $0x100, v4;
	s23 =	simm.s32 $0x200;
	s15 =	sor.u32 $0x380, s15;
	v10 =	vld.idx.msk [tilespmem:v3+s5+$0x0], $0xffff;
	[tilespmem:s11+$0x0] =	vst v1  }
0x299: {  	s22 =	simm.s32 $0x200;
	s26 =	simm.s32 $0x40;
	v6 =	vld.idx.msk [tilespmem:v2+s5+$0x0], $0xffff;
	[dreg:$0x15] =	wrdreg s15  }
0x29a: {  	s12 =	sor.u32 $0x7280, s10;
	s4 =	sor.u32 s23, s26;
	[dreg:$0x5] =	wrdreg s22  }
0x29b: {  	s0 =	sor.u32 s19, s12;
	s11 =	sld [smem:$0x7EB];
	s15 =	simm.s32 $0x60  }
0x29c: {  	s31 =	smov.u32 s19;
	[tilespmem:s0+$0x0] =	vst v7;
	s0 =	sor.u32 $0x380, s4;
	s19 =	sor.u32 s10, s15  }
0x29d: {  	v11 =	vld.idx.msk [tilespmem:v4+s5+$0x0], $0xffff;
	s22 =	sor.u32 s7, s15;
	[dreg:$0x13] =	wrdreg s0;
	s23 =	sor.u32 $0x180, s19  }
0x29e: {  	s14 =	smov.u32 s30;
	s26 =	sor.u32 $0x380, s22;
	v7 =	vld [tilespmem:s11+$0x1400];
	[dreg:$0x1f] =	wrdreg s23  }
0x29f: {  	s30 =	smov.u32 s10;
	s6 =	sor.u32 s8, s6;
	[dreg:$0x12] =	wrdreg s26  }
0x2a0: {  	s8 =	sor.u32 $0x300, s25;
	s4 =	sor.u32 s9, s12;
	s15 =	simm.s32 $0x6;
	[tilespmem:s6+$0x0] =	vst v8  }
0x2a1: {  	s19 =	smov.u32 s9;
	s23 =	sor.u32 s29, s20;
	v9 =	vld [tilespmem:s18+$0x1300];
	[dreg:$0xb] =	wrdreg s29  }
0x2a2: {  	v1 =	vadd.s32 $0x80, v63;
	s20 =	smov.u32 s21;
	s21 =	smov.u32 s18;
	s29 =	simm.s32 $0x300;
	v2 =	vld.idx.msk [tilespmem:v63+s5+$0x0], $0xffff;
	[tilespmem:s1+$0x5200] =	vst v10  }
0x2a3: {  	v0 =	vadd.s32 $0x100, v63;
	v4 =	vadd.s32 $0x100, v60;
	s6 =	smov.u32 s17;
	v8 =	vadd.s32 $0x80, v3;
	s18 =	simm.s32 $0x80;
	v10 =	vld.idx.msk [tilespmem:v5+s5+$0x0], $0xffff;
	[dreg:$0x1a] =	wrdreg s29  }
.LBB2_5:
0x2a4: {  	_ =	sdelay $0x1  }
0x2a5: {  	s17 =	sand.u32 $0x60, s18;
	s7 =	sadd.s32 $0x100, s7  }
0x2a6: {  	s1 =	sand.u32 $0xC00, s7;
	s12 =	sor.u32 $0x10, s17  }
0x2a7: {  	[tilespmem:s23+$0x0] =	vst v6;
	v6 =	vld.idx.msk [tilespmem:v8+s5+$0x0], $0xffff;
	s23 =	sor.u32 s1, s12  }
0x2a8: {  	s25 =	rddreg [dreg:$0x9];
	[tilespmem:s4+$0x0] =	vst v11;
	v14 =	vld [tilespmem:s23+$0x1200]  }
0x2a9: {  	v12 =	vadd.s32 $0x80, v5;
	s26 =	sadd.s32 $0x6500, s6;
	s29 =	rddreg [dreg:$0x15];
	v4 =	vld.idx.msk [tilespmem:v4+s5+$0x0], $0xffff  }
0x2aa: {  	v3 =	vadd.s32 $0x100, v3;
	s22 =	sor.u32 s7, s18;
	s9 =	sor.u32 s17, s1;
	s10 =	sor.u32 s1, s18;
	v13 =	vld [tilespmem:s14+$0x1300]  }
0x2ab: {  	[smem:$0x7E9] =	sst s14;
	s0 =	sor.u32 $0x180, s10;
	s4 =	sor.u32 $0x380, s22;
	v15 =	vld [tilespmem:s9+$0x1200];
	[tilespmem:s25+$0x5200] =	vst v2  }
0x2ac: {  	s22 =	smov.u32 s14;
	v2 =	vld.idx.msk [tilespmem:v9+s5+$0x0], $0xffff;
	[tilespmem:s13+$0x5400] =	vst v10;
	s5 =	smov.u32 s13;
	s13 =	rddreg [dreg:$0xb]  }
0x2ad: {  	s14 =	simm.s32 $0x0;
	s25 =	sor.u32 s13, s26;
	s26 =	sor.u32 s20, s26  }
0x2ae: {  	s10 =	smov.u32 s29;
	[smem:$0x7E8] =	sst s0;
	v10 =	vld.idx.msk [tilespmem:v12+s14+$0x0], $0xffff;
	[tilespmem:s26+$0x0] =	vst v6  }
0x2af: {  	[dreg:$0x9] =	wrdreg s10;
	v16 =	vadd.s32 $0x80, v9;
	v3 =	vld.idx.msk [tilespmem:v3+s14+$0x0], $0xffff;
	[tilespmem:s24+$0x0] =	vst v4  }
0x2b0: {  	v5 =	vadd.s32 $0x100, v5;
	s10 =	rddreg [dreg:$0x13];
	v4 =	vld.idx.msk [tilespmem:v7+s14+$0x0], $0xffff  }
0x2b1: {  	s0 =	smov.u32 s2;
	s29 =	smov.u32 s10;
	s26 =	rddreg [dreg:$0x12];
	v18 =	vld [tilespmem:s8+$0x1200]  }
0x2b2: {  	[dreg:$0x15] =	wrdreg s29;
	s29 =	smov.u32 s26;
	s26 =	sadd.s32 $0x6400, s3;
	v6 =	vadd.s32 $0x80, v13;
	v52 =	vadd.s32 $0x100, v13;
	v13 =	vld.idx.msk [tilespmem:v13+s14+$0x0], $0xffff  }
0x2b3: {  	v8 =	vadd.s32 $0x80, v7;
	s10 =	smov.u32 s4;
	s4 =	sor.u32 s2, s26;
	s2 =	sadd.s32 $0x7500, s6;
	v19 =	vld.idx.msk [tilespmem:v14+s14+$0x0], $0xffff;
	[tilespmem:s21+$0x5300] =	vst v2  }
0x2b4: {  	s24 =	sor.u32 s28, s26;
	s26 =	sor.u32 s20, s2;
	v2 =	vld.idx.msk [tilespmem:v16+s14+$0x0], $0xffff;
	[tilespmem:s4+$0x0] =	vst v10;
	v10 =	vadd.s32 $0x80, v14  }
0x2b5: {  	s16 =	sor.u32 $0x380, s16;
	v5 =	vld.idx.msk [tilespmem:v5+s14+$0x0], $0xffff;
	[tilespmem:s26+$0x0] =	vst v3  }
0x2b6: {  	[dreg:$0x12] =	wrdreg s10;
	v3 =	vadd.s32 $0x100, v9;
	v53 =	vld [tilespmem:s16+$0x1200];
	[tilespmem:s11+$0x5400] =	vst v4  }
0x2b7: {  	v11 =	vadd.s32 $0x100, v7;
	s10 =	sor.u32 $0x6300, s30;
	[dreg:$0x13] =	wrdreg s29;
	v17 =	vadd.s32 $0x100, v15;
	v7 =	vadd.s32 $0x80, v15;
	v15 =	vld.idx.msk [tilespmem:v15+s14+$0x0], $0xffff;
	[tilespmem:s22+$0x5300] =	vst v13  }
0x2b8: {  	s29 =	smov.u32 s28;
	s28 =	sor.u32 s19, s10;
	s4 =	sor.u32 s13, s2;
	[tilespmem:s23+$0x5200] =	vst v19;
	v8 =	vld.idx.msk [tilespmem:v8+s14+$0x0], $0xffff  }
0x2b9: {  	s2 =	smov.u32 s11;
	s26 =	sor.u32 s31, s10;
	s10 =	sadd.s32 $0x7400, s3;
	v10 =	vld.idx.msk [tilespmem:v10+s14+$0x0], $0xffff  }
0x2ba: {  	s11 =	smov.u32 s20;
	s20 =	smov.u32 s13;
	s13 =	sor.u32 s0, s10;
	[tilespmem:s26+$0x0] =	vst v2;
	v6 =	vld.idx.msk [tilespmem:v6+s14+$0x0], $0xffff  }
0x2bb: {  	v2 =	vld.idx.msk [tilespmem:v3+s14+$0x0], $0xffff;
	[tilespmem:s13+$0x0] =	vst v5;
	v3 =	vadd.s32 $0x100, v14  }
0x2bc: {  	s13 =	sor.u32 $0x6200, s1;
	v5 =	vld [tilespmem:s5+$0x1480];
	[tilespmem:s9+$0x5200] =	vst v15  }
0x2bd: {  	s26 =	sor.u32 s29, s10;
	s10 =	sor.u32 s17, s13;
	s13 =	sor.u32 s12, s13;
	v13 =	vld.idx.msk [tilespmem:v18+s14+$0x0], $0xffff;
	[tilespmem:s24+$0x0] =	vst v8  }
0x2be: {  	v8 =	vld.idx.msk [tilespmem:v53+s14+$0x0], $0xffff;
	[tilespmem:s13+$0x0] =	vst v10  }
0x2bf: {  	v7 =	vld.idx.msk [tilespmem:v7+s14+$0x0], $0xffff;
	[tilespmem:s28+$0x0] =	vst v6;
	s28 =	sor.u32 $0x7300, s30  }
0x2c0: {  	v10 =	vadd.s32 $0x80, v53;
	v3 =	vld.idx.msk [tilespmem:v3+s14+$0x0], $0xffff;
	s13 =	sor.u32 s19, s28;
	s28 =	sor.u32 s31, s28  }
0x2c1: {  	v6 =	vld.idx.msk [tilespmem:v52+s14+$0x0], $0xffff;
	[tilespmem:s28+$0x0] =	vst v2  }
0x2c2: {  	v2 =	vld [tilespmem:s21+$0x1380]  }
0x2c3: {  	v11 =	vld.idx.msk [tilespmem:v11+s14+$0x0], $0xffff;
	[tilespmem:s8+$0x5200] =	vst v13  }
0x2c4: {  	v4 =	vadd.s32 $0x80, v18;
	v54 =	vld.idx.msk [tilespmem:v5+s14+$0x0], $0xffff;
	[tilespmem:s16+$0x5200] =	vst v8  }
0x2c5: {  	[tilespmem:s10+$0x0] =	vst v7;
	s10 =	sor.u32 $0x7200, s1;
	v7 =	vld.idx.msk [tilespmem:v10+s14+$0x0], $0xffff  }
0x2c6: {  	s28 =	rddreg [dreg:$0x1f];
	v8 =	vld.idx.msk [tilespmem:v17+s14+$0x0], $0xffff;
	s8 =	sor.u32 s12, s10;
	[tilespmem:s13+$0x0] =	vst v6;
	v6 =	vadd.s32 $0x80, v5  }
0x2c7: {  	[tilespmem:s8+$0x0] =	vst v3;
	v3 =	vld [tilespmem:s28+$0x1200]  }
0x2c8: {  	[tilespmem:s26+$0x0] =	vst v11;
	v55 =	vld [tilespmem:s23+$0x1280]  }
0x2c9: {  	v10 =	vadd.s32 $0x100, v53;
	v4 =	vld.idx.msk [tilespmem:v4+s14+$0x0], $0xffff  }
0x2ca: {  	s16 =	sor.u32 s17, s10;
	v11 =	vld.idx.msk [tilespmem:v2+s14+$0x0], $0xffff;
	[tilespmem:s5+$0x5480] =	vst v54  }
0x2cb: {  	s22 =	smov.u32 s31;
	s24 =	sadd.s32 $0x6580, s6;
	[tilespmem:s16+$0x0] =	vst v8;
	v6 =	vld.idx.msk [tilespmem:v6+s14+$0x0], $0xffff  }
0x2cc: {  	v9 =	vadd.s32 $0x100, v18;
	s6 =	sadd.s32 $0x7580, s6;
	s31 =	smov.u32 s2;
	s8 =	sor.u32 s11, s24;
	v57 =	vld [tilespmem:s9+$0x1280]  }
0x2cd: {  	s13 =	rddreg [dreg:$0x17];
	s26 =	sor.u32 s20, s24;
	s24 =	smov.u32 s29;
	[tilespmem:s8+$0x0] =	vst v7;
	v15 =	vld [tilespmem:s2+$0x1480]  }
0x2ce: {  	s10 =	smov.u32 s23;
	s11 =	sor.u32 s11, s6;
	v56 =	vadd.s32 $0x80, v2;
	[dreg:$0xb] =	wrdreg s24;
	v10 =	vld.idx.msk [tilespmem:v10+s14+$0x0], $0xffff  }
0x2cf: {  	v5 =	vadd.s32 $0x100, v5;
	s5 =	smov.u32 s21;
	s21 =	smov.u32 s17;
	v7 =	vadd.s32 $0x80, v3;
	v8 =	vadd.s32 $0x100, v3;
	s2 =	sadd.s32 $0x6480, s3;
	v3 =	vld.idx.msk [tilespmem:v3+s14+$0x0], $0xffff  }
0x2d0: {  	s23 =	sor.u32 s29, s2;
	s8 =	sor.u32 s0, s2;
	s29 =	smov.u32 s19;
	[tilespmem:s25+$0x0] =	vst v4;
	v58 =	vld.idx.msk [tilespmem:v55+s14+$0x0], $0xffff  }
0x2d1: {  	s2 =	smov.u32 s30;
	s19 =	smov.u32 s1;
	s25 =	sor.u32 s20, s6;
	v9 =	vld.idx.msk [tilespmem:v9+s14+$0x0], $0xffff  }
0x2d2: {  	v60 =	vadd.s32 $0x80, v55;
	s6 =	smov.u32 s3;
	s3 =	sadd.s32 $0x1, s13;
	s20 =	smov.u32 s0;
	[tilespmem:s5+$0x5380] =	vst v11;
	v1 =	vld.idx.msk [tilespmem:v1+s14+$0x0], $0xffff  }
0x2d3: {  	s0 =	smov.u32 s22;
	s22 =	smov.u32 s12;
	s12 =	rddreg [dreg:$0x1a];
	v11 =	vld.idx.msk [tilespmem:v56+s14+$0x0], $0xffff;
	[tilespmem:s8+$0x0] =	vst v6  }
0x2d4: {  	v2 =	vadd.s32 $0x100, v2;
	s17 =	sor.u32 $0x6380, s2;
	[dreg:$0x17] =	wrdreg s3;
	s16 =	sand.u32 $0x3, s3;
	v5 =	vld.idx.msk [tilespmem:v5+s14+$0x0], $0xffff;
	[tilespmem:s11+$0x0] =	vst v10  }
0x2d5: {  	s13 =	sadd.s32 $0x7480, s6;
	s3 =	rddreg [dreg:$0x5];
	s1 =	sshll.u32 s16, $0x5;
	v14 =	vld.idx.msk [tilespmem:v57+s14+$0x0], $0xffff;
	[tilespmem:s28+$0x5200] =	vst v3  }
0x2d6: {  	s24 =	sor.u32 s24, s13;
	s11 =	sor.u32 s20, s13;
	s13 =	smov.u32 s12;
	[tilespmem:s10+$0x5280] =	vst v58;
	v7 =	vld.idx.msk [tilespmem:v7+s14+$0x0], $0xffff  }
0x2d7: {  	s16 =	sor.u32 s0, s17;
	s1 =	sadd.s32 s1, s3;
	[dreg:$0x5] =	wrdreg s13;
	[tilespmem:s4+$0x0] =	vst v9;
	v16 =	vld.idx.msk [tilespmem:v60+s14+$0x0], $0xffff  }
0x2d8: {  	v6 =	vadd.s32 $0x80, v57;
	s8 =	sor.u32 $0x300, s1;
	s13 =	rddreg [dreg:$0xe];
	[tilespmem:s16+$0x0] =	vst v11;
	s16 =	sadd.s32 $0x10, s1;
	v9 =	vld.idx.msk [tilespmem:v15+s14+$0x0], $0xffff  }
0x2d9: {  	s4 =	smov.u32 s7;
	v2 =	vld.idx.msk [tilespmem:v2+s14+$0x0], $0xffff;
	[tilespmem:s11+$0x0] =	vst v5;
	s1 =	sor.u32 $0x300, s16;
	s11 =	sld [smem:$0x7E8]  }
0x2da: {  	s17 =	sor.u32 s29, s17;
	[dreg:$0x1a] =	wrdreg s4;
	[tilespmem:s13+$0x0] =	vst v1;
	v5 =	vadd.s32 $0x100, v55;
	v3 =	vld [tilespmem:s1+$0x1200]  }
0x2db: {  	s3 =	smov.u32 s2;
	s4 =	smov.u32 s26;
	s13 =	rddreg [dreg:$0x9];
	[tilespmem:s9+$0x5280] =	vst v14  }
0x2dc: {  	s26 =	sor.u32 $0x7380, s2;
	s12 =	smov.u32 s11;
	s11 =	sor.u32 $0x6280, s19;
	v61 =	vld [tilespmem:s13+$0x1200]  }
0x2dd: {  	s2 =	smov.u32 s0;
	[dreg:$0xe] =	wrdreg s4;
	v6 =	vld.idx.msk [tilespmem:v6+s14+$0x0], $0xffff;
	[tilespmem:s17+$0x0] =	vst v7;
	s4 =	sor.u32 s22, s11  }
0x2de: {  	v10 =	vadd.s32 $0x80, v15;
	s0 =	sor.u32 s0, s26;
	s13 =	smov.u32 s5;
	s5 =	simm.s32 $0x0;
	v7 =	vld.idx.msk [tilespmem:v8+s14+$0x0], $0xffff;
	[tilespmem:s4+$0x0] =	vst v16  }
0x2df: {  	v59 =	vadd.s32 $0x100, v57;
	v62 =	vld.idx.msk [tilespmem:v5+s5+$0x0], $0xffff;
	[tilespmem:s0+$0x0] =	vst v2  }
0x2e0: {  	[dreg:$0x1f] =	wrdreg s12;
	[tilespmem:s31+$0x5480] =	vst v9;
	v5 =	vld [tilespmem:s13+$0x1400]  }
0x2e1: {  	s15 =	sadd.s32 $0x2, s15;
	s12 =	sor.u32 s21, s11;
	v63 =	vld.idx.msk [tilespmem:v0+s5+$0x0], $0xffff;
	s4 =	sld [smem:$0x7E9]  }
0x2e2: {  	p0 =	slt.u32 s15, $0x1E;
	[tilespmem:s12+$0x0] =	vst v6;
	v16 =	vld.idx.msk [tilespmem:v3+s5+$0x0], $0xffff  }
0x2e3: {  	s28 =	smov.u32 s29;
	s29 =	sor.u32 s29, s26;
	s26 =	sld [smem:$0x7EA];
	v6 =	vld.idx.msk [tilespmem:v10+s5+$0x0], $0xffff  }
.Ltmp1:
0x2e4: {  	s11 =	smov.u32 s4;
	s12 =	sor.u32 $0x7280, s19;
	v11 =	vld.idx.msk [tilespmem:v59+s5+$0x0], $0xffff;
	[tilespmem:s29+$0x0] =	vst v7;
	(pc) =	sbr.rel @p0 .LBB2_5-.Ltmp1, $4  }
0x2e5: {  	s14 =	smov.u32 s9;
	s9 =	sor.u32 s22, s12;
	v7 =	vld [tilespmem:s11+$0x1400]  }
0x2e6: {  	s18 =	sadd.s32 $0x20, s18;
	s30 =	smov.u32 s19;
	[tilespmem:s9+$0x0] =	vst v62;
	v2 =	vld.idx.msk [tilespmem:v61+s5+$0x0], $0xffff  }
0x2e7: {  	v4 =	vadd.s32 $0x100, v15;
	s31 =	smov.u32 s22;
	s19 =	smov.u32 s21;
	s29 =	smov.u32 s25;
	[tilespmem:s26+$0x0] =	vst v63;
	v9 =	vld [tilespmem:s10+$0x1300]  }
0x2e8: {  	v8 =	vadd.s32 $0x80, v3;
	v1 =	vadd.s32 $0x80, v61;
	v0 =	vadd.s32 $0x100, v61;
	s4 =	sor.u32 s21, s12;
	s21 =	smov.u32 s10;
	[smem:$0x7EA] =	sst s29;
	v10 =	vld.idx.msk [tilespmem:v5+s5+$0x0], $0xffff;
	[tilespmem:s1+$0x5200] =	vst v16  }
0x2e9: {  	_ = 	snop  }
0x2ea: {  	[tilespmem:s4+$0x0] =	vst v11  }
0x2eb: {  	v11 =	vld [tilespmem:s14+$0x1300];
	_ =	sdelay $0x4  }
0x2ec: {  	v12 =	vld.idx.msk [tilespmem:v9+s5+$0x0], $0xffff  }
0x2ed: {  	v13 =	vadd.s32 $0x80, v9;
	_ =	sdelay $0x1  }
0x2ee: {  	v14 =	vld.idx.msk [tilespmem:v11+s5+$0x0], $0xffff  }
0x2ef: {  	v15 =	vadd.s32 $0x80, v11  }
0x2f0: {  	[tilespmem:s21+$0x5300] =	vst v12  }
0x2f1: {  	v12 =	vld.idx.msk [tilespmem:v13+s5+$0x0], $0xffff  }
0x2f2: {  	v54 =	vadd.s32 $0x100, v9  }
0x2f3: {  	[tilespmem:s14+$0x5300] =	vst v14  }
0x2f4: {  	s1 =	sor.u32 $0x6300, s30;
	v55 =	vld.idx.msk [tilespmem:v15+s5+$0x0], $0xffff  }
0x2f5: {  	s22 =	sor.u32 s31, s1;
	v11 =	vadd.s32 $0x100, v11  }
0x2f6: {  	[tilespmem:s22+$0x0] =	vst v12  }
0x2f7: {  	v9 =	vld.idx.msk [tilespmem:v54+s5+$0x0], $0xffff  }
0x2f8: {  	s1 =	sor.u32 s19, s1  }
0x2f9: {  	[tilespmem:s1+$0x0] =	vst v55  }
0x2fa: {  	s25 =	sor.u32 $0x7300, s30;
	v11 =	vld.idx.msk [tilespmem:v11+s5+$0x0], $0xffff  }
0x2fb: {  	s26 =	sor.u32 s31, s25  }
0x2fc: {  	[tilespmem:s26+$0x0] =	vst v9  }
0x2fd: {  	v9 =	vld [tilespmem:s21+$0x1380]  }
0x2fe: {  	s1 =	sor.u32 s19, s25  }
0x2ff: {  	[tilespmem:s1+$0x0] =	vst v11  }
0x300: {  	s0 =	rddreg [dreg:$0x1f]  }
0x301: {  	v11 =	vld [tilespmem:s0+$0x1200];
	_ =	sdelay $0x3  }
0x302: {  	v12 =	vld.idx.msk [tilespmem:v9+s5+$0x0], $0xffff  }
0x303: {  	v56 =	vadd.s32 $0x80, v9;
	_ =	sdelay $0x2  }
0x304: {  	v14 =	vld.idx.msk [tilespmem:v11+s5+$0x0], $0xffff  }
0x305: {  	v57 =	vadd.s32 $0x80, v11;
	[tilespmem:s21+$0x5380] =	vst v12  }
0x306: {  	v12 =	vld.idx.msk [tilespmem:v56+s5+$0x0], $0xffff  }
0x307: {  	v9 =	vadd.s32 $0x100, v9;
	_ =	sdelay $0x1  }
0x308: {  	s29 =	sor.u32 $0x6380, s30;
	[tilespmem:s0+$0x5200] =	vst v14  }
0x309: {  	s0 =	sor.u32 s31, s29;
	v58 =	vld.idx.msk [tilespmem:v57+s5+$0x0], $0xffff  }
0x30a: {  	v11 =	vadd.s32 $0x100, v11;
	[tilespmem:s0+$0x0] =	vst v12  }
0x30b: {  	v9 =	vld.idx.msk [tilespmem:v9+s5+$0x0], $0xffff;
	_ =	sdelay $0x1  }
0x30c: {  	s1 =	sor.u32 s19, s29  }
0x30d: {  	s9 =	sor.u32 $0x7380, s30;
	[tilespmem:s1+$0x0] =	vst v58  }
0x30e: {  	s10 =	sor.u32 s31, s9;
	v11 =	vld.idx.msk [tilespmem:v11+s5+$0x0], $0xffff  }
0x30f: {  	[tilespmem:s10+$0x0] =	vst v9  }
0x310: {  	v9 =	vld [tilespmem:s21+$0x1400];
	_ =	sdelay $0x1  }
0x311: {  	s1 =	sor.u32 s19, s9  }
0x312: {  	[tilespmem:s1+$0x0] =	vst v11  }
0x313: {  	v11 =	vld [tilespmem:s14+$0x1400];
	_ =	sdelay $0x1  }
0x314: {  	v59 =	vadd.s32 $0x80, v5;
	_ =	sdelay $0x1  }
0x315: {  	v60 =	vld.idx.msk [tilespmem:v9+s5+$0x0], $0xffff  }
0x316: {  	v61 =	vld.idx.msk [tilespmem:v7+s5+$0x0], $0xffff;
	v62 =	vadd.s32 $0x80, v9  }
0x317: {  	v16 =	vadd.s32 $0x80, v7;
	[tilespmem:s13+$0x5400] =	vst v10  }
0x318: {  	v12 =	vld.idx.msk [tilespmem:v59+s5+$0x0], $0xffff  }
0x319: {  	v18 =	vadd.s32 $0x100, v5;
	v17 =	vld.idx.msk [tilespmem:v11+s5+$0x0], $0xffff  }
0x31a: {  	v63 =	vadd.s32 $0x80, v11;
	[tilespmem:s21+$0x5400] =	vst v60  }
0x31b: {  	s12 =	sadd.s32 $0x6400, s3;
	[tilespmem:s11+$0x5400] =	vst v61;
	v13 =	vld.idx.msk [tilespmem:v62+s5+$0x0], $0xffff  }
0x31c: {  	s15 =	sor.u32 s2, s12;
	v14 =	vld.idx.msk [tilespmem:v16+s5+$0x0], $0xffff;
	v9 =	vadd.s32 $0x100, v9  }
0x31d: {  	v19 =	vadd.s32 $0x100, v7;
	[tilespmem:s15+$0x0] =	vst v12  }
0x31e: {  	s17 =	sadd.s32 $0x6400, s30;
	v5 =	vld.idx.msk [tilespmem:v18+s5+$0x0], $0xffff;
	[tilespmem:s14+$0x5400] =	vst v17  }
0x31f: {  	s9 =	sor.u32 s31, s17;
	v10 =	vld.idx.msk [tilespmem:v63+s5+$0x0], $0xffff  }
0x320: {  	s1 =	sor.u32 s28, s12;
	v11 =	vadd.s32 $0x100, v11;
	[tilespmem:s9+$0x0] =	vst v13  }
0x321: {  	s25 =	sadd.s32 $0x7400, s3;
	[tilespmem:s1+$0x0] =	vst v14;
	v9 =	vld.idx.msk [tilespmem:v9+s5+$0x0], $0xffff  }
0x322: {  	s26 =	sor.u32 s2, s25;
	v7 =	vld.idx.msk [tilespmem:v19+s5+$0x0], $0xffff  }
0x323: {  	s22 =	sor.u32 s19, s17;
	[tilespmem:s26+$0x0] =	vst v5  }
0x324: {  	s29 =	sadd.s32 $0x7400, s30;
	v5 =	vld [tilespmem:s13+$0x1480];
	[tilespmem:s22+$0x0] =	vst v10  }
0x325: {  	s10 =	sor.u32 s31, s29;
	v10 =	vld.idx.msk [tilespmem:v11+s5+$0x0], $0xffff  }
0x326: {  	s1 =	sor.u32 s28, s25;
	[tilespmem:s10+$0x0] =	vst v9  }
0x327: {  	[tilespmem:s1+$0x0] =	vst v7;
	v20 =	vld [tilespmem:s21+$0x1480]  }
0x328: {  	v21 =	vld [tilespmem:s11+$0x1480]  }
0x329: {  	s12 =	sor.u32 s19, s29  }
0x32a: {  	[tilespmem:s12+$0x0] =	vst v10  }
0x32b: {  	v10 =	vld [tilespmem:s14+$0x1480]  }
0x32c: {  	v22 =	vld.idx.msk [tilespmem:v5+s5+$0x0], $0xffff  }
0x32d: {  	v23 =	vadd.s32 $0x80, v5;
	_ =	sdelay $0x1  }
0x32e: {  	v13 =	vld.idx.msk [tilespmem:v20+s5+$0x0], $0xffff  }
0x32f: {  	v14 =	vld.idx.msk [tilespmem:v21+s5+$0x0], $0xffff;
	v24 =	vadd.s32 $0x80, v20  }
0x330: {  	v25 =	vadd.s32 $0x80, v21;
	[tilespmem:s13+$0x5480] =	vst v22  }
0x331: {  	v12 =	vld.idx.msk [tilespmem:v23+s5+$0x0], $0xffff  }
0x332: {  	v5 =	vadd.s32 $0x100, v5;
	v17 =	vld.idx.msk [tilespmem:v10+s5+$0x0], $0xffff  }
0x333: {  	v26 =	vadd.s32 $0x80, v10;
	[tilespmem:s21+$0x5480] =	vst v13  }
0x334: {  	s13 =	sadd.s32 $0x6480, s3;
	[tilespmem:s11+$0x5480] =	vst v14;
	v13 =	vld.idx.msk [tilespmem:v24+s5+$0x0], $0xffff  }
0x335: {  	s15 =	sor.u32 s2, s13;
	v14 =	vld.idx.msk [tilespmem:v25+s5+$0x0], $0xffff  }
0x336: {  	v8 =	vld.idx.msk [tilespmem:v8+s5+$0x0], $0xffff;
	[tilespmem:s15+$0x0] =	vst v12  }
0x337: {  	s17 =	sadd.s32 $0x6480, s30;
	v5 =	vld.idx.msk [tilespmem:v5+s5+$0x0], $0xffff;
	v7 =	vadd.s32 $0x100, v20;
	[tilespmem:s14+$0x5480] =	vst v17  }
0x338: {  	[tilespmem:s23+$0x0] =	vst v6;
	s0 =	smov.u32 s2;
	s22 =	sor.u32 s31, s17;
	v9 =	vadd.s32 $0x100, v21;
	v11 =	vld.idx.msk [tilespmem:v26+s5+$0x0], $0xffff  }
0x339: {  	s9 =	sadd.s32 $0x6500, s6;
	s1 =	sor.u32 s28, s13;
	v10 =	vadd.s32 $0x100, v10;
	s21 =	rddreg [dreg:$0x17];
	[tilespmem:s22+$0x0] =	vst v13  }
0x33a: {  	v3 =	vadd.s32 $0x100, v3;
	s29 =	sadd.s32 $0x7480, s3;
	s23 =	sor.u32 s20, s9;
	[tilespmem:s1+$0x0] =	vst v14;
	s10 =	sadd.s32 $0x1, s21  }
0x33b: {  	v4 =	vld.idx.msk [tilespmem:v4+s5+$0x0], $0xffff;
	s15 =	sor.u32 s0, s29;
	s26 =	rddreg [dreg:$0x5];
	[tilespmem:s23+$0x0] =	vst v8;
	s12 =	sand.u32 $0x3, s10  }
0x33c: {  	s4 =	sor.u32 s19, s17;
	v27 =	vld.idx.msk [tilespmem:v7+s5+$0x0], $0xffff;
	[tilespmem:s15+$0x0] =	vst v5;
	s10 =	sadd.s32 $0x1, s10;
	s25 =	sshll.u32 s12, $0x5  }
0x33d: {  	v28 =	vld.idx.msk [tilespmem:v9+s5+$0x0], $0xffff;
	s10 =	sand.u32 $0x3, s10;
	s12 =	sadd.s32 s25, s26;
	[tilespmem:s4+$0x0] =	vst v11  }
0x33e: {  	s10 =	sshll.u32 s10, $0x5;
	s1 =	sadd.s32 $0x10, s12;
	v29 =	vld.idx.msk [tilespmem:v10+s5+$0x0], $0xffff;
	s17 =	rddreg [dreg:$0x1a]  }
0x33f: {  	s22 =	sadd.s32 $0x7480, s30;
	v3 =	vld.idx.msk [tilespmem:v3+s5+$0x0], $0xffff;
	s11 =	sor.u32 $0x300, s1;
	s21 =	sadd.s32 s10, s17  }
0x340: {  	s23 =	sor.u32 s31, s22;
	[tilespmem:s24+$0x0] =	vst v4;
	v30 =	vld [tilespmem:s11+$0x1200];
	s4 =	sadd.s32 $0x10, s21  }
0x341: {  	s13 =	sor.u32 s28, s29;
	[tilespmem:s23+$0x0] =	vst v27;
	v31 =	vld [tilespmem:s8+$0x1200];
	s24 =	sor.u32 $0x300, s4  }
0x342: {  	s12 =	sor.u32 $0x300, s12;
	[tilespmem:s13+$0x0] =	vst v28;
	s10 =	sor.u32 s19, s22;
	v6 =	vld [tilespmem:s24+$0x1200]  }
0x343: {  	s15 =	smov.u32 s6;
	v7 =	vld [tilespmem:s12+$0x1200];
	s6 =	sor.u32 $0x300, s21;
	[tilespmem:s10+$0x0] =	vst v29  }
0x344: {  	s25 =	sadd.s32 $0x7500, s15;
	v8 =	vld [tilespmem:s6+$0x1200]  }
0x345: {  	s26 =	sor.u32 s20, s25  }
0x346: {  	s29 =	sor.u32 $0x380, s16;
	[tilespmem:s26+$0x0] =	vst v3  }
0x347: {  	v3 =	vld [tilespmem:s29+$0x1200]  }
0x348: {  	v32 =	vld.idx.msk [tilespmem:v30+s5+$0x0], $0xffff  }
0x349: {  	v34 =	vadd.s32 $0x80, v30;
	v33 =	vld.idx.msk [tilespmem:v31+s5+$0x0], $0xffff  }
0x34a: {  	v35 =	vadd.s32 $0x80, v31;
	v13 =	vld.idx.msk [tilespmem:v6+s5+$0x0], $0xffff  }
0x34b: {  	v14 =	vld.idx.msk [tilespmem:v7+s5+$0x0], $0xffff;
	v36 =	vadd.s32 $0x80, v6  }
0x34c: {  	v37 =	vadd.s32 $0x80, v7;
	v17 =	vld.idx.msk [tilespmem:v8+s5+$0x0], $0xffff  }
0x34d: {  	v38 =	vadd.s32 $0x80, v8;
	[tilespmem:s11+$0x5200] =	vst v32  }
0x34e: {  	[tilespmem:s8+$0x5200] =	vst v33;
	v39 =	vld.idx.msk [tilespmem:v34+s5+$0x0], $0xffff  }
0x34f: {  	v4 =	vadd.s32 $0x100, v30;
	v40 =	vld.idx.msk [tilespmem:v35+s5+$0x0], $0xffff;
	[tilespmem:s24+$0x5200] =	vst v13  }
0x350: {  	v5 =	vadd.s32 $0x100, v31;
	[tilespmem:s12+$0x5200] =	vst v14;
	v41 =	vld.idx.msk [tilespmem:v36+s5+$0x0], $0xffff  }
0x351: {  	s2 =	sadd.s32 $0x6500, s3;
	v6 =	vadd.s32 $0x100, v6;
	v42 =	vld.idx.msk [tilespmem:v37+s5+$0x0], $0xffff;
	[tilespmem:s6+$0x5200] =	vst v17  }
0x352: {  	s7 =	smov.u32 s30;
	v7 =	vadd.s32 $0x100, v7;
	s11 =	sor.u32 s0, s2;
	v9 =	vld.idx.msk [tilespmem:v38+s5+$0x0], $0xffff;
	s30 =	rddreg [dreg:$0xb]  }
0x353: {  	v43 =	vld.idx.msk [tilespmem:v3+s5+$0x0], $0xffff;
	s12 =	sadd.s32 $0x6500, s7;
	v8 =	vadd.s32 $0x100, v8;
	[tilespmem:s11+$0x0] =	vst v39;
	s9 =	sor.u32 s30, s9  }
0x354: {  	s14 =	sor.u32 s31, s12;
	v4 =	vld.idx.msk [tilespmem:v4+s5+$0x0], $0xffff;
	[tilespmem:s9+$0x0] =	vst v40  }
0x355: {  	s8 =	sor.u32 s28, s2;
	[tilespmem:s14+$0x0] =	vst v41;
	v5 =	vld.idx.msk [tilespmem:v5+s5+$0x0], $0xffff  }
0x356: {  	v44 =	vadd.s32 $0x80, v3;
	s6 =	sor.u32 s19, s12;
	[tilespmem:s8+$0x0] =	vst v42;
	v6 =	vld.idx.msk [tilespmem:v6+s5+$0x0], $0xffff  }
0x357: {  	s16 =	sadd.s32 $0x7500, s3;
	v7 =	vld.idx.msk [tilespmem:v7+s5+$0x0], $0xffff;
	[tilespmem:s6+$0x0] =	vst v9  }
0x358: {  	s17 =	sor.u32 s0, s16;
	[tilespmem:s29+$0x5200] =	vst v43;
	v8 =	vld.idx.msk [tilespmem:v8+s5+$0x0], $0xffff  }
0x359: {  	s1 =	sor.u32 $0x380, s1;
	s22 =	sadd.s32 $0x7500, s7;
	s21 =	sor.u32 s30, s25;
	[tilespmem:s17+$0x0] =	vst v4  }
0x35a: {  	s23 =	sor.u32 s31, s22;
	v4 =	vld [tilespmem:s1+$0x1200];
	[tilespmem:s21+$0x0] =	vst v5  }
0x35b: {  	s4 =	sor.u32 $0x380, s4;
	v45 =	vld.idx.msk [tilespmem:v44+s5+$0x0], $0xffff;
	s6 =	sor.u32 s28, s16;
	[tilespmem:s23+$0x0] =	vst v6  }
0x35c: {  	s24 =	sor.u32 s19, s22;
	s11 =	rddreg [dreg:$0x15];
	[tilespmem:s6+$0x0] =	vst v7;
	v6 =	vld [tilespmem:s4+$0x1200]  }
0x35d: {  	v5 =	vld [tilespmem:s11+$0x1200];
	s25 =	rddreg [dreg:$0x13];
	[tilespmem:s24+$0x0] =	vst v8  }
0x35e: {  	v3 =	vadd.s32 $0x100, v3;
	v7 =	vld [tilespmem:s25+$0x1200];
	s29 =	rddreg [dreg:$0x12]  }
0x35f: {  	v8 =	vld [tilespmem:s29+$0x1200]  }
0x360: {  	s26 =	sadd.s32 $0x6580, s15  }
0x361: {  	s9 =	sor.u32 s20, s26  }
0x362: {  	[tilespmem:s9+$0x0] =	vst v45;
	v46 =	vld.idx.msk [tilespmem:v4+s5+$0x0], $0xffff  }
0x363: {  	v48 =	vadd.s32 $0x80, v4;
	v3 =	vld.idx.msk [tilespmem:v3+s5+$0x0], $0xffff  }
0x364: {  	v50 =	vld.idx.msk [tilespmem:v6+s5+$0x0], $0xffff  }
0x365: {  	s13 =	rddreg [dreg:$0x9];
	v52 =	vadd.s32 $0x80, v6;
	v47 =	vld.idx.msk [tilespmem:v5+s5+$0x0], $0xffff  }
0x366: {  	s12 =	sadd.s32 $0x7580, s15;
	[tilespmem:s13+$0x5200] =	vst v2;
	v49 =	vadd.s32 $0x80, v5;
	v51 =	vld.idx.msk [tilespmem:v7+s5+$0x0], $0xffff  }
0x367: {  	s14 =	sor.u32 s20, s12;
	v53 =	vadd.s32 $0x80, v7;
	[tilespmem:s1+$0x5200] =	vst v46;
	v54 =	vld.idx.msk [tilespmem:v8+s5+$0x0], $0xffff  }
0x368: {  	[tilespmem:s14+$0x0] =	vst v3;
	v55 =	vadd.s32 $0x80, v8;
	v56 =	vld.idx.msk [tilespmem:v48+s5+$0x0], $0xffff  }
0x369: {  	v1 =	vld.idx.msk [tilespmem:v1+s5+$0x0], $0xffff;
	[tilespmem:s4+$0x5200] =	vst v50  }
0x36a: {  	s18 =	smov.u32 s3;
	v4 =	vadd.s32 $0x100, v4;
	[tilespmem:s11+$0x5200] =	vst v47;
	v59 =	vld.idx.msk [tilespmem:v52+s5+$0x0], $0xffff  }
0x36b: {  	s15 =	sadd.s32 $0x6580, s18;
	v6 =	vadd.s32 $0x100, v6;
	v57 =	vld.idx.msk [tilespmem:v49+s5+$0x0], $0xffff;
	[tilespmem:s25+$0x5200] =	vst v51  }
0x36c: {  	s16 =	sor.u32 s0, s15;
	[tilespmem:s29+$0x5200] =	vst v54;
	v3 =	vld.idx.msk [tilespmem:v53+s5+$0x0], $0xffff  }
0x36d: {  	s17 =	sadd.s32 $0x6580, s7;
	v58 =	vadd.s32 $0x100, v5;
	s2 =	rddreg [dreg:$0xe];
	v61 =	vld.idx.msk [tilespmem:v55+s5+$0x0], $0xffff;
	[tilespmem:s16+$0x0] =	vst v56  }
0x36e: {  	s20 =	sor.u32 s31, s17;
	v60 =	vadd.s32 $0x100, v7;
	[tilespmem:s2+$0x0] =	vst v1  }
0x36f: {  	s6 =	sor.u32 s30, s26;
	v8 =	vadd.s32 $0x100, v8;
	v4 =	vld.idx.msk [tilespmem:v4+s5+$0x0], $0xffff;
	[tilespmem:s20+$0x0] =	vst v59  }
0x370: {  	s1 =	sor.u32 s28, s15;
	[tilespmem:s6+$0x0] =	vst v57;
	v62 =	vld.idx.msk [tilespmem:v6+s5+$0x0], $0xffff  }
0x371: {  	s21 =	sor.u32 s19, s17;
	v0 =	vld.idx.msk [tilespmem:v0+s5+$0x0], $0xffff;
	[tilespmem:s1+$0x0] =	vst v3  }
0x372: {  	s22 =	sadd.s32 $0x7580, s18;
	v2 =	vld.idx.msk [tilespmem:v58+s5+$0x0], $0xffff;
	[tilespmem:s21+$0x0] =	vst v61  }
0x373: {  	s0 =	sor.u32 s0, s22;
	s24 =	sadd.s32 $0x7580, s7;
	v1 =	vld.idx.msk [tilespmem:v60+s5+$0x0], $0xffff;
	s2 =	sld [smem:$0x7EA]  }
0x374: {  	s25 =	sor.u32 s31, s24;
	v63 =	vld.idx.msk [tilespmem:v8+s5+$0x0], $0xffff;
	[tilespmem:s0+$0x0] =	vst v4  }
0x375: {  	[tilespmem:s25+$0x0] =	vst v62  }
0x376: {  	s23 =	sor.u32 s30, s12;
	[tilespmem:s2+$0x0] =	vst v0  }
0x377: {  	s1 =	sor.u32 s28, s22;
	[tilespmem:s23+$0x0] =	vst v2  }
0x378: {  	s0 =	sor.u32 s19, s24;
	[tilespmem:s1+$0x0] =	vst v1  }
0x379: {  	[tilespmem:s0+$0x0] =	vst v63  }
0x37a: {  	s31 =	sld [smem:$0x7F6];
	_ =	sdelay $0x2  }
0x37b: {  	s2 =	sadd.s32 $0x1, s31  }
0x37c: {  	p0 =	sne.s32 s2, $0xC  }
.Ltmp2:
0x37d: {  	s1 =	sld [smem:$0x7F5];
	(pc) =	sbr.rel @p0 .LBB2_2-.Ltmp2, $4  }
0x37e: {  	_ = 	snop  }
0x37f: {  	s26 =	rddreg [dreg:$0x2];
	s30 =	simm.s32 $0x5200  }
0x380: {  	s29 =	simm.s32 $0x320000;
	s28 =	simm.s32 $0x1000;
	s0 =	sadd.s32 s26, s1  }
0x381: {  	[hbm4b:s0+s28] =	stream.strided.scatter [tilespmem:s30], [sflag:$0x4], $0x3000, s29, s28, $0x38;
	[tilespmem:$0x8200] =	vst v63  }
0x382: {  	s0 =	simm.s32 $0x1  }
0x383: {  	_ =	swait.ge [sflag:s0], $0x1000  }
0x384: {  	[sflag:s0] =	ssyncset.done $0x0  }
0x385: {  	s15 =	simm.s32 $0x0;
	s14 =	simm.s32 $0x3;
	[sflag:s0] =	ssyncadd.s32 $0xFFFFF000  }
0x386: {  	s4 =	sand.u32 $0x60, s15;
	_ =	swait.ge [sflag:s14], $0x3000  }
0x387: {  	s6 =	sand.u32 $0xC00, s15;
	s8 =	sor.u32 $0x10, s4;
	[sflag:s14] =	ssyncset.done $0x0  }
0x388: {  	s3 =	sor.u32 s6, s8;
	[sflag:s14] =	ssyncadd.s32 $0xFFFFD000  }
0x389: {  	v0 =	vld [tilespmem:s3+$0x200];
	_ =	sdelay $0x7  }
0x38a: {  	v1 =	vld.idx.msk [tilespmem:v0+s5+$0x0], $0xffff  }
0x38b: {  	s2 =	sor.u32 s4, s6;
	v2 =	vadd.s32 $0x80, v0  }
0x38c: {  	v3 =	vld [tilespmem:s2+$0x200];
	_ =	sdelay $0x2  }
0x38d: {  	[tilespmem:s3+$0x2200] =	vst v1  }
0x38e: {  	v1 =	vld.idx.msk [tilespmem:v2+s5+$0x0], $0xffff  }
0x38f: {  	v0 =	vadd.s32 $0x100, v0;
	_ =	sdelay $0x1  }
0x390: {  	s16 =	sor.u32 $0x3200, s6  }
0x391: {  	s7 =	sor.u32 s8, s16;
	v2 =	vld.idx.msk [tilespmem:v3+s5+$0x0], $0xffff  }
0x392: {  	v4 =	vadd.s32 $0x80, v3;
	[tilespmem:s7+$0x0] =	vst v1  }
0x393: {  	v0 =	vld.idx.msk [tilespmem:v0+s5+$0x0], $0xffff;
	_ =	sdelay $0x2  }
0x394: {  	s17 =	sor.u32 $0x4200, s6;
	[tilespmem:s2+$0x2200] =	vst v2  }
0x395: {  	s9 =	sor.u32 s8, s17;
	v1 =	vld.idx.msk [tilespmem:v4+s5+$0x0], $0xffff  }
0x396: {  	v2 =	vadd.s32 $0x100, v3;
	[tilespmem:s9+$0x0] =	vst v0  }
0x397: {  	v0 =	vld [tilespmem:s3+$0x280];
	_ =	sdelay $0x1  }
0x398: {  	s0 =	sor.u32 s4, s16  }
0x399: {  	[tilespmem:s0+$0x0] =	vst v1  }
0x39a: {  	v1 =	vld.idx.msk [tilespmem:v2+s5+$0x0], $0xffff;
	_ =	sdelay $0x3  }
0x39b: {  	s18 =	sor.u32 s4, s17;
	v2 =	vld.idx.msk [tilespmem:v0+s5+$0x0], $0xffff  }
0x39c: {  	[tilespmem:s18+$0x0] =	vst v1;
	v1 =	vadd.s32 $0x80, v0  }
0x39d: {  	v3 =	vld [tilespmem:s2+$0x280];
	_ =	sdelay $0x2  }
0x39e: {  	[tilespmem:s3+$0x2280] =	vst v2  }
0x39f: {  	v1 =	vld.idx.msk [tilespmem:v1+s5+$0x0], $0xffff  }
0x3a0: {  	v0 =	vadd.s32 $0x100, v0;
	_ =	sdelay $0x1  }
0x3a1: {  	s19 =	sor.u32 $0x3280, s6  }
0x3a2: {  	s20 =	sor.u32 s8, s19;
	v2 =	vld.idx.msk [tilespmem:v3+s5+$0x0], $0xffff  }
0x3a3: {  	v4 =	vadd.s32 $0x80, v3;
	[tilespmem:s20+$0x0] =	vst v1  }
0x3a4: {  	v0 =	vld.idx.msk [tilespmem:v0+s5+$0x0], $0xffff;
	_ =	sdelay $0x2  }
0x3a5: {  	s21 =	sor.u32 $0x4280, s6;
	[tilespmem:s2+$0x2280] =	vst v2  }
0x3a6: {  	s22 =	sor.u32 s8, s21;
	v1 =	vld.idx.msk [tilespmem:v4+s5+$0x0], $0xffff  }
0x3a7: {  	v2 =	vadd.s32 $0x100, v3;
	[tilespmem:s22+$0x0] =	vst v0  }
0x3a8: {  	v0 =	vld [tilespmem:s3+$0x300]  }
0x3a9: {  	s1 =	simm.s32 $0x20  }
0x3aa: {  	s23 =	simm.s32 $0x100;
	s26 =	sand.u32 $0x60, s1;
	s0 =	sor.u32 s4, s19  }
0x3ab: {  	s12 =	sor.u32 $0x10, s26;
	s17 =	sand.u32 $0xC00, s23;
	[tilespmem:s0+$0x0] =	vst v1  }
0x3ac: {  	s13 =	sor.u32 s17, s12;
	v1 =	vld.idx.msk [tilespmem:v2+s5+$0x0], $0xffff  }
0x3ad: {  	v2 =	vld [tilespmem:s13+$0x200];
	_ =	sdelay $0x2  }
0x3ae: {  	s24 =	sor.u32 s4, s21;
	s14 =	sor.u32 s26, s17;
	v3 =	vld.idx.msk [tilespmem:v0+s5+$0x0], $0xffff  }
0x3af: {  	[tilespmem:s24+$0x0] =	vst v1;
	v1 =	vld [tilespmem:s14+$0x200];
	v4 =	vadd.s32 $0x80, v0  }
0x3b0: {  	v5 =	vld [tilespmem:s2+$0x300];
	_ =	sdelay $0x2  }
0x3b1: {  	v6 =	vld.idx.msk [tilespmem:v2+s5+$0x0], $0xffff;
	[tilespmem:s3+$0x2300] =	vst v3  }
0x3b2: {  	v3 =	vld.idx.msk [tilespmem:v4+s5+$0x0], $0xffff;
	v4 =	vadd.s32 $0x80, v2  }
0x3b3: {  	v0 =	vadd.s32 $0x100, v0;
	_ =	sdelay $0x1  }
0x3b4: {  	s25 =	sor.u32 $0x3300, s6;
	v7 =	vld.idx.msk [tilespmem:v1+s5+$0x0], $0xffff  }
0x3b5: {  	s10 =	sor.u32 s8, s25;
	v8 =	vadd.s32 $0x80, v1;
	[tilespmem:s13+$0x2200] =	vst v6;
	v9 =	vld.idx.msk [tilespmem:v5+s5+$0x0], $0xffff  }
0x3b6: {  	v6 =	vadd.s32 $0x80, v5;
	v4 =	vld.idx.msk [tilespmem:v4+s5+$0x0], $0xffff;
	[tilespmem:s10+$0x0] =	vst v3  }
0x3b7: {  	v2 =	vadd.s32 $0x100, v2;
	v0 =	vld.idx.msk [tilespmem:v0+s5+$0x0], $0xffff;
	_ =	sdelay $0x1  }
0x3b8: {  	s11 =	sor.u32 $0x3200, s17;
	[tilespmem:s14+$0x2200] =	vst v7  }
0x3b9: {  	s16 =	sor.u32 s12, s11;
	[tilespmem:s2+$0x2300] =	vst v9;
	v3 =	vld.idx.msk [tilespmem:v8+s5+$0x0], $0xffff;
	s10 =	sor.u32 $0x4300, s6  }
0x3ba: {  	v1 =	vadd.s32 $0x100, v1;
	v6 =	vld.idx.msk [tilespmem:v6+s5+$0x0], $0xffff;
	s18 =	sor.u32 s8, s10;
	[tilespmem:s16+$0x0] =	vst v4  }
0x3bb: {  	v4 =	vadd.s32 $0x100, v5;
	v2 =	vld.idx.msk [tilespmem:v2+s5+$0x0], $0xffff;
	[tilespmem:s18+$0x0] =	vst v0  }
0x3bc: {  	v0 =	vld [tilespmem:s3+$0x380]  }
0x3bd: {  	s7 =	sor.u32 s26, s11  }
0x3be: {  	s19 =	sor.u32 $0x4200, s17;
	s0 =	sor.u32 s4, s25;
	[tilespmem:s7+$0x0] =	vst v3  }
0x3bf: {  	s20 =	sor.u32 s12, s19;
	[tilespmem:s0+$0x0] =	vst v6;
	v1 =	vld.idx.msk [tilespmem:v1+s5+$0x0], $0xffff  }
0x3c0: {  	v3 =	vld.idx.msk [tilespmem:v4+s5+$0x0], $0xffff;
	[tilespmem:s20+$0x0] =	vst v2  }
0x3c1: {  	v2 =	vld [tilespmem:s13+$0x280];
	_ =	sdelay $0x1  }
0x3c2: {  	s21 =	sor.u32 s26, s19  }
0x3c3: {  	s22 =	sor.u32 s6, s15;
	s23 =	sor.u32 s4, s10;
	[tilespmem:s21+$0x0] =	vst v1;
	v4 =	vld.idx.msk [tilespmem:v0+s5+$0x0], $0xffff  }
0x3c4: {  	s24 =	sor.u32 $0x180, s22;
	v1 =	vadd.s32 $0x80, v0;
	[tilespmem:s23+$0x0] =	vst v3;
	v3 =	vld [tilespmem:s14+$0x280]  }
0x3c5: {  	v5 =	vld [tilespmem:s24+$0x200];
	_ =	sdelay $0x2  }
0x3c6: {  	v6 =	vld.idx.msk [tilespmem:v2+s5+$0x0], $0xffff;
	[tilespmem:s3+$0x2380] =	vst v4  }
0x3c7: {  	v4 =	vadd.s32 $0x80, v2;
	v1 =	vld.idx.msk [tilespmem:v1+s5+$0x0], $0xffff  }
0x3c8: {  	v0 =	vadd.s32 $0x100, v0;
	_ =	sdelay $0x1  }
0x3c9: {  	s25 =	sor.u32 $0x3380, s6;
	v7 =	vld.idx.msk [tilespmem:v3+s5+$0x0], $0xffff  }
0x3ca: {  	s10 =	sor.u32 s8, s25;
	v9 =	vadd.s32 $0x80, v3;
	v8 =	vld.idx.msk [tilespmem:v5+s5+$0x0], $0xffff;
	[tilespmem:s13+$0x2280] =	vst v6  }
0x3cb: {  	v6 =	vadd.s32 $0x80, v5;
	v4 =	vld.idx.msk [tilespmem:v4+s5+$0x0], $0xffff;
	[tilespmem:s10+$0x0] =	vst v1  }
0x3cc: {  	v1 =	vadd.s32 $0x100, v2;
	v0 =	vld.idx.msk [tilespmem:v0+s5+$0x0], $0xffff;
	_ =	sdelay $0x1  }
0x3cd: {  	s11 =	sor.u32 $0x3280, s17;
	[tilespmem:s14+$0x2280] =	vst v7  }
0x3ce: {  	s16 =	sor.u32 s12, s11;
	s18 =	sor.u32 $0x4380, s6;
	[tilespmem:s24+$0x2200] =	vst v8;
	v2 =	vld.idx.msk [tilespmem:v9+s5+$0x0], $0xffff  }
0x3cf: {  	s19 =	sor.u32 s8, s18;
	v3 =	vadd.s32 $0x100, v3;
	v6 =	vld.idx.msk [tilespmem:v6+s5+$0x0], $0xffff;
	[tilespmem:s16+$0x0] =	vst v4  }
0x3d0: {  	v4 =	vadd.s32 $0x100, v5;
	v1 =	vld.idx.msk [tilespmem:v1+s5+$0x0], $0xffff;
	[tilespmem:s19+$0x0] =	vst v0  }
0x3d1: {  	v0 =	vld [tilespmem:s3+$0x400]  }
0x3d2: {  	s20 =	sor.u32 s26, s11  }
0x3d3: {  	s7 =	sor.u32 s4, s25;
	s21 =	sor.u32 $0x4280, s17;
	[tilespmem:s20+$0x0] =	vst v2  }
0x3d4: {  	s22 =	sor.u32 s12, s21;
	[tilespmem:s7+$0x0] =	vst v6;
	v2 =	vld.idx.msk [tilespmem:v3+s5+$0x0], $0xffff  }
0x3d5: {  	v3 =	vld.idx.msk [tilespmem:v4+s5+$0x0], $0xffff;
	[tilespmem:s22+$0x0] =	vst v1  }
0x3d6: {  	v1 =	vld [tilespmem:s13+$0x300]  }
0x3d7: {  	s23 =	simm.s32 $0x40  }
0x3d8: {  	s9 =	simm.s32 $0x200;
	s11 =	sand.u32 $0x60, s23;
	s24 =	sor.u32 s26, s21  }
0x3d9: {  	s0 =	sand.u32 $0xC00, s9;
	s25 =	sor.u32 $0x10, s11;
	[tilespmem:s24+$0x0] =	vst v2;
	v4 =	vld.idx.msk [tilespmem:v0+s5+$0x0], $0xffff  }
0x3da: {  	s10 =	sor.u32 s4, s18;
	s22 =	sor.u32 s0, s25;
	v2 =	vadd.s32 $0x80, v0;
	v5 =	vld [tilespmem:s14+$0x300]  }
0x3db: {  	s18 =	sor.u32 s11, s0;
	[tilespmem:s10+$0x0] =	vst v3;
	v3 =	vld [tilespmem:s22+$0x200]  }
0x3dc: {  	v7 =	vld [tilespmem:s18+$0x200]  }
0x3dd: {  	v6 =	vld [tilespmem:s2+$0x400]  }
0x3de: {  	v8 =	vld.idx.msk [tilespmem:v1+s5+$0x0], $0xffff;
	[tilespmem:s3+$0x2400] =	vst v4  }
0x3df: {  	v4 =	vadd.s32 $0x80, v1;
	v2 =	vld.idx.msk [tilespmem:v2+s5+$0x0], $0xffff  }
0x3e0: {  	v0 =	vadd.s32 $0x100, v0;
	_ =	sdelay $0x1  }
0x3e1: {  	s7 =	sadd.s32 $0x3400, s6;
	v9 =	vld.idx.msk [tilespmem:v5+s5+$0x0], $0xffff  }
0x3e2: {  	s16 =	sor.u32 s8, s7;
	v10 =	vadd.s32 $0x80, v5;
	v11 =	vld.idx.msk [tilespmem:v3+s5+$0x0], $0xffff;
	[tilespmem:s13+$0x2300] =	vst v8  }
0x3e3: {  	v4 =	vld.idx.msk [tilespmem:v4+s5+$0x0], $0xffff;
	[tilespmem:s16+$0x0] =	vst v2;
	v2 =	vadd.s32 $0x80, v3  }
0x3e4: {  	v1 =	vadd.s32 $0x100, v1;
	v0 =	vld.idx.msk [tilespmem:v0+s5+$0x0], $0xffff  }
0x3e5: {  	v8 =	vld.idx.msk [tilespmem:v6+s5+$0x0], $0xffff  }
0x3e6: {  	s19 =	sor.u32 $0x3300, s17;
	v13 =	vld.idx.msk [tilespmem:v7+s5+$0x0], $0xffff;
	v12 =	vadd.s32 $0x80, v6;
	[tilespmem:s14+$0x2300] =	vst v9  }
0x3e7: {  	s20 =	sor.u32 s12, s19;
	s16 =	sadd.s32 $0x4400, s6;
	v9 =	vadd.s32 $0x80, v7;
	[tilespmem:s22+$0x2200] =	vst v11;
	v10 =	vld.idx.msk [tilespmem:v10+s5+$0x0], $0xffff  }
0x3e8: {  	v5 =	vadd.s32 $0x100, v5;
	s21 =	sor.u32 s8, s16;
	v2 =	vld.idx.msk [tilespmem:v2+s5+$0x0], $0xffff;
	[tilespmem:s20+$0x0] =	vst v4  }
0x3e9: {  	v1 =	vld.idx.msk [tilespmem:v1+s5+$0x0], $0xffff;
	[tilespmem:s21+$0x0] =	vst v0;
	v0 =	vadd.s32 $0x100, v3  }
0x3ea: {  	[tilespmem:s2+$0x2400] =	vst v8;
	v3 =	vld [tilespmem:s3+$0x480]  }
0x3eb: {  	s23 =	sor.u32 $0x3200, s0;
	s9 =	sor.u32 s26, s19;
	[tilespmem:s18+$0x2200] =	vst v13;
	v4 =	vld.idx.msk [tilespmem:v12+s5+$0x0], $0xffff  }
0x3ec: {  	s19 =	sor.u32 s25, s23;
	s24 =	sor.u32 $0x4300, s17;
	v6 =	vadd.s32 $0x100, v6;
	v8 =	vld.idx.msk [tilespmem:v9+s5+$0x0], $0xffff;
	[tilespmem:s9+$0x0] =	vst v10  }
0x3ed: {  	s20 =	sor.u32 s12, s24;
	[tilespmem:s19+$0x0] =	vst v2;
	v2 =	vld.idx.msk [tilespmem:v5+s5+$0x0], $0xffff  }
0x3ee: {  	v5 =	vadd.s32 $0x100, v7;
	v0 =	vld.idx.msk [tilespmem:v0+s5+$0x0], $0xffff;
	[tilespmem:s20+$0x0] =	vst v1  }
0x3ef: {  	s7 =	sor.u32 s4, s7;
	v1 =	vld [tilespmem:s13+$0x380]  }
0x3f0: {  	[tilespmem:s7+$0x0] =	vst v4  }
0x3f1: {  	s1 =	simm.s32 $0x20;
	s21 =	sor.u32 s11, s23;
	v4 =	vld.idx.msk [tilespmem:v6+s5+$0x0], $0xffff  }
0x3f2: {  	s23 =	sor.u32 s17, s1;
	s9 =	sor.u32 s26, s24;
	s24 =	sor.u32 $0x4200, s0;
	[tilespmem:s21+$0x0] =	vst v8;
	v6 =	vld.idx.msk [tilespmem:v3+s5+$0x0], $0xffff  }
0x3f3: {  	s10 =	smov.u32 s14;
	s14 =	sor.u32 $0x180, s23;
	s1 =	sor.u32 s25, s24;
	v5 =	vld.idx.msk [tilespmem:v5+s5+$0x0], $0xffff;
	[tilespmem:s9+$0x0] =	vst v2;
	v2 =	vadd.s32 $0x80, v3  }
0x3f4: {  	[tilespmem:s1+$0x0] =	vst v0;
	v0 =	vld [tilespmem:s14+$0x200]  }
0x3f5: {  	v7 =	vld [tilespmem:s22+$0x280];
	_ =	sdelay $0x1  }
0x3f6: {  	s7 =	sor.u32 s11, s24;
	v8 =	vld.idx.msk [tilespmem:v1+s5+$0x0], $0xffff;
	[tilespmem:s3+$0x2480] =	vst v6  }
0x3f7: {  	[tilespmem:s7+$0x0] =	vst v5;
	v2 =	vld.idx.msk [tilespmem:v2+s5+$0x0], $0xffff  }
0x3f8: {  	v5 =	vadd.s32 $0x80, v1;
	v6 =	vld [tilespmem:s18+$0x280]  }
0x3f9: {  	v3 =	vadd.s32 $0x100, v3;
	_ =	sdelay $0x1  }
0x3fa: {  	s3 =	sadd.s32 $0x3480, s6;
	v9 =	vld.idx.msk [tilespmem:v0+s5+$0x0], $0xffff  }
0x3fb: {  	s9 =	sor.u32 s4, s16;
	v10 =	vadd.s32 $0x80, v0;
	s16 =	sor.u32 s8, s3;
	v11 =	vld.idx.msk [tilespmem:v7+s5+$0x0], $0xffff;
	[tilespmem:s13+$0x2380] =	vst v8  }
0x3fc: {  	v5 =	vld.idx.msk [tilespmem:v5+s5+$0x0], $0xffff;
	[tilespmem:s16+$0x0] =	vst v2;
	v2 =	vadd.s32 $0x80, v7  }
0x3fd: {  	[tilespmem:s9+$0x0] =	vst v4;
	v1 =	vadd.s32 $0x100, v1;
	v3 =	vld.idx.msk [tilespmem:v3+s5+$0x0], $0xffff  }
0x3fe: {  	s19 =	sand.u32 $0x3, s15;
	v4 =	vld [tilespmem:s2+$0x480]  }
0x3ff: {  	s9 =	sor.u32 $0x3380, s17;
	s7 =	sshll.u32 s19, $0x5;
	v8 =	vld.idx.msk [tilespmem:v6+s5+$0x0], $0xffff;
	[tilespmem:s14+$0x2200] =	vst v9  }
0x400: {  	s23 =	sadd.s32 $0x4480, s6;
	s20 =	sor.u32 s12, s9;
	s14 =	sadd.s32 $0x0, s7;
	[tilespmem:s22+$0x2280] =	vst v11;
	v9 =	vld.idx.msk [tilespmem:v10+s5+$0x0], $0xffff  }
0x401: {  	s21 =	sor.u32 s8, s23;
	v2 =	vld.idx.msk [tilespmem:v2+s5+$0x0], $0xffff;
	[tilespmem:s20+$0x0] =	vst v5;
	s20 =	sadd.s32 $0x10, s14  }
0x402: {  	v10 =	vadd.s32 $0x80, v6;
	v1 =	vld.idx.msk [tilespmem:v1+s5+$0x0], $0xffff;
	[tilespmem:s21+$0x0] =	vst v3;
	s7 =	sor.u32 $0x300, s20  }
0x403: {  	v3 =	vadd.s32 $0x100, v7;
	v5 =	vld [tilespmem:s7+$0x200]  }
0x404: {  	s16 =	sor.u32 $0x3280, s0  }
0x405: {  	v0 =	vadd.s32 $0x100, v0;
	s24 =	sor.u32 s25, s16;
	s21 =	sor.u32 $0x4380, s17;
	[tilespmem:s18+$0x2280] =	vst v8  }
0x406: {  	v7 =	vld.idx.msk [tilespmem:v4+s5+$0x0], $0xffff;
	s1 =	sor.u32 s12, s21;
	[tilespmem:s24+$0x0] =	vst v2  }
0x407: {  	v2 =	vld.idx.msk [tilespmem:v10+s5+$0x0], $0xffff;
	[tilespmem:s1+$0x0] =	vst v1;
	v1 =	vadd.s32 $0x80, v4  }
0x408: {  	s9 =	sor.u32 s26, s9;
	v6 =	vadd.s32 $0x100, v6;
	v3 =	vld.idx.msk [tilespmem:v3+s5+$0x0], $0xffff  }
0x409: {  	[tilespmem:s9+$0x0] =	vst v9;
	v8 =	vld [tilespmem:s13+$0x400]  }
0x40a: {  	v0 =	vld.idx.msk [tilespmem:v0+s5+$0x0], $0xffff  }
0x40b: {  	s16 =	sor.u32 s11, s16;
	[tilespmem:s2+$0x2480] =	vst v7;
	v7 =	vld.idx.msk [tilespmem:v5+s5+$0x0], $0xffff  }
0x40c: {  	s19 =	sor.u32 $0x4280, s0;
	[tilespmem:s16+$0x0] =	vst v2;
	v1 =	vld.idx.msk [tilespmem:v1+s5+$0x0], $0xffff  }
0x40d: {  	s24 =	sor.u32 s25, s19;
	v2 =	vadd.s32 $0x80, v5;
	v6 =	vld.idx.msk [tilespmem:v6+s5+$0x0], $0xffff  }
0x40e: {  	v4 =	vadd.s32 $0x100, v4;
	s1 =	sor.u32 s26, s21;
	[tilespmem:s24+$0x0] =	vst v3  }
0x40f: {  	[tilespmem:s1+$0x0] =	vst v0;
	v0 =	vld [tilespmem:s22+$0x300]  }
0x410: {  	s3 =	sor.u32 s4, s3;
	v3 =	vld [tilespmem:s10+$0x400];
	[tilespmem:s7+$0x2200] =	vst v7  }
0x411: {  	s19 =	sor.u32 s11, s19;
	s21 =	smov.u32 s10;
	s10 =	simm.s32 $0x300;
	v9 =	vld.idx.msk [tilespmem:v8+s5+$0x0], $0xffff;
	[tilespmem:s3+$0x0] =	vst v1  }
0x412: {  	s16 =	simm.s32 $0x60;
	s24 =	sand.u32 $0xC00, s10;
	v1 =	vld.idx.msk [tilespmem:v2+s5+$0x0], $0xffff;
	[tilespmem:s19+$0x0] =	vst v6  }
0x413: {  	s9 =	sand.u32 $0x60, s16;
	s7 =	smov.u32 s24;
	v2 =	vadd.s32 $0x80, v8;
	v4 =	vld.idx.msk [tilespmem:v4+s5+$0x0], $0xffff;
	[smem:$0x7E5] =	sst s18  }
0x414: {  	v5 =	vadd.s32 $0x100, v5;
	s19 =	sor.u32 $0x10, s9;
	s28 =	sor.u32 s9, s7;
	v6 =	vld [tilespmem:s18+$0x300]  }
0x415: {  	s2 =	smov.u32 s18;
	s18 =	sor.u32 s7, s19;
	v10 =	vld [tilespmem:s28+$0x200]  }
0x416: {  	s16 =	sadd.s32 $0x3500, s6;
	v7 =	vld [tilespmem:s18+$0x200]  }
0x417: {  	s24 =	sor.u32 s8, s16;
	v11 =	vld.idx.msk [tilespmem:v0+s5+$0x0], $0xffff;
	[tilespmem:s13+$0x2400] =	vst v9  }
0x418: {  	[tilespmem:s24+$0x0] =	vst v1;
	v1 =	vld.idx.msk [tilespmem:v2+s5+$0x0], $0xffff;
	v2 =	vadd.s32 $0x80, v0  }
0x419: {  	s23 =	sor.u32 s4, s23;
	v5 =	vld.idx.msk [tilespmem:v5+s5+$0x0], $0xffff  }
0x41a: {  	v8 =	vadd.s32 $0x100, v8;
	[tilespmem:s23+$0x0] =	vst v4;
	s23 =	sor.u32 $0x300, s14;
	v4 =	vld.idx.msk [tilespmem:v3+s5+$0x0], $0xffff  }
0x41b: {  	v9 =	vld [tilespmem:s23+$0x200]  }
0x41c: {  	s3 =	sadd.s32 $0x3400, s17;
	[tilespmem:s22+$0x2300] =	vst v11;
	v56 =	vld.idx.msk [tilespmem:v6+s5+$0x0], $0xffff  }
0x41d: {  	v57 =	vadd.s32 $0x80, v3;
	s29 =	sor.u32 s12, s3;
	s14 =	sadd.s32 $0x4500, s6;
	v2 =	vld.idx.msk [tilespmem:v2+s5+$0x0], $0xffff  }
0x41e: {  	[tilespmem:s29+$0x0] =	vst v1;
	v1 =	vadd.s32 $0x80, v6;
	s29 =	sor.u32 s8, s14;
	v14 =	vld.idx.msk [tilespmem:v7+s5+$0x0], $0xffff  }
0x41f: {  	s20 =	sor.u32 $0x380, s20;
	[tilespmem:s29+$0x0] =	vst v5;
	v5 =	vadd.s32 $0x80, v7;
	v8 =	vld.idx.msk [tilespmem:v8+s5+$0x0], $0xffff  }
0x420: {  	v0 =	vadd.s32 $0x100, v0;
	v11 =	vld [tilespmem:s20+$0x200]  }
0x421: {  	[tilespmem:s21+$0x2400] =	vst v4;
	v4 =	vld.idx.msk [tilespmem:v10+s5+$0x0], $0xffff  }
0x422: {  	s29 =	sor.u32 $0x3300, s0;
	v58 =	vld.idx.msk [tilespmem:v57+s5+$0x0], $0xffff;
	[tilespmem:s2+$0x2300] =	vst v56  }
0x423: {  	s31 =	sadd.s32 $0x4400, s17;
	s30 =	sor.u32 s25, s29;
	[tilespmem:s18+$0x2200] =	vst v14;
	v1 =	vld.idx.msk [tilespmem:v1+s5+$0x0], $0xffff  }
0x424: {  	v59 =	vadd.s32 $0x80, v10;
	[tilespmem:s30+$0x0] =	vst v2;
	s30 =	sor.u32 s12, s31;
	v5 =	vld.idx.msk [tilespmem:v5+s5+$0x0], $0xffff  }
0x425: {  	v2 =	vadd.s32 $0x100, v6;
	[tilespmem:s30+$0x0] =	vst v8;
	v0 =	vld.idx.msk [tilespmem:v0+s5+$0x0], $0xffff  }
0x426: {  	v6 =	vadd.s32 $0x100, v7;
	v7 =	vld [tilespmem:s13+$0x480]  }
0x427: {  	s29 =	sor.u32 s11, s29;
	[tilespmem:s28+$0x2200] =	vst v4;
	v4 =	vld.idx.msk [tilespmem:v9+s5+$0x0], $0xffff;
	s30 =	sor.u32 $0x3200, s7  }
0x428: {  	s2 =	sor.u32 $0x4300, s0;
	v8 =	vld.idx.msk [tilespmem:v11+s5+$0x0], $0xffff;
	[tilespmem:s29+$0x0] =	vst v1;
	v1 =	vadd.s32 $0x100, v3;
	s29 =	sor.u32 s19, s30  }
0x429: {  	v3 =	vld.idx.msk [tilespmem:v59+s5+$0x0], $0xffff;
	[tilespmem:s29+$0x0] =	vst v5;
	s29 =	sor.u32 s25, s2  }
0x42a: {  	v2 =	vld.idx.msk [tilespmem:v2+s5+$0x0], $0xffff;
	[tilespmem:s29+$0x0] =	vst v0;
	v0 =	vadd.s32 $0x100, v10  }
0x42b: {  	s24 =	sor.u32 s26, s3;
	v5 =	vld.idx.msk [tilespmem:v6+s5+$0x0], $0xffff  }
0x42c: {  	[tilespmem:s24+$0x0] =	vst v58;
	v6 =	vld [tilespmem:s22+$0x380]  }
0x42d: {  	s3 =	sor.u32 s9, s30;
	s24 =	simm.s32 $0x40;
	v10 =	vadd.s32 $0x80, v11;
	[tilespmem:s20+$0x2200] =	vst v8;
	v1 =	vld.idx.msk [tilespmem:v1+s5+$0x0], $0xffff  }
0x42e: {  	s1 =	sor.u32 s11, s2;
	s2 =	sor.u32 s0, s24;
	s29 =	sor.u32 $0x4200, s7;
	v8 =	vadd.s32 $0x80, v9;
	[tilespmem:s3+$0x0] =	vst v3;
	v3 =	vld.idx.msk [tilespmem:v7+s5+$0x0], $0xffff  }
0x42f: {  	s3 =	sor.u32 s19, s29;
	[tilespmem:s1+$0x0] =	vst v2;
	s1 =	sor.u32 $0x180, s2;
	v0 =	vld.idx.msk [tilespmem:v0+s5+$0x0], $0xffff  }
0x430: {  	v2 =	vadd.s32 $0x80, v7;
	[tilespmem:s3+$0x0] =	vst v5;
	v5 =	vld [tilespmem:s1+$0x200]  }
0x431: {  	v60 =	vld [tilespmem:s18+$0x280]  }
0x432: {  	[tilespmem:s23+$0x2200] =	vst v4;
	s24 =	sor.u32 s26, s31;
	v10 =	vld.idx.msk [tilespmem:v10+s5+$0x0], $0xffff  }
0x433: {  	[tilespmem:s24+$0x0] =	vst v1;
	v1 =	vld.idx.msk [tilespmem:v8+s5+$0x0], $0xffff  }
0x434: {  	s20 =	sor.u32 s9, s29;
	[tilespmem:s13+$0x2480] =	vst v3;
	v3 =	vld.idx.msk [tilespmem:v6+s5+$0x0], $0xffff  }
0x435: {  	[tilespmem:s20+$0x0] =	vst v0;
	v0 =	vld.idx.msk [tilespmem:v2+s5+$0x0], $0xffff;
	v2 =	vadd.s32 $0x80, v6  }
0x436: {  	v7 =	vadd.s32 $0x100, v7;
	v4 =	vld [tilespmem:s28+$0x280]  }
0x437: {  	v8 =	vadd.s32 $0x100, v9;
	v61 =	vld [tilespmem:s21+$0x480]  }
0x438: {  	s20 =	sadd.s32 $0x3480, s17;
	v9 =	vld.idx.msk [tilespmem:v5+s5+$0x0], $0xffff  }
0x439: {  	s2 =	sor.u32 s12, s20;
	v15 =	vld.idx.msk [tilespmem:v60+s5+$0x0], $0xffff;
	[tilespmem:s22+$0x2380] =	vst v3  }
0x43a: {  	s3 =	sor.u32 s4, s16;
	v62 =	vadd.s32 $0x80, v5;
	[tilespmem:s2+$0x0] =	vst v0;
	v0 =	vld.idx.msk [tilespmem:v2+s5+$0x0], $0xffff  }
0x43b: {  	s23 =	simm.s32 $0x1;
	[tilespmem:s3+$0x0] =	vst v1;
	v2 =	vadd.s32 $0x80, v60;
	v1 =	vld.idx.msk [tilespmem:v7+s5+$0x0], $0xffff  }
0x43c: {  	s16 =	simm.s32 $0x1;
	v3 =	vadd.s32 $0x100, v6;
	v6 =	vld.idx.msk [tilespmem:v8+s5+$0x0], $0xffff;
	[dreg:$0x18] =	wrdreg s23  }
0x43d: {  	s30 =	sor.u32 $0x3380, s0;
	s24 =	sand.u32 $0x3, s16;
	[tilespmem:s1+$0x2200] =	vst v9  }
0x43e: {  	s3 =	sor.u32 s25, s30;
	s2 =	sshll.u32 s24, $0x5;
	s24 =	sadd.s32 $0x4480, s17;
	v7 =	vld.idx.msk [tilespmem:v4+s5+$0x0], $0xffff;
	[tilespmem:s18+$0x2280] =	vst v15  }
0x43f: {  	s23 =	sadd.s32 $0x100, s2;
	s13 =	sor.u32 s12, s24;
	v8 =	vld.idx.msk [tilespmem:v62+s5+$0x0], $0xffff;
	[tilespmem:s3+$0x0] =	vst v0  }
0x440: {  	s16 =	sadd.s32 $0x10, s23;
	v2 =	vld.idx.msk [tilespmem:v2+s5+$0x0], $0xffff;
	[tilespmem:s13+$0x0] =	vst v1  }
0x441: {  	s14 =	sor.u32 s4, s14;
	v0 =	vadd.s32 $0x80, v4;
	v1 =	vadd.s32 $0x100, v5;
	v5 =	vld.idx.msk [tilespmem:v3+s5+$0x0], $0xffff;
	[dreg:$0x1d] =	wrdreg s16  }
0x442: {  	s1 =	sor.u32 $0x300, s16;
	s3 =	sor.u32 s15, s15;
	[tilespmem:s14+$0x0] =	vst v6  }
0x443: {  	v9 =	vadd.s32 $0x100, v60;
	s15 =	sor.u32 $0x380, s3;
	v3 =	vld [tilespmem:s1+$0x200];
	[tilespmem:s28+$0x2280] =	vst v7  }
0x444: {  	s16 =	sor.u32 s11, s30;
	v6 =	vld.idx.msk [tilespmem:v61+s5+$0x0], $0xffff;
	s14 =	sor.u32 $0x3280, s7;
	[dreg:$0xa] =	wrdreg s15  }
0x445: {  	v11 =	vadd.s32 $0x100, v11;
	s29 =	smov.u32 s21;
	s30 =	sor.u32 $0x4380, s0;
	s2 =	sor.u32 s19, s14;
	v63 =	vld [tilespmem:s15+$0x200];
	[tilespmem:s16+$0x0] =	vst v8  }
0x446: {  	s21 =	smov.u32 s12;
	s12 =	sadd.s32 $0x3580, s6;
	s31 =	sor.u32 s25, s30;
	v0 =	vld.idx.msk [tilespmem:v0+s5+$0x0], $0xffff;
	[tilespmem:s2+$0x0] =	vst v2  }
0x447: {  	s6 =	sadd.s32 $0x4580, s6;
	[tilespmem:s31+$0x0] =	vst v5;
	s31 =	sor.u32 s8, s12;
	v1 =	vld.idx.msk [tilespmem:v1+s5+$0x0], $0xffff  }
0x448: {  	s13 =	smov.u32 s22;
	s3 =	smov.u32 s0;
	s0 =	sor.u32 s9, s14;
	v2 =	vadd.s32 $0x80, v61;
	v7 =	vld.idx.msk [tilespmem:v9+s5+$0x0], $0xffff;
	[tilespmem:s31+$0x0] =	vst v10  }
0x449: {  	s16 =	smov.u32 s25;
	s15 =	simm.s32 $0x100;
	s25 =	sor.u32 s4, s12;
	v5 =	vld [tilespmem:s22+$0x400];
	[tilespmem:s29+$0x2480] =	vst v6  }
0x44a: {  	s2 =	sor.u32 s11, s30;
	s22 =	simm.s32 $0x20;
	v8 =	vld.idx.msk [tilespmem:v11+s5+$0x0], $0xffff;
	[dreg:$0xf] =	wrdreg s25  }
0x44b: {  	s15 =	sor.u32 s15, s22;
	s22 =	sor.u32 s4, s6;
	s6 =	sor.u32 s8, s6;
	[tilespmem:s0+$0x0] =	vst v0  }
0x44c: {  	v4 =	vadd.s32 $0x100, v4;
	s8 =	simm.s32 $0x200;
	s25 =	smov.u32 s11;
	s4 =	sor.u32 $0x380, s15;
	v10 =	vld.idx.msk [tilespmem:v3+s5+$0x0], $0xffff;
	[tilespmem:s2+$0x0] =	vst v1  }
0x44d: {  	s11 =	simm.s32 $0x200;
	s15 =	simm.s32 $0x40;
	v6 =	vld.idx.msk [tilespmem:v2+s5+$0x0], $0xffff;
	[dreg:$0x16] =	wrdreg s4  }
0x44e: {  	s12 =	sor.u32 $0x4280, s7;
	s0 =	sor.u32 s11, s15;
	[dreg:$0x4] =	wrdreg s8  }
0x44f: {  	s2 =	sor.u32 s19, s12;
	s11 =	sld [smem:$0x7E5];
	s4 =	simm.s32 $0x60  }
0x450: {  	s14 =	smov.u32 s28;
	s0 =	sor.u32 $0x380, s0;
	[tilespmem:s2+$0x0] =	vst v7;
	s8 =	sor.u32 s7, s4  }
0x451: {  	s29 =	smov.u32 s19;
	v11 =	vld.idx.msk [tilespmem:v4+s5+$0x0], $0xffff;
	[dreg:$0x14] =	wrdreg s0;
	s19 =	sor.u32 $0x180, s8  }
0x452: {  	s28 =	smov.u32 s7;
	s31 =	sor.u32 s26, s20;
	v7 =	vld [tilespmem:s11+$0x400];
	[smem:$0x7E6] =	sst s19  }
0x453: {  	s20 =	smov.u32 s21;
	s15 =	sor.u32 s10, s4;
	s2 =	smov.u32 s18;
	[tilespmem:s6+$0x0] =	vst v8  }
0x454: {  	s8 =	sor.u32 s26, s24;
	s24 =	sor.u32 $0x300, s23;
	v9 =	vld [tilespmem:s18+$0x300];
	[dreg:$0xc] =	wrdreg s26  }
0x455: {  	s4 =	sor.u32 s9, s12;
	s30 =	sor.u32 $0x380, s15;
	[smem:$0x7E7] =	sst s24  }
0x456: {  	v0 =	vadd.s32 $0x100, v63;
	s15 =	simm.s32 $0x6;
	s19 =	smov.u32 s9;
	s26 =	simm.s32 $0x300;
	v2 =	vld.idx.msk [tilespmem:v63+s5+$0x0], $0xffff;
	[tilespmem:s1+$0x2200] =	vst v10  }
0x457: {  	v1 =	vadd.s32 $0x80, v63;
	v4 =	vadd.s32 $0x100, v61;
	s6 =	smov.u32 s17;
	v8 =	vadd.s32 $0x80, v3;
	s18 =	simm.s32 $0x80;
	v10 =	vld.idx.msk [tilespmem:v5+s5+$0x0], $0xffff;
	[dreg:$0x19] =	wrdreg s26  }
.LBB2_8:
0x458: {  	_ =	sdelay $0x1  }
0x459: {  	s17 =	sand.u32 $0x60, s18;
	s10 =	sadd.s32 $0x100, s10  }
0x45a: {  	s1 =	sand.u32 $0xC00, s10;
	s12 =	sor.u32 $0x10, s17  }
0x45b: {  	[tilespmem:s31+$0x0] =	vst v6;
	v6 =	vld.idx.msk [tilespmem:v8+s5+$0x0], $0xffff;
	s31 =	sor.u32 s1, s12  }
0x45c: {  	[tilespmem:s4+$0x0] =	vst v11;
	v14 =	vld [tilespmem:s31+$0x200]  }
0x45d: {  	s7 =	rddreg [dreg:$0xa];
	v4 =	vld.idx.msk [tilespmem:v4+s5+$0x0], $0xffff  }
0x45e: {  	v12 =	vadd.s32 $0x80, v5;
	s21 =	rddreg [dreg:$0x16];
	s9 =	sor.u32 s17, s1;
	v13 =	vld [tilespmem:s14+$0x300]  }
0x45f: {  	[smem:$0x7E4] =	sst s22;
	v3 =	vadd.s32 $0x100, v3;
	v15 =	vld [tilespmem:s9+$0x200];
	[tilespmem:s7+$0x2200] =	vst v2;
	s7 =	smov.u32 s21  }
0x460: {  	[dreg:$0xa] =	wrdreg s7  }
0x461: {  	s24 =	sadd.s32 $0x3500, s6;
	v2 =	vld.idx.msk [tilespmem:v9+s5+$0x0], $0xffff;
	[tilespmem:s13+$0x2400] =	vst v10;
	s7 =	smov.u32 s13;
	s13 =	rddreg [dreg:$0xc]  }
0x462: {  	s26 =	sor.u32 s1, s18;
	s23 =	sor.u32 s13, s24;
	s24 =	sor.u32 s20, s24  }
0x463: {  	s22 =	rddreg [dreg:$0x14];
	s0 =	sor.u32 $0x180, s26;
	v16 =	vadd.s32 $0x80, v9;
	v10 =	vld.idx.msk [tilespmem:v12+s5+$0x0], $0xffff;
	[tilespmem:s24+$0x0] =	vst v6  }
0x464: {  	[smem:$0x7E1] =	sst s0;
	s0 =	sor.u32 s10, s18;
	v3 =	vld.idx.msk [tilespmem:v3+s5+$0x0], $0xffff;
	[tilespmem:s8+$0x0] =	vst v4  }
0x465: {  	v5 =	vadd.s32 $0x100, v5;
	s26 =	smov.u32 s30;
	s30 =	sadd.s32 $0x4500, s6;
	s4 =	sor.u32 $0x380, s0;
	v4 =	vld.idx.msk [tilespmem:v7+s5+$0x0], $0xffff  }
0x466: {  	s21 =	smov.u32 s22;
	s22 =	sadd.s32 $0x3400, s3;
	s8 =	sld [smem:$0x7E7];
	v19 =	vld.idx.msk [tilespmem:v14+s5+$0x0], $0xffff  }
0x467: {  	[dreg:$0x16] =	wrdreg s21;
	s21 =	smov.u32 s4;
	s4 =	sor.u32 s16, s22;
	v6 =	vadd.s32 $0x80, v13;
	v52 =	vadd.s32 $0x100, v13;
	[tilespmem:s2+$0x2300] =	vst v2;
	v13 =	vld.idx.msk [tilespmem:v13+s5+$0x0], $0xffff  }
0x468: {  	[dreg:$0x14] =	wrdreg s26;
	s26 =	smov.u32 s25;
	s24 =	sor.u32 s25, s22;
	v2 =	vld.idx.msk [tilespmem:v16+s5+$0x0], $0xffff;
	[tilespmem:s4+$0x0] =	vst v10;
	v10 =	vadd.s32 $0x80, v14  }
0x469: {  	v8 =	vadd.s32 $0x80, v7;
	s25 =	sor.u32 s13, s30;
	s30 =	sor.u32 s20, s30;
	v18 =	vld [tilespmem:s8+$0x200];
	s4 =	rddreg [dreg:$0x1d]  }
0x46a: {  	s0 =	smov.u32 s16;
	v5 =	vld.idx.msk [tilespmem:v5+s5+$0x0], $0xffff;
	[tilespmem:s30+$0x0] =	vst v3;
	s16 =	sor.u32 $0x380, s4  }
0x46b: {  	v3 =	vadd.s32 $0x100, v9;
	v53 =	vld [tilespmem:s16+$0x200];
	[tilespmem:s11+$0x2400] =	vst v4  }
0x46c: {  	[smem:$0x7E2] =	sst s14;
	v11 =	vadd.s32 $0x100, v7;
	v17 =	vadd.s32 $0x100, v15;
	v7 =	vadd.s32 $0x80, v15;
	v15 =	vld.idx.msk [tilespmem:v15+s5+$0x0], $0xffff;
	[tilespmem:s31+$0x2200] =	vst v19  }
0x46d: {  	[smem:$0x7E0] =	sst s25;
	s30 =	sor.u32 $0x3300, s28;
	[tilespmem:s14+$0x2300] =	vst v13;
	v10 =	vld.idx.msk [tilespmem:v10+s5+$0x0], $0xffff  }
0x46e: {  	s25 =	sor.u32 s19, s30;
	s30 =	sor.u32 s29, s30;
	s14 =	sadd.s32 $0x4400, s3;
	v8 =	vld.idx.msk [tilespmem:v8+s5+$0x0], $0xffff  }
0x46f: {  	s4 =	smov.u32 s20;
	s20 =	smov.u32 s13;
	[tilespmem:s30+$0x0] =	vst v2;
	v6 =	vld.idx.msk [tilespmem:v6+s5+$0x0], $0xffff;
	s13 =	sor.u32 s0, s14  }
0x470: {  	v2 =	vld.idx.msk [tilespmem:v3+s5+$0x0], $0xffff;
	v3 =	vadd.s32 $0x100, v14;
	[tilespmem:s13+$0x0] =	vst v5  }
0x471: {  	v5 =	vld [tilespmem:s7+$0x480];
	[tilespmem:s9+$0x2200] =	vst v15  }
0x472: {  	[smem:$0x7E3] =	sst s21;
	s21 =	sor.u32 $0x3200, s1;
	v13 =	vld.idx.msk [tilespmem:v18+s5+$0x0], $0xffff  }
0x473: {  	s13 =	sor.u32 s12, s21;
	[tilespmem:s24+$0x0] =	vst v8;
	v8 =	vld.idx.msk [tilespmem:v53+s5+$0x0], $0xffff  }
0x474: {  	s30 =	sor.u32 s26, s14;
	s14 =	sor.u32 $0x4300, s28;
	[tilespmem:s13+$0x0] =	vst v10;
	v7 =	vld.idx.msk [tilespmem:v7+s5+$0x0], $0xffff  }
0x475: {  	v10 =	vadd.s32 $0x80, v53;
	[tilespmem:s25+$0x0] =	vst v6;
	s25 =	sor.u32 s29, s14;
	v3 =	vld.idx.msk [tilespmem:v3+s5+$0x0], $0xffff  }
0x476: {  	v6 =	vld.idx.msk [tilespmem:v52+s5+$0x0], $0xffff;
	[tilespmem:s25+$0x0] =	vst v2  }
0x477: {  	v2 =	vld [tilespmem:s2+$0x380]  }
0x478: {  	v11 =	vld.idx.msk [tilespmem:v11+s5+$0x0], $0xffff;
	[tilespmem:s8+$0x2200] =	vst v13  }
0x479: {  	s22 =	smov.u32 s29;
	v4 =	vadd.s32 $0x80, v18;
	s24 =	sor.u32 s17, s21;
	s29 =	sld [smem:$0x7E6];
	v54 =	vld.idx.msk [tilespmem:v5+s5+$0x0], $0xffff;
	[tilespmem:s16+$0x2200] =	vst v8  }
0x47a: {  	s21 =	sor.u32 s19, s14;
	[tilespmem:s24+$0x0] =	vst v7;
	s24 =	sor.u32 $0x4200, s1;
	v7 =	vld.idx.msk [tilespmem:v10+s5+$0x0], $0xffff  }
0x47b: {  	v8 =	vld.idx.msk [tilespmem:v17+s5+$0x0], $0xffff;
	s8 =	sor.u32 s12, s24;
	[tilespmem:s21+$0x0] =	vst v6;
	v6 =	vadd.s32 $0x80, v5  }
0x47c: {  	v10 =	vadd.s32 $0x100, v53;
	[tilespmem:s8+$0x0] =	vst v3;
	v3 =	vld [tilespmem:s29+$0x200]  }
0x47d: {  	[tilespmem:s30+$0x0] =	vst v11;
	v55 =	vld [tilespmem:s31+$0x280]  }
0x47e: {  	s21 =	sadd.s32 $0x3580, s6;
	v4 =	vld.idx.msk [tilespmem:v4+s5+$0x0], $0xffff  }
0x47f: {  	s8 =	sor.u32 s4, s21;
	v11 =	vld.idx.msk [tilespmem:v2+s5+$0x0], $0xffff;
	[tilespmem:s7+$0x2480] =	vst v54  }
0x480: {  	s25 =	sor.u32 s17, s24;
	v6 =	vld.idx.msk [tilespmem:v6+s5+$0x0], $0xffff;
	[tilespmem:s8+$0x0] =	vst v7  }
0x481: {  	s14 =	smov.u32 s2;
	s2 =	sadd.s32 $0x4580, s6;
	v56 =	vadd.s32 $0x80, v2;
	[tilespmem:s25+$0x0] =	vst v8;
	v10 =	vld.idx.msk [tilespmem:v10+s5+$0x0], $0xffff  }
0x482: {  	v5 =	vadd.s32 $0x100, v5;
	s6 =	sor.u32 s4, s2;
	v57 =	vld [tilespmem:s9+$0x280]  }
0x483: {  	s30 =	smov.u32 s31;
	s4 =	rddreg [dreg:$0x4];
	s25 =	sadd.s32 $0x3480, s3;
	v15 =	vld [tilespmem:s11+$0x480]  }
0x484: {  	v7 =	vadd.s32 $0x80, v3;
	v8 =	vadd.s32 $0x100, v3;
	s31 =	sor.u32 s26, s25;
	s8 =	sor.u32 s0, s25;
	s25 =	smov.u32 s26;
	v3 =	vld.idx.msk [tilespmem:v3+s5+$0x0], $0xffff;
	[tilespmem:s23+$0x0] =	vst v4  }
0x485: {  	v9 =	vadd.s32 $0x100, v18;
	s24 =	sor.u32 s20, s21;
	s7 =	smov.u32 s11;
	[dreg:$0xc] =	wrdreg s25;
	v58 =	vld.idx.msk [tilespmem:v55+s5+$0x0], $0xffff;
	[tilespmem:s14+$0x2380] =	vst v11  }
0x486: {  	s26 =	smov.u32 s19;
	s19 =	smov.u32 s1;
	v60 =	vadd.s32 $0x80, v55;
	v11 =	vld.idx.msk [tilespmem:v56+s5+$0x0], $0xffff;
	[tilespmem:s8+$0x0] =	vst v6;
	s8 =	rddreg [dreg:$0x18]  }
0x487: {  	s23 =	sor.u32 s20, s2;
	v5 =	vld.idx.msk [tilespmem:v5+s5+$0x0], $0xffff;
	[tilespmem:s6+$0x0] =	vst v10;
	s6 =	smov.u32 s3;
	s3 =	sadd.s32 $0x1, s8  }
0x488: {  	s2 =	smov.u32 s28;
	s20 =	smov.u32 s0;
	s11 =	sand.u32 $0x3, s3  }
0x489: {  	v2 =	vadd.s32 $0x100, v2;
	s0 =	smov.u32 s22;
	s13 =	sor.u32 $0x3380, s2;
	s1 =	sshll.u32 s11, $0x5  }
0x48a: {  	v9 =	vld.idx.msk [tilespmem:v9+s5+$0x0], $0xffff;
	s16 =	sor.u32 s0, s13;
	[dreg:$0x18] =	wrdreg s3;
	[tilespmem:s30+$0x2280] =	vst v58;
	s1 =	sadd.s32 s1, s4  }
0x48b: {  	s4 =	sld [smem:$0x7E0];
	v16 =	vld.idx.msk [tilespmem:v60+s5+$0x0], $0xffff;
	[tilespmem:s16+$0x0] =	vst v11;
	s16 =	sadd.s32 $0x10, s1;
	s1 =	sor.u32 $0x300, s1  }
0x48c: {  	v1 =	vld.idx.msk [tilespmem:v1+s5+$0x0], $0xffff;
	s3 =	sadd.s32 $0x4480, s6;
	[smem:$0x7E7] =	sst s1  }
0x48d: {  	v14 =	vld.idx.msk [tilespmem:v57+s5+$0x0], $0xffff;
	[tilespmem:s29+$0x2200] =	vst v3;
	s11 =	sor.u32 s20, s3;
	[dreg:$0x1d] =	wrdreg s16  }
0x48e: {  	s21 =	smov.u32 s17;
	s22 =	smov.u32 s12;
	v2 =	vld.idx.msk [tilespmem:v2+s5+$0x0], $0xffff;
	[tilespmem:s11+$0x0] =	vst v5;
	s11 =	rddreg [dreg:$0x19]  }
0x48f: {  	v6 =	vadd.s32 $0x80, v57;
	s17 =	sor.u32 s26, s13;
	v7 =	vld.idx.msk [tilespmem:v7+s5+$0x0], $0xffff;
	s1 =	sor.u32 $0x300, s16;
	s16 =	sld [smem:$0x7E1]  }
0x490: {  	s13 =	smov.u32 s10;
	v3 =	vld [tilespmem:s1+$0x200];
	[tilespmem:s4+$0x0] =	vst v9;
	s12 =	smov.u32 s11;
	s11 =	rddreg [dreg:$0xf]  }
0x491: {  	s8 =	sor.u32 s25, s3;
	v5 =	vadd.s32 $0x100, v55;
	[dreg:$0x19] =	wrdreg s13;
	v9 =	vld.idx.msk [tilespmem:v15+s5+$0x0], $0xffff;
	[tilespmem:s11+$0x0] =	vst v1  }
0x492: {  	s13 =	sor.u32 $0x3280, s19;
	s25 =	smov.u32 s16;
	[tilespmem:s9+$0x2280] =	vst v14;
	s16 =	rddreg [dreg:$0xa]  }
0x493: {  	s4 =	sor.u32 s22, s13;
	v61 =	vld [tilespmem:s16+$0x200]  }
0x494: {  	[dreg:$0x4] =	wrdreg s12;
	s12 =	smov.u32 s24;
	s24 =	sor.u32 $0x4380, s2;
	v6 =	vld.idx.msk [tilespmem:v6+s5+$0x0], $0xffff;
	[tilespmem:s17+$0x0] =	vst v7  }
0x495: {  	v10 =	vadd.s32 $0x80, v15;
	s11 =	sor.u32 s0, s24;
	[tilespmem:s4+$0x0] =	vst v16;
	v7 =	vld.idx.msk [tilespmem:v8+s5+$0x0], $0xffff  }
0x496: {  	s15 =	sadd.s32 $0x2, s15;
	v59 =	vadd.s32 $0x100, v57;
	[dreg:$0xf] =	wrdreg s12;
	v62 =	vld.idx.msk [tilespmem:v5+s5+$0x0], $0xffff;
	[tilespmem:s11+$0x0] =	vst v2  }
0x497: {  	s12 =	sor.u32 s21, s13;
	s13 =	smov.u32 s14;
	v5 =	vld [tilespmem:s14+$0x400];
	s14 =	sld [smem:$0x7E2];
	[tilespmem:s7+$0x2480] =	vst v9  }
0x498: {  	p0 =	slt.u32 s15, $0x1E;
	s3 =	smov.u32 s2;
	v63 =	vld.idx.msk [tilespmem:v0+s5+$0x0], $0xffff  }
0x499: {  	s2 =	sor.u32 s26, s24;
	s24 =	sor.u32 $0x4280, s19;
	[smem:$0x7E6] =	sst s25;
	v16 =	vld.idx.msk [tilespmem:v3+s5+$0x0], $0xffff;
	[tilespmem:s12+$0x0] =	vst v6  }
0x49a: {  	s25 =	smov.u32 s26;
	s26 =	sld [smem:$0x7E4];
	s11 =	smov.u32 s14;
	v6 =	vld.idx.msk [tilespmem:v10+s5+$0x0], $0xffff  }
.Ltmp3:
0x49b: {  	s14 =	smov.u32 s9;
	s9 =	sor.u32 s22, s24;
	v11 =	vld.idx.msk [tilespmem:v59+s5+$0x0], $0xffff;
	[tilespmem:s2+$0x0] =	vst v7;
	(pc) =	sbr.rel @p0 .LBB2_8-.Ltmp3, $4  }
0x49c: {  	[tilespmem:s9+$0x0] =	vst v62;
	v7 =	vld [tilespmem:s11+$0x400]  }
0x49d: {  	s18 =	sadd.s32 $0x20, s18;
	s28 =	smov.u32 s19;
	s29 =	smov.u32 s22;
	v9 =	vld [tilespmem:s30+$0x300]  }
0x49e: {  	v4 =	vadd.s32 $0x100, v15;
	s19 =	smov.u32 s21;
	s16 =	smov.u32 s0;
	s4 =	sor.u32 s21, s24;
	v2 =	vld.idx.msk [tilespmem:v61+s5+$0x0], $0xffff;
	[tilespmem:s26+$0x0] =	vst v63  }
0x49f: {  	v8 =	vadd.s32 $0x80, v3;
	v1 =	vadd.s32 $0x80, v61;
	v0 =	vadd.s32 $0x100, v61;
	s22 =	smov.u32 s23;
	s2 =	smov.u32 s30;
	s30 =	sld [smem:$0x7E3];
	v10 =	vld.idx.msk [tilespmem:v5+s5+$0x0], $0xffff;
	[tilespmem:s1+$0x2200] =	vst v16  }
0x4a0: {  	[tilespmem:s4+$0x0] =	vst v11  }
0x4a1: {  	v11 =	vld [tilespmem:s14+$0x300];
	_ =	sdelay $0x6  }
0x4a2: {  	v12 =	vld.idx.msk [tilespmem:v9+s5+$0x0], $0xffff  }
0x4a3: {  	v13 =	vadd.s32 $0x80, v9;
	v14 =	vld.idx.msk [tilespmem:v11+s5+$0x0], $0xffff  }
0x4a4: {  	v15 =	vadd.s32 $0x80, v11;
	_ =	sdelay $0x2  }
0x4a5: {  	[tilespmem:s2+$0x2300] =	vst v12  }
0x4a6: {  	v12 =	vld.idx.msk [tilespmem:v13+s5+$0x0], $0xffff;
	[tilespmem:s14+$0x2300] =	vst v14  }
0x4a7: {  	v54 =	vadd.s32 $0x100, v9;
	v55 =	vld.idx.msk [tilespmem:v15+s5+$0x0], $0xffff  }
0x4a8: {  	v11 =	vadd.s32 $0x100, v11  }
0x4a9: {  	s1 =	sor.u32 $0x3300, s28  }
0x4aa: {  	s21 =	sor.u32 s29, s1  }
0x4ab: {  	s1 =	sor.u32 s19, s1;
	[tilespmem:s21+$0x0] =	vst v12  }
0x4ac: {  	v9 =	vld.idx.msk [tilespmem:v54+s5+$0x0], $0xffff;
	[tilespmem:s1+$0x0] =	vst v55  }
0x4ad: {  	v11 =	vld.idx.msk [tilespmem:v11+s5+$0x0], $0xffff;
	_ =	sdelay $0x1  }
0x4ae: {  	s23 =	sor.u32 $0x4300, s28  }
0x4af: {  	s24 =	sor.u32 s29, s23  }
0x4b0: {  	[tilespmem:s24+$0x0] =	vst v9;
	s1 =	sor.u32 s19, s23  }
0x4b1: {  	[tilespmem:s1+$0x0] =	vst v11  }
0x4b2: {  	v9 =	vld [tilespmem:s2+$0x380];
	s0 =	sld [smem:$0x7E6];
	_ =	sdelay $0x2  }
0x4b3: {  	v11 =	vld [tilespmem:s0+$0x200];
	_ =	sdelay $0x4  }
0x4b4: {  	v12 =	vld.idx.msk [tilespmem:v9+s5+$0x0], $0xffff  }
0x4b5: {  	v56 =	vadd.s32 $0x80, v9;
	_ =	sdelay $0x1  }
0x4b6: {  	v14 =	vld.idx.msk [tilespmem:v11+s5+$0x0], $0xffff  }
0x4b7: {  	v57 =	vadd.s32 $0x80, v11  }
0x4b8: {  	[tilespmem:s2+$0x2380] =	vst v12  }
0x4b9: {  	v12 =	vld.idx.msk [tilespmem:v56+s5+$0x0], $0xffff  }
0x4ba: {  	v9 =	vadd.s32 $0x100, v9  }
0x4bb: {  	[tilespmem:s0+$0x2200] =	vst v14  }
0x4bc: {  	s26 =	sor.u32 $0x3380, s28;
	v58 =	vld.idx.msk [tilespmem:v57+s5+$0x0], $0xffff  }
0x4bd: {  	v11 =	vadd.s32 $0x100, v11;
	s0 =	sor.u32 s29, s26  }
0x4be: {  	[tilespmem:s0+$0x0] =	vst v12  }
0x4bf: {  	v9 =	vld.idx.msk [tilespmem:v9+s5+$0x0], $0xffff  }
0x4c0: {  	s1 =	sor.u32 s19, s26  }
0x4c1: {  	[tilespmem:s1+$0x0] =	vst v58  }
0x4c2: {  	s9 =	sor.u32 $0x4380, s28;
	v11 =	vld.idx.msk [tilespmem:v11+s5+$0x0], $0xffff  }
0x4c3: {  	s10 =	sor.u32 s29, s9  }
0x4c4: {  	[tilespmem:s10+$0x0] =	vst v9  }
0x4c5: {  	v9 =	vld [tilespmem:s2+$0x400]  }
0x4c6: {  	s1 =	sor.u32 s19, s9  }
0x4c7: {  	[tilespmem:s1+$0x0] =	vst v11  }
0x4c8: {  	v11 =	vld [tilespmem:s14+$0x400];
	_ =	sdelay $0x1  }
0x4c9: {  	v59 =	vadd.s32 $0x80, v5;
	_ =	sdelay $0x1  }
0x4ca: {  	v61 =	vld.idx.msk [tilespmem:v7+s5+$0x0], $0xffff  }
0x4cb: {  	v16 =	vadd.s32 $0x80, v7;
	v60 =	vld.idx.msk [tilespmem:v9+s5+$0x0], $0xffff  }
0x4cc: {  	[tilespmem:s13+$0x2400] =	vst v10;
	v62 =	vadd.s32 $0x80, v9  }
0x4cd: {  	v12 =	vld.idx.msk [tilespmem:v59+s5+$0x0], $0xffff  }
0x4ce: {  	v18 =	vadd.s32 $0x100, v5;
	v17 =	vld.idx.msk [tilespmem:v11+s5+$0x0], $0xffff  }
0x4cf: {  	[tilespmem:s11+$0x2400] =	vst v61;
	v63 =	vadd.s32 $0x80, v11  }
0x4d0: {  	s12 =	sadd.s32 $0x3400, s3;
	v14 =	vld.idx.msk [tilespmem:v16+s5+$0x0], $0xffff;
	[tilespmem:s2+$0x2400] =	vst v60  }
0x4d1: {  	v19 =	vadd.s32 $0x100, v7;
	s15 =	sor.u32 s16, s12;
	v13 =	vld.idx.msk [tilespmem:v62+s5+$0x0], $0xffff  }
0x4d2: {  	[tilespmem:s15+$0x0] =	vst v12;
	v9 =	vadd.s32 $0x100, v9  }
0x4d3: {  	v5 =	vld.idx.msk [tilespmem:v18+s5+$0x0], $0xffff;
	[tilespmem:s14+$0x2400] =	vst v17  }
0x4d4: {  	s17 =	sadd.s32 $0x3400, s28;
	s1 =	sor.u32 s25, s12;
	v10 =	vld.idx.msk [tilespmem:v63+s5+$0x0], $0xffff  }
0x4d5: {  	s9 =	sor.u32 s29, s17;
	[tilespmem:s1+$0x0] =	vst v14;
	v11 =	vadd.s32 $0x100, v11  }
0x4d6: {  	s23 =	sadd.s32 $0x4400, s3;
	v7 =	vld.idx.msk [tilespmem:v19+s5+$0x0], $0xffff;
	[tilespmem:s9+$0x0] =	vst v13  }
0x4d7: {  	s24 =	sor.u32 s16, s23;
	v9 =	vld.idx.msk [tilespmem:v9+s5+$0x0], $0xffff  }
0x4d8: {  	s21 =	sor.u32 s19, s17;
	[tilespmem:s24+$0x0] =	vst v5  }
0x4d9: {  	v5 =	vld [tilespmem:s13+$0x480];
	[tilespmem:s21+$0x0] =	vst v10  }
0x4da: {  	s26 =	sadd.s32 $0x4400, s28;
	s1 =	sor.u32 s25, s23;
	v10 =	vld.idx.msk [tilespmem:v11+s5+$0x0], $0xffff  }
0x4db: {  	s0 =	sor.u32 s29, s26;
	[tilespmem:s1+$0x0] =	vst v7  }
0x4dc: {  	v21 =	vld [tilespmem:s11+$0x480];
	[tilespmem:s0+$0x0] =	vst v9  }
0x4dd: {  	v20 =	vld [tilespmem:s2+$0x480]  }
0x4de: {  	s10 =	sor.u32 s19, s26  }
0x4df: {  	[tilespmem:s10+$0x0] =	vst v10  }
0x4e0: {  	v10 =	vld [tilespmem:s14+$0x480]  }
0x4e1: {  	v22 =	vld.idx.msk [tilespmem:v5+s5+$0x0], $0xffff  }
0x4e2: {  	v23 =	vadd.s32 $0x80, v5;
	_ =	sdelay $0x1  }
0x4e3: {  	v14 =	vld.idx.msk [tilespmem:v21+s5+$0x0], $0xffff  }
0x4e4: {  	v25 =	vadd.s32 $0x80, v21;
	v13 =	vld.idx.msk [tilespmem:v20+s5+$0x0], $0xffff  }
0x4e5: {  	[tilespmem:s13+$0x2480] =	vst v22;
	v24 =	vadd.s32 $0x80, v20  }
0x4e6: {  	v12 =	vld.idx.msk [tilespmem:v23+s5+$0x0], $0xffff  }
0x4e7: {  	v5 =	vadd.s32 $0x100, v5;
	v17 =	vld.idx.msk [tilespmem:v10+s5+$0x0], $0xffff  }
0x4e8: {  	[tilespmem:s11+$0x2480] =	vst v14;
	v26 =	vadd.s32 $0x80, v10  }
0x4e9: {  	s11 =	sadd.s32 $0x3480, s3;
	v14 =	vld.idx.msk [tilespmem:v25+s5+$0x0], $0xffff;
	[tilespmem:s2+$0x2480] =	vst v13  }
0x4ea: {  	s13 =	sor.u32 s16, s11;
	v13 =	vld.idx.msk [tilespmem:v24+s5+$0x0], $0xffff  }
0x4eb: {  	v8 =	vld.idx.msk [tilespmem:v8+s5+$0x0], $0xffff;
	[tilespmem:s13+$0x0] =	vst v12  }
0x4ec: {  	v5 =	vld.idx.msk [tilespmem:v5+s5+$0x0], $0xffff;
	[tilespmem:s14+$0x2480] =	vst v17  }
0x4ed: {  	[tilespmem:s31+$0x0] =	vst v6;
	s1 =	sor.u32 s25, s11;
	v7 =	vadd.s32 $0x100, v20;
	s14 =	sadd.s32 $0x3480, s28;
	v11 =	vld.idx.msk [tilespmem:v26+s5+$0x0], $0xffff  }
0x4ee: {  	v4 =	vld.idx.msk [tilespmem:v4+s5+$0x0], $0xffff;
	s9 =	sadd.s32 $0x3500, s6;
	v9 =	vadd.s32 $0x100, v21;
	s2 =	rddreg [dreg:$0x18];
	s15 =	sor.u32 s29, s14;
	[tilespmem:s1+$0x0] =	vst v14  }
0x4ef: {  	s24 =	sadd.s32 $0x4480, s3;
	s12 =	sor.u32 s20, s9;
	v10 =	vadd.s32 $0x100, v10;
	[tilespmem:s15+$0x0] =	vst v13  }
0x4f0: {  	v3 =	vadd.s32 $0x100, v3;
	s26 =	sor.u32 s16, s24;
	s10 =	sadd.s32 $0x1, s2;
	s13 =	rddreg [dreg:$0x4];
	[tilespmem:s12+$0x0] =	vst v8  }
0x4f1: {  	s21 =	sor.u32 s19, s14;
	s17 =	sand.u32 $0x3, s10;
	[tilespmem:s26+$0x0] =	vst v5  }
0x4f2: {  	s18 =	smov.u32 s3;
	v27 =	vld.idx.msk [tilespmem:v7+s5+$0x0], $0xffff;
	s23 =	sadd.s32 $0x1, s10;
	s11 =	sshll.u32 s17, $0x5;
	[tilespmem:s21+$0x0] =	vst v11  }
0x4f3: {  	v28 =	vld.idx.msk [tilespmem:v9+s5+$0x0], $0xffff;
	s4 =	sand.u32 $0x3, s23;
	s11 =	sadd.s32 s11, s13;
	s0 =	rddreg [dreg:$0x19];
	[tilespmem:s8+$0x0] =	vst v4  }
0x4f4: {  	s4 =	sshll.u32 s4, $0x5;
	s1 =	sadd.s32 $0x10, s11;
	v29 =	vld.idx.msk [tilespmem:v10+s5+$0x0], $0xffff;
	s17 =	sld [smem:$0x7E7]  }
0x4f5: {  	s31 =	sadd.s32 $0x4480, s28;
	v3 =	vld.idx.msk [tilespmem:v3+s5+$0x0], $0xffff;
	s12 =	sor.u32 $0x300, s1;
	s3 =	sadd.s32 s4, s0  }
0x4f6: {  	s8 =	sor.u32 s29, s31;
	v30 =	vld [tilespmem:s12+$0x200];
	s4 =	sadd.s32 $0x10, s3  }
0x4f7: {  	s15 =	smov.u32 s6;
	s10 =	sor.u32 s25, s24;
	[tilespmem:s8+$0x0] =	vst v27;
	s21 =	sor.u32 $0x300, s4;
	v31 =	vld [tilespmem:s17+$0x200]  }
0x4f8: {  	s24 =	sadd.s32 $0x4500, s15;
	s23 =	sor.u32 s19, s31;
	s11 =	sor.u32 $0x300, s11;
	[tilespmem:s10+$0x0] =	vst v28;
	v6 =	vld [tilespmem:s21+$0x200]  }
0x4f9: {  	s26 =	sor.u32 s20, s24;
	v7 =	vld [tilespmem:s11+$0x200];
	s6 =	sor.u32 $0x300, s3;
	[tilespmem:s23+$0x0] =	vst v29  }
0x4fa: {  	[tilespmem:s26+$0x0] =	vst v3;
	v8 =	vld [tilespmem:s6+$0x200]  }
0x4fb: {  	s7 =	smov.u32 s28;
	s28 =	rddreg [dreg:$0x1d]  }
0x4fc: {  	s31 =	sor.u32 $0x380, s28  }
0x4fd: {  	v3 =	vld [tilespmem:s31+$0x200]  }
0x4fe: {  	v32 =	vld.idx.msk [tilespmem:v30+s5+$0x0], $0xffff  }
0x4ff: {  	v34 =	vadd.s32 $0x80, v30;
	v33 =	vld.idx.msk [tilespmem:v31+s5+$0x0], $0xffff  }
0x500: {  	v35 =	vadd.s32 $0x80, v31;
	v13 =	vld.idx.msk [tilespmem:v6+s5+$0x0], $0xffff  }
0x501: {  	v36 =	vadd.s32 $0x80, v6;
	v14 =	vld.idx.msk [tilespmem:v7+s5+$0x0], $0xffff  }
0x502: {  	v37 =	vadd.s32 $0x80, v7;
	v17 =	vld.idx.msk [tilespmem:v8+s5+$0x0], $0xffff  }
0x503: {  	[tilespmem:s12+$0x2200] =	vst v32  }
0x504: {  	v38 =	vadd.s32 $0x80, v8;
	v39 =	vld.idx.msk [tilespmem:v34+s5+$0x0], $0xffff;
	[tilespmem:s17+$0x2200] =	vst v33  }
0x505: {  	v4 =	vadd.s32 $0x100, v30;
	[tilespmem:s21+$0x2200] =	vst v13;
	v40 =	vld.idx.msk [tilespmem:v35+s5+$0x0], $0xffff  }
0x506: {  	v5 =	vadd.s32 $0x100, v31;
	[tilespmem:s11+$0x2200] =	vst v14;
	v41 =	vld.idx.msk [tilespmem:v36+s5+$0x0], $0xffff  }
0x507: {  	s0 =	sadd.s32 $0x3500, s18;
	v6 =	vadd.s32 $0x100, v6;
	v42 =	vld.idx.msk [tilespmem:v37+s5+$0x0], $0xffff;
	[tilespmem:s6+$0x2200] =	vst v17  }
0x508: {  	s2 =	sor.u32 s16, s0;
	v7 =	vadd.s32 $0x100, v7;
	v43 =	vld.idx.msk [tilespmem:v3+s5+$0x0], $0xffff;
	s28 =	rddreg [dreg:$0xc]  }
0x509: {  	s3 =	sadd.s32 $0x3500, s7;
	v9 =	vld.idx.msk [tilespmem:v38+s5+$0x0], $0xffff;
	[tilespmem:s2+$0x0] =	vst v39;
	s9 =	sor.u32 s28, s9  }
0x50a: {  	v8 =	vadd.s32 $0x100, v8;
	s11 =	sor.u32 s29, s3;
	v4 =	vld.idx.msk [tilespmem:v4+s5+$0x0], $0xffff;
	[tilespmem:s9+$0x0] =	vst v40  }
0x50b: {  	s8 =	sor.u32 s25, s0;
	v44 =	vadd.s32 $0x80, v3;
	[tilespmem:s11+$0x0] =	vst v41;
	v5 =	vld.idx.msk [tilespmem:v5+s5+$0x0], $0xffff  }
0x50c: {  	[tilespmem:s8+$0x0] =	vst v42;
	v6 =	vld.idx.msk [tilespmem:v6+s5+$0x0], $0xffff  }
0x50d: {  	s12 =	sadd.s32 $0x4500, s18;
	s6 =	sor.u32 s19, s3;
	[tilespmem:s31+$0x2200] =	vst v43;
	v7 =	vld.idx.msk [tilespmem:v7+s5+$0x0], $0xffff  }
0x50e: {  	s13 =	sor.u32 s16, s12;
	[tilespmem:s6+$0x0] =	vst v9  }
0x50f: {  	s17 =	sadd.s32 $0x4500, s7;
	s14 =	sor.u32 s28, s24;
	v8 =	vld.idx.msk [tilespmem:v8+s5+$0x0], $0xffff;
	[tilespmem:s13+$0x0] =	vst v4  }
0x510: {  	s1 =	sor.u32 $0x380, s1;
	s21 =	sor.u32 s29, s17;
	v45 =	vld.idx.msk [tilespmem:v44+s5+$0x0], $0xffff;
	[tilespmem:s14+$0x0] =	vst v5  }
0x511: {  	s4 =	sor.u32 $0x380, s4;
	s6 =	sor.u32 s25, s12;
	v4 =	vld [tilespmem:s1+$0x200];
	[tilespmem:s21+$0x0] =	vst v6  }
0x512: {  	s23 =	rddreg [dreg:$0x16];
	[tilespmem:s6+$0x0] =	vst v7;
	v6 =	vld [tilespmem:s4+$0x200]  }
0x513: {  	v3 =	vadd.s32 $0x100, v3;
	s24 =	sor.u32 s19, s17;
	v5 =	vld [tilespmem:s23+$0x200];
	s3 =	rddreg [dreg:$0x14]  }
0x514: {  	[tilespmem:s24+$0x0] =	vst v8;
	v7 =	vld [tilespmem:s3+$0x200]  }
0x515: {  	s26 =	sadd.s32 $0x3580, s15;
	v8 =	vld [tilespmem:s30+$0x200]  }
0x516: {  	s31 =	sor.u32 s20, s26  }
0x517: {  	[tilespmem:s31+$0x0] =	vst v45  }
0x518: {  	v3 =	vld.idx.msk [tilespmem:v3+s5+$0x0], $0xffff  }
0x519: {  	v46 =	vld.idx.msk [tilespmem:v4+s5+$0x0], $0xffff  }
0x51a: {  	v50 =	vld.idx.msk [tilespmem:v6+s5+$0x0], $0xffff  }
0x51b: {  	s0 =	sadd.s32 $0x4580, s15;
	v48 =	vadd.s32 $0x80, v4;
	s9 =	rddreg [dreg:$0xa];
	v47 =	vld.idx.msk [tilespmem:v5+s5+$0x0], $0xffff  }
0x51c: {  	s11 =	sor.u32 s20, s0;
	[tilespmem:s9+$0x2200] =	vst v2;
	v52 =	vadd.s32 $0x80, v6;
	v51 =	vld.idx.msk [tilespmem:v7+s5+$0x0], $0xffff  }
0x51d: {  	v49 =	vadd.s32 $0x80, v5;
	[tilespmem:s11+$0x0] =	vst v3;
	v54 =	vld.idx.msk [tilespmem:v8+s5+$0x0], $0xffff  }
0x51e: {  	v53 =	vadd.s32 $0x80, v7;
	[tilespmem:s1+$0x2200] =	vst v46  }
0x51f: {  	v1 =	vld.idx.msk [tilespmem:v1+s5+$0x0], $0xffff;
	v55 =	vadd.s32 $0x80, v8;
	[tilespmem:s4+$0x2200] =	vst v50  }
0x520: {  	v56 =	vld.idx.msk [tilespmem:v48+s5+$0x0], $0xffff;
	[tilespmem:s23+$0x2200] =	vst v47  }
0x521: {  	v4 =	vadd.s32 $0x100, v4;
	v59 =	vld.idx.msk [tilespmem:v52+s5+$0x0], $0xffff;
	[tilespmem:s3+$0x2200] =	vst v51  }
0x522: {  	v6 =	vadd.s32 $0x100, v6;
	v57 =	vld.idx.msk [tilespmem:v49+s5+$0x0], $0xffff;
	[tilespmem:s30+$0x2200] =	vst v54  }
0x523: {  	s12 =	sadd.s32 $0x3580, s18;
	v58 =	vadd.s32 $0x100, v5;
	v3 =	vld.idx.msk [tilespmem:v53+s5+$0x0], $0xffff;
	s2 =	rddreg [dreg:$0xf]  }
0x524: {  	s13 =	sor.u32 s16, s12;
	s14 =	sadd.s32 $0x3580, s7;
	v60 =	vadd.s32 $0x100, v7;
	v61 =	vld.idx.msk [tilespmem:v55+s5+$0x0], $0xffff;
	[tilespmem:s2+$0x0] =	vst v1  }
0x525: {  	s15 =	sor.u32 s29, s14;
	v8 =	vadd.s32 $0x100, v8;
	[tilespmem:s13+$0x0] =	vst v56;
	v0 =	vld.idx.msk [tilespmem:v0+s5+$0x0], $0xffff  }
0x526: {  	s6 =	sor.u32 s28, s26;
	v4 =	vld.idx.msk [tilespmem:v4+s5+$0x0], $0xffff;
	[tilespmem:s15+$0x0] =	vst v59  }
0x527: {  	s1 =	sor.u32 s25, s12;
	[tilespmem:s6+$0x0] =	vst v57;
	v62 =	vld.idx.msk [tilespmem:v6+s5+$0x0], $0xffff  }
0x528: {  	s17 =	sor.u32 s19, s14;
	v2 =	vld.idx.msk [tilespmem:v58+s5+$0x0], $0xffff;
	[tilespmem:s1+$0x0] =	vst v3  }
0x529: {  	s18 =	sadd.s32 $0x4580, s18;
	[tilespmem:s17+$0x0] =	vst v61;
	v1 =	vld.idx.msk [tilespmem:v60+s5+$0x0], $0xffff  }
0x52a: {  	s20 =	sor.u32 s16, s18;
	v63 =	vld.idx.msk [tilespmem:v8+s5+$0x0], $0xffff;
	[tilespmem:s22+$0x0] =	vst v0;
	s22 =	sadd.s32 $0x4580, s7  }
0x52b: {  	[tilespmem:s20+$0x0] =	vst v4;
	s23 =	sor.u32 s29, s22  }
0x52c: {  	s21 =	sor.u32 s28, s0;
	[tilespmem:s23+$0x0] =	vst v62  }
0x52d: {  	s1 =	sor.u32 s25, s18;
	[tilespmem:s21+$0x0] =	vst v2  }
0x52e: {  	s0 =	sor.u32 s19, s22;
	[tilespmem:s1+$0x0] =	vst v1  }
0x52f: {  	[tilespmem:s0+$0x0] =	vst v63  }
0x530: {  	s0 =	sld [smem:$0x7FC]  }
0x531: {  	s26 =	simm.s32 $0x2200  }
0x532: {  	s28 =	simm.s32 $0x4;
	s24 =	simm.s32 $0x1000;
	s25 =	simm.s32 $0x320000  }
0x533: {  	[hbm4b:s0+s24] =	stream.strided.scatter [tilespmem:s26], [sflag:$0x3], $0x3000, s25, s24, $0x38;
	[tilespmem:$0x8200] =	vst v63  }
0x534: {  	_ =	swait.ge [sflag:s28], $0x3000  }
0x535: {  	[sflag:s28] =	ssyncset.done $0x0  }
0x536: {  	s29 =	simm.s32 $0x3;
	[sflag:s28] =	ssyncadd.s32 $0xFFFFD000  }
0x537: {  	_ =	swait.ge [sflag:s29], $0x3000  }
0x538: {  	s30 =	sld [smem:$0x7F8]  }
0x539: {  	s31 =	sld [smem:$0x7FD];
	_ =	sdelay $0x1  }
0x53a: {  	s2 =	sadd.s32 $0x1, s30  }
0x53b: {  	p0 =	sne.s32 s2, s31  }
.Ltmp4:
0x53c: {  	_ = 	snop;
	(pc) =	sbr.rel @p0 .LBB2_1-.Ltmp4, $3  }
0x53d: {  	_ =	sdelay $0x1  }
0x53e: {  	[sflag:s29] =	ssyncset.done $0x0  }
0x53f: {  	[sflag:s29] =	ssyncadd.s32 $0xFFFFD000  }
0x540: {  	_ =	sfence.sel $0x180000  }
0x541: {  	[bflag:$0x0] =	sbarrier.arrive $0xFFFF  }
0x542: {  	_ =	strace $0x90000047  }
0x543: {  	s0 =	stileid.u32;
	[bflag:$0x2] =	sbarrier.arrive $0xFFFF  }
0x544: {  	p0 =	sne.s32 s0, $0x0;
	s0 =	rddreg [dreg:$0x3]  }
0x545: {  	s0 =	sadd.s32 @!p0 $0x100000, s0  }
0x546: {  	[sflag:s0] =	ssyncadd.tile.s32 @!p0 $0x1;
	_ =	shalt  }
.Lfunc_end2:
_tile_overlayer_lowered:
.L_overlay_start_2:
0x547: {  	(tag) =	ssettag $0x2  }
0x548: {  	s0 =	rddreg [dreg:$0x0];
	s2 =	stileid.u32  }
0x549: {  	s1 =	rddreg [dreg:$0x1];
	p0 =	sne.s32 s2, $0x0  }
0x54a: {  	s3 =	rddreg [dreg:$0x2];
	[bflag:$0x3] =	sbarrier.arrive $0xFFFF;
	s2 =	simm.s32 @!p0 $0x1C05  }
0x54b: {  	[timem:s3], [sflag:s2] =	dma.local @!p0 [hbm:s0], s1  }
0x54c: {  	s0 =	simm.s32 @!p0 $0x5  }
0x54d: {  	_ =	swait.ge @!p0 [sflag:s0], s1  }
0x54e: {  	s1 =	ssub.s32 @!p0 $0x0, s1;
	[sflag:s0] =	ssyncset.done @!p0 $0x0  }
0x54f: {  	[sflag:s0] =	ssyncadd.s32 @!p0 s1  }
0x550: {  	[bflag:$0x3] =	sbarrier.arrive $0xFFFF  }
0x551: {  	_ =	shalt  }

</sc_bundles>
